<compile_context>
chip_gen: v7x
topology: tpu7x:2x2x1
jax: 0.10.2.dev20260603
libtpu: 0.0.44.dev20260713+nightly
codegen_flags: <defaults>
</compile_context>

<pallas_src>
import functools

import numpy as np
import jax
import jax.numpy as jnp
from jax import lax
from jax.experimental import pallas as pl
from jax.experimental.pallas import tpu as pltpu
from jax.experimental.pallas import tpu_sc as plsc

_B, _N, _C = 8, 8192, 16
_S, _NS = 1024, 32
_R2 = np.float32(np.float64(0.2) ** 2)
_NW = 32
_CPT = _B * _S // _NW
_RPT = _CPT * _NS
_DA = 11
_DB = 8
_CA = _DA - 3
_RCHUNK = 512
_K = 16



def _fps_body(xt_ref, nxt_ref, dists_ref):
    x = xt_ref[0]
    y = xt_ref[1]
    z = xt_ref[2]
    lane = lax.broadcasted_iota(jnp.int32, (_B, _N), 1)
    lane_s = lax.broadcasted_iota(jnp.int32, (_B, _S), 1)
    nxt_ref[...] = jnp.zeros((3, _B, _S), jnp.float32)
    dists_ref[...] = jnp.full((_B, _N), 1e10, jnp.float32)

    def body(i, far):
        sel = lane == far
        cx = jnp.max(jnp.where(sel, x, -1.0), axis=1, keepdims=True)
        cy = jnp.max(jnp.where(sel, y, -1.0), axis=1, keepdims=True)
        cz = jnp.max(jnp.where(sel, z, -1.0), axis=1, keepdims=True)
        hit = lane_s == i
        nxt_ref[0] = jnp.where(hit, cx, nxt_ref[0])
        nxt_ref[1] = jnp.where(hit, cy, nxt_ref[1])
        nxt_ref[2] = jnp.where(hit, cz, nxt_ref[2])
        dx = x - cx
        dy = y - cy
        dz = z - cz
        d = dx * dx + dy * dy + dz * dz
        dn = jnp.minimum(dists_ref[...], d)
        dists_ref[...] = dn
        m = jnp.max(dn, axis=1, keepdims=True)
        return jnp.min(jnp.where(dn == m, lane, _N), axis=1, keepdims=True)

    lax.fori_loop(0, _S, body, jnp.zeros((_B, 1), jnp.int32), unroll=2)


_fps = pl.pallas_call(
    _fps_body,
    out_shape=jax.ShapeDtypeStruct((3, _B, _S), jnp.float32),
    scratch_shapes=[pltpu.VMEM((_B, _N), jnp.float32)],
)



def _group_body(xt_hbm, nxt_hbm, feat_hbm, ga_hbm, gb_hbm, xv, cv, fv, ov, oa, ob):
    wid = lax.axis_index("s") * 2 + lax.axis_index("c")
    b = wid // 4
    q = wid - b * 4
    pltpu.sync_copy(xt_hbm.at[:, b, :], xv)
    pltpu.sync_copy(nxt_hbm.at[:, b, pl.ds(q * _CPT, _CPT)], cv)
    iota16 = lax.iota(jnp.int32, 16)

    def group(g, carry):
        c0 = g * 16
        cx = cv[0, pl.ds(c0, 16)]
        cy = cv[1, pl.ds(c0, 16)]
        cz = cv[2, pl.ds(c0, 16)]
        obase = (c0 + iota16) * _NS

        def scan_body(blk, cnt):
            p = blk * _K
            px16 = xv[0, pl.ds(p, _K)]
            py16 = xv[1, pl.ds(p, _K)]
            pz16 = xv[2, pl.ds(p, _K)]
            for k in range(_K):
                dx = jnp.full((16,), px16[k]) - cx
                dy = jnp.full((16,), py16[k]) - cy
                dz = jnp.full((16,), pz16[k]) - cz
                dd = dx * dx + dy * dy + dz * dz
                hit = jnp.logical_and(dd < _R2, cnt < _NS)
                plsc.store_scatter(ov, [obase + cnt],
                                   jnp.full((16,), p + k, jnp.int32),
                                   mask=hit)
                cnt = cnt + hit.astype(jnp.int32)
            return cnt

        cnt = lax.fori_loop(0, _N // _K, scan_body,
                            jnp.zeros((16,), jnp.int32))
        first = plsc.load_gather(ov, [obase])
        for j in range(1, _NS):
            plsc.store_scatter(ov, [obase + j], first, mask=cnt <= j)
        return carry

    lax.fori_loop(0, _CPT // 16, group, 0)

    def splat(v):
        return jnp.full((16,), v, jnp.int32)

    def assemble(half, fch0, nch, oc, oc_hbm, dw, xyz_part):
        pltpu.sync_copy(feat_hbm.at[b, pl.ds(fch0, nch), :], fv.at[pl.ds(0, nch)])

        def chunk(c, carry):
            r0 = c * _RCHUNK

            def blk(i, carry2):
                rb = i * 16
                idx16 = ov[pl.ds(r0 + rb, 16)]
                s = (r0 + rb) // _NS
                ch = 0
                if xyz_part:
                    for cc in range(3):
                        v = (plsc.load_gather(xv, [splat(cc), idx16])
                             - plsc.load_gather(cv, [splat(cc), splat(s)]))
                        oc[ch, pl.ds(rb, 16)] = v
                        ch += 1
                for cc in range(nch):
                    v = plsc.load_gather(fv, [splat(cc), idx16])
                    oc[ch, pl.ds(rb, 16)] = v
                    ch += 1
                return carry2

            lax.fori_loop(0, _RCHUNK // 16, blk, 0)
            for cc in range(dw):
                pltpu.sync_copy(
                    oc.at[pl.ds(cc, 1)],
                    oc_hbm.at[pl.ds(cc, 1), pl.ds(wid * _RPT + r0, _RCHUNK)])
            return carry

        lax.fori_loop(0, _RPT // _RCHUNK, chunk, 0)

    assemble(0, 0, _CA, oa, ga_hbm, _DA, True)
    assemble(1, _CA, _C - _CA, ob, gb_hbm, _DB, False)


@functools.cache
def _sc_group_kernel():
    mesh = plsc.VectorSubcoreMesh(core_axis_name="c", subcore_axis_name="s")
    return functools.partial(
        pl.kernel,
        mesh=mesh,
        compiler_params=pltpu.CompilerParams(needs_layout_passes=False),
        out_type=[
            jax.ShapeDtypeStruct((_DA, _B * _S * _NS), jnp.float32),
            jax.ShapeDtypeStruct((_DB, _B * _S * _NS), jnp.float32),
        ],
        scratch_types=[
            pltpu.VMEM((3, _N), jnp.float32),
            pltpu.VMEM((3, _CPT), jnp.float32),
            pltpu.VMEM((_CA, _N), jnp.float32),
            pltpu.VMEM((_RPT,), jnp.int32),
            pltpu.VMEM((_DA, _RCHUNK), jnp.float32),
            pltpu.VMEM((_DB, _RCHUNK), jnp.float32),
        ],
    )(_group_body)



def _dot_l(w, x):
    return lax.dot_general(w, x, (((1,), (0,)), ((), ())),
                           preferred_element_type=jnp.float32,
                           precision=lax.Precision.HIGHEST)


def _mlp_body(ga_ref, gb_ref, nxt_ref, w0a_ref, w0b_ref, b0_ref, w1_ref,
              b1_ref, w2_ref, b2_ref, feat_ref, nxout_ref):
    blk = _S // 4
    xa = ga_ref[...]
    xb = gb_ref[...]
    h = _dot_l(w0a_ref[...], xa) + _dot_l(w0b_ref[...], xb)
    h = jnp.maximum(h + b0_ref[...], 0.0)
    h = jnp.maximum(_dot_l(w1_ref[...], h) + b1_ref[...], 0.0)
    h = jnp.maximum(_dot_l(w2_ref[...], h) + b2_ref[...], 0.0)
    m = jnp.max(jnp.reshape(h, (64, blk, _NS)), axis=2)
    feat_ref[0] = m
    nxout_ref[0] = nxt_ref[0].T


_mlp_in_specs = [
    pl.BlockSpec((_DA, _S // 4 * _NS), lambda b, q: (0, b * 4 + q)),
    pl.BlockSpec((_DB, _S // 4 * _NS), lambda b, q: (0, b * 4 + q)),
    pl.BlockSpec((1, 3, _S // 4), lambda b, q: (b, 0, q)),
    pl.BlockSpec((32, _DA), lambda b, q: (0, 0)),
    pl.BlockSpec((32, _DB), lambda b, q: (0, 0)),
    pl.BlockSpec((32, 1), lambda b, q: (0, 0)),
    pl.BlockSpec((32, 32), lambda b, q: (0, 0)),
    pl.BlockSpec((32, 1), lambda b, q: (0, 0)),
    pl.BlockSpec((64, 32), lambda b, q: (0, 0)),
    pl.BlockSpec((64, 1), lambda b, q: (0, 0)),
]
_mlp_out_specs = [
    pl.BlockSpec((1, 64, _S // 4), lambda b, q: (b, 0, q)),
    pl.BlockSpec((1, _S // 4, 3), lambda b, q: (b, q, 0)),
]
_mlp = pl.pallas_call(
    _mlp_body,
    grid=(_B, 4),
    in_specs=_mlp_in_specs,
    out_specs=_mlp_out_specs,
    out_shape=[
        jax.ShapeDtypeStruct((_B, 64, _S), jnp.float32),
        jax.ShapeDtypeStruct((_B, _S, 3), jnp.float32),
    ],
)


def kernel(xyz, features, W0, b0, W1, b1, W2, b2):
    grp = _sc_group_kernel()
    xt = jnp.transpose(xyz, (2, 0, 1))
    nxt = _fps(xt)
    ga, gb = grp(xt, nxt, features)
    feat, nxout = _mlp(ga, gb, jnp.transpose(nxt, (1, 0, 2)),
                       W0[:, :_DA], W0[:, _DA:], b0.reshape(32, 1),
                       W1, b1.reshape(32, 1), W2, b2.reshape(64, 1))
    return nxout, feat

# --- scband reference (transcript-rebuilt; emitter-appended) ---
"""Pipeline reference for scband-pointnet-samodule-base-37503654428685 (READ-ONLY COPY).

The authoritative reference and input builder live on the scoring server;
editing this copy changes nothing except your own understanding.
"""

import jax, jax.numpy as jnp
import numpy as np

B, N, C = 8, 8192, 16
NPOINT, NSAMPLE = 1024, 32
RADIUS = 0.2
MLP = [C + 3, 32, 32, 64]


def setup_inputs(seed: int = 0) -> dict:
    key = jax.random.key(seed)
    ks = jax.random.split(key, 2 + 2 * (len(MLP) - 1))
    xyz = jax.random.uniform(ks[0], (B, N, 3), dtype=jnp.float32)
    features = jax.random.normal(ks[1], (B, C, N), dtype=jnp.float32)
    inp = {"xyz": xyz, "features": features}
    for i in range(len(MLP) - 1):
        inp[f"W{i}"] = jax.random.normal(ks[2 + 2 * i], (MLP[i + 1], MLP[i]), dtype=jnp.float32) * (1.0 / np.sqrt(MLP[i]))
        inp[f"b{i}"] = jnp.zeros((MLP[i + 1],), dtype=jnp.float32)
    return inp


def fps(xyz, npoint):
    b, n, _ = xyz.shape
    def body(i, state):
        idxs, dists, far = state
        idxs = idxs.at[:, i].set(far)
        centroid = xyz[jnp.arange(b), far][:, None, :]  # (B,1,3)
        d = jnp.sum((xyz - centroid) ** 2, axis=-1)  # (B,N)
        dists = jnp.minimum(dists, d)
        far = jnp.argmax(dists, axis=-1).astype(jnp.int32)
        return (idxs, dists, far)
    idxs = jnp.zeros((b, npoint), dtype=jnp.int32)
    dists = jnp.full((b, n), 1e10, dtype=jnp.float32)
    far = jnp.zeros((b,), dtype=jnp.int32)
    idxs, _, _ = jax.lax.fori_loop(0, npoint, body, (idxs, dists, far))
    return idxs


def ball_query(xyz, new_xyz, radius, nsample):
    n = xyz.shape[1]
    d = jnp.sum((new_xyz[:, :, None, :] - xyz[:, None, :, :]) ** 2, axis=-1)  # (B,S,N)
    keyed = jnp.where(d < radius ** 2, jnp.arange(n, dtype=jnp.int32)[None, None, :], n)
    # first `nsample` in-radius indices in ascending index order (CUDA ball_query semantics)
    neg_vals, _ = jax.lax.top_k(-keyed, nsample)
    idx = -neg_vals
    first = idx[..., :1]
    idx = jnp.where(idx == n, first, idx)
    idx = jnp.where(idx == n, 0, idx)
    return idx  # (B,S,nsample)


def gather_points(points, idx):
    # points (B,N,D), idx (B,...) -> (B,...,D)
    return jax.vmap(lambda p, i: p[i])(points, idx)


def reference(xyz, features, W0, b0, W1, b1, W2, b2):
    fps_idx = fps(xyz, NPOINT)
    new_xyz = gather_points(xyz, fps_idx)  # (B,NPOINT,3)
    idx = ball_query(xyz, new_xyz, RADIUS, NSAMPLE)  # (B,NPOINT,NSAMPLE)
    grouped_xyz = gather_points(xyz, idx) - new_xyz[:, :, None, :]  # (B,S,ns,3)
    feats_t = jnp.transpose(features, (0, 2, 1))  # (B,N,C)
    grouped_feats = gather_points(feats_t, idx)  # (B,S,ns,C)
    h = jnp.concatenate([grouped_xyz, grouped_feats], axis=-1)  # (B,S,ns,3+C)
    for W, b in ((W0, b0), (W1, b1), (W2, b2)):
        h = jax.nn.relu(jnp.einsum('bsnc,oc->bsno', h, W) + b)
    new_features = jnp.max(h, axis=2)  # max_pool over nsample -> (B,S,64)
    return new_xyz, jnp.transpose(new_features, (0, 2, 1))  # (B,S,3), (B,64,S)

if __name__ == "__main__":
    import jax
    _d = setup_inputs()
    print(jax.jit(kernel)(*tuple(_d.values())))

</pallas_src>

<mosaic_0001>
#map = affine_map<(d0, d1) -> (0, 0, 0)>
#map1 = affine_map<(d0, d1) -> (0, 0)>
module attributes {stable_mosaic.version = 14 : i64} {
  func.func @_group_body(%arg0: i32, %arg1: i32, %arg2: memref<3x8x8192xf32, #tpu.memory_space<hbm>>, %arg3: memref<3x8x1024xf32, #tpu.memory_space<hbm>>, %arg4: memref<8x16x8192xf32, #tpu.memory_space<hbm>>, %arg5: memref<11x262144xf32, #tpu.memory_space<hbm>>, %arg6: memref<8x262144xf32, #tpu.memory_space<hbm>>, %arg7: memref<3x8192xf32, #tpu.memory_space<vmem>>, %arg8: memref<3x256xf32, #tpu.memory_space<vmem>>, %arg9: memref<8x8192xf32, #tpu.memory_space<vmem>>, %arg10: memref<8192xi32, #tpu.memory_space<vmem>>, %arg11: memref<11x512xf32, #tpu.memory_space<vmem>>, %arg12: memref<8x512xf32, #tpu.memory_space<vmem>>) attributes {dimension_semantics = [#tpu.dimension_semantics<core_parallel>, #tpu.dimension_semantics<subcore_parallel>], iteration_bounds = array<i64: 2, 16>, scalar_prefetch = 0 : i64, scratch_operands = 6 : i64, tpu.core_type = #tpu.core_type<sc_vector_subcore>, window_params = [{transform_indices = #map}, {transform_indices = #map}, {transform_indices = #map}, {transform_indices = #map1}, {transform_indices = #map1}]} {
    %mul3A = arith.constant 2 : i32
    %mul3A_0 = arith.muli %arg1, %mul3A : i32
    %add3A = arith.addi %mul3A_0, %arg0 : i32
    %jit3A = arith.constant 4 : i32
    %div3A = arith.divsi %add3A, %jit3A : i32
    %sign3A = arith.constant 0 : i32
    %sign3A_1 = arith.cmpi sgt, %add3A, %sign3A : i32
    %sign3A_2 = arith.extui %sign3A_1 : i1 to i32
    %sign3A_3 = arith.constant 0 : i32
    %sign3A_4 = arith.cmpi slt, %add3A, %sign3A_3 : i32
    %sign3A_5 = arith.extui %sign3A_4 : i1 to i32
    %sign3A_6 = arith.subi %sign3A_2, %sign3A_5 : i32
    %sign3A_7 = arith.constant 0 : i32
    %sign3A_8 = arith.cmpi sgt, %jit3A, %sign3A_7 : i32
    %sign3A_9 = arith.extui %sign3A_8 : i1 to i32
    %sign3A_10 = arith.constant 0 : i32
    %sign3A_11 = arith.cmpi slt, %jit3A, %sign3A_10 : i32
    %sign3A_12 = arith.extui %sign3A_11 : i1 to i32
    %sign3A_13 = arith.subi %sign3A_9, %sign3A_12 : i32
    %ne3A = arith.cmpi ne, %sign3A_6, %sign3A_13 : i32
    %rem3A = arith.remsi %add3A, %jit3A : i32
    %ne3A_14 = arith.constant 0 : i32
    %ne3A_15 = arith.cmpi ne, %rem3A, %ne3A_14 : i32
    %and3A = arith.andi %ne3A, %ne3A_15 : i1
    %sub3A = arith.constant 1 : i32
    %sub3A_16 = arith.subi %div3A, %sub3A : i32
    %select_n3A = arith.select %and3A, %sub3A_16, %div3A : i32
    %mul3A_17 = arith.constant 4 : i32
    %mul3A_18 = arith.muli %select_n3A, %mul3A_17 : i32
    %sub3A_19 = arith.subi %add3A, %mul3A_18 : i32
    "tpu.region"() ({
      %run_scoped3A = tpu.sem_alloc : memref<!tpu.dma_semaphore, #tpu.memory_space<semaphore_mem>>
      %dma_start3A = arith.constant 0 : i32
      %dma_start3A_39 = arith.constant 0 : i32
      %dma_start3A_40 = tpu.memref_slice %arg2[%dma_start3A, %select_n3A, %dma_start3A_39] : memref<3x8x8192xf32, #tpu.memory_space<hbm>> -> memref<3x1x8192xf32, #tpu.memory_space<hbm>>
      %dma_start3A_41 = tpu.memref_squeeze %dma_start3A_40 : memref<3x1x8192xf32, #tpu.memory_space<hbm>> -> memref<3x8192xf32, #tpu.memory_space<hbm>>
      %dma_start3A_42 = arith.constant 0 : i32
      %dma_start3A_43 = arith.constant 0 : i32
      %dma_start3A_44 = tpu.memref_slice %arg2[%dma_start3A_42, %select_n3A, %dma_start3A_43] : memref<3x8x8192xf32, #tpu.memory_space<hbm>> -> memref<3x1x8192xf32, #tpu.memory_space<hbm>>
      %dma_start3A_45 = tpu.memref_squeeze %dma_start3A_44 : memref<3x1x8192xf32, #tpu.memory_space<hbm>> -> memref<3x8192xf32, #tpu.memory_space<hbm>>
      tpu.enqueue_dma source(%dma_start3A_45 : memref<3x8192xf32, #tpu.memory_space<hbm>>) target(%arg7 : memref<3x8192xf32, #tpu.memory_space<vmem>>) target_semaphore(%run_scoped3A : memref<!tpu.dma_semaphore, #tpu.memory_space<semaphore_mem>>)
      %dma_wait3A = arith.constant 0 : i32
      %dma_wait3A_46 = arith.constant 0 : i32
      %dma_wait3A_47 = tpu.memref_slice %arg2[%dma_wait3A, %select_n3A, %dma_wait3A_46] : memref<3x8x8192xf32, #tpu.memory_space<hbm>> -> memref<3x1x8192xf32, #tpu.memory_space<hbm>>
      %dma_wait3A_48 = tpu.memref_squeeze %dma_wait3A_47 : memref<3x1x8192xf32, #tpu.memory_space<hbm>> -> memref<3x8192xf32, #tpu.memory_space<hbm>>
      %dma_wait3A_49 = arith.constant 0 : i32
      %dma_wait3A_50 = arith.constant 0 : i32
      %dma_wait3A_51 = tpu.memref_slice %arg2[%dma_wait3A_49, %select_n3A, %dma_wait3A_50] : memref<3x8x8192xf32, #tpu.memory_space<hbm>> -> memref<3x1x8192xf32, #tpu.memory_space<hbm>>
      %dma_wait3A_52 = tpu.memref_squeeze %dma_wait3A_51 : memref<3x1x8192xf32, #tpu.memory_space<hbm>> -> memref<3x8192xf32, #tpu.memory_space<hbm>>
      tpu.wait_dma2 semaphore(%run_scoped3A : memref<!tpu.dma_semaphore, #tpu.memory_space<semaphore_mem>>) src(%dma_wait3A_52 : memref<3x8192xf32, #tpu.memory_space<hbm>>) dst(%arg7 : memref<3x8192xf32, #tpu.memory_space<vmem>>)
      tpu.yield
    }) : () -> ()
    %mul3A_20 = arith.constant 256 : i32
    %mul3A_21 = arith.muli %sub3A_19, %mul3A_20 : i32
    "tpu.region"() ({
      %run_scoped3A = tpu.sem_alloc : memref<!tpu.dma_semaphore, #tpu.memory_space<semaphore_mem>>
      %dma_start3A = arith.constant 0 : i32
      %dma_start3A_39 = tpu.memref_slice %arg3[%dma_start3A, %select_n3A, %mul3A_21] : memref<3x8x1024xf32, #tpu.memory_space<hbm>> -> memref<3x1x256xf32, #tpu.memory_space<hbm>>
      %dma_start3A_40 = tpu.memref_squeeze %dma_start3A_39 : memref<3x1x256xf32, #tpu.memory_space<hbm>> -> memref<3x256xf32, #tpu.memory_space<hbm>>
      %dma_start3A_41 = arith.constant 0 : i32
      %dma_start3A_42 = tpu.memref_slice %arg3[%dma_start3A_41, %select_n3A, %mul3A_21] : memref<3x8x1024xf32, #tpu.memory_space<hbm>> -> memref<3x1x256xf32, #tpu.memory_space<hbm>>
      %dma_start3A_43 = tpu.memref_squeeze %dma_start3A_42 : memref<3x1x256xf32, #tpu.memory_space<hbm>> -> memref<3x256xf32, #tpu.memory_space<hbm>>
      tpu.enqueue_dma source(%dma_start3A_43 : memref<3x256xf32, #tpu.memory_space<hbm>>) target(%arg8 : memref<3x256xf32, #tpu.memory_space<vmem>>) target_semaphore(%run_scoped3A : memref<!tpu.dma_semaphore, #tpu.memory_space<semaphore_mem>>)
      %dma_wait3A = arith.constant 0 : i32
      %dma_wait3A_44 = tpu.memref_slice %arg3[%dma_wait3A, %select_n3A, %mul3A_21] : memref<3x8x1024xf32, #tpu.memory_space<hbm>> -> memref<3x1x256xf32, #tpu.memory_space<hbm>>
      %dma_wait3A_45 = tpu.memref_squeeze %dma_wait3A_44 : memref<3x1x256xf32, #tpu.memory_space<hbm>> -> memref<3x256xf32, #tpu.memory_space<hbm>>
      %dma_wait3A_46 = arith.constant 0 : i32
      %dma_wait3A_47 = tpu.memref_slice %arg3[%dma_wait3A_46, %select_n3A, %mul3A_21] : memref<3x8x1024xf32, #tpu.memory_space<hbm>> -> memref<3x1x256xf32, #tpu.memory_space<hbm>>
      %dma_wait3A_48 = tpu.memref_squeeze %dma_wait3A_47 : memref<3x1x256xf32, #tpu.memory_space<hbm>> -> memref<3x256xf32, #tpu.memory_space<hbm>>
      tpu.wait_dma2 semaphore(%run_scoped3A : memref<!tpu.dma_semaphore, #tpu.memory_space<semaphore_mem>>) src(%dma_wait3A_48 : memref<3x256xf32, #tpu.memory_space<hbm>>) dst(%arg8 : memref<3x256xf32, #tpu.memory_space<vmem>>)
      tpu.yield
    }) : () -> ()
    %iota3A = tpu.iota {dimensions = array<i32: 0>} : vector<16xi32>
    %scan3A = arith.constant 0 : i32
    %scan3A_22 = arith.constant 0 : i32
    %scan3A_23 = arith.constant 16 : i32
    %scan3A_24 = arith.addi %scan3A_22, %scan3A_23 : i32
    %scan3A_25 = arith.constant 1 : i32
    scf.for %scan3A_39 = %scan3A_22 to %scan3A_24 step %scan3A_25  : i32 {
      %mul3A_40 = arith.constant 16 : i32
      %mul3A_41 = arith.muli %scan3A_39, %mul3A_40 : i32
      %get3A = arith.constant 0 : i32
      %get3A_42 = arith.index_cast %get3A : i32 to index
      %get3A_43 = arith.index_cast %mul3A_41 : i32 to index
      %get3A_44 = tpu.vector_load %arg8[%get3A_42, %get3A_43] {strides = array<i32>} : memref<3x256xf32, #tpu.memory_space<vmem>>, vector<16xf32>,
      %get3A_45 = arith.constant 1 : i32
      %get3A_46 = arith.index_cast %get3A_45 : i32 to index
      %get3A_47 = arith.index_cast %mul3A_41 : i32 to index
      %get3A_48 = tpu.vector_load %arg8[%get3A_46, %get3A_47] {strides = array<i32>} : memref<3x256xf32, #tpu.memory_space<vmem>>, vector<16xf32>,
      %get3A_49 = arith.constant 2 : i32
      %get3A_50 = arith.index_cast %get3A_49 : i32 to index
      %get3A_51 = arith.index_cast %mul3A_41 : i32 to index
      %get3A_52 = tpu.vector_load %arg8[%get3A_50, %get3A_51] {strides = array<i32>} : memref<3x256xf32, #tpu.memory_space<vmem>>, vector<16xf32>,
      %add3A_53 = vector.broadcast %mul3A_41 : i32 to vector<16xi32>
      %add3A_54 = arith.addi %add3A_53, %iota3A : vector<16xi32>
      %mul3A_55 = arith.constant 32 : i32
      %mul3A_56 = vector.broadcast %mul3A_55 : i32 to vector<16xi32>
      %mul3A_57 = arith.muli %add3A_54, %mul3A_56 : vector<16xi32>
      %broadcast_in_dim3A = arith.constant 0 : i32
      %broadcast_in_dim3A_58 = vector.broadcast %broadcast_in_dim3A : i32 to vector<16xi32>
      %scan3A_59 = arith.constant 0 : i32
      %scan3A_60 = arith.constant 512 : i32
      %scan3A_61 = arith.addi %scan3A_59, %scan3A_60 : i32
      %scan3A_62 = arith.constant 1 : i32
      %scan3A_63 = scf.for %scan3A_250 = %scan3A_59 to %scan3A_61 step %scan3A_62 iter_args(%scan3A_251 = %broadcast_in_dim3A_58) -> (vector<16xi32>)  : i32 {
        %mul3A_252 = arith.constant 16 : i32
        %mul3A_253 = arith.muli %scan3A_250, %mul3A_252 : i32
        %get3A_254 = arith.constant 0 : i32
        %get3A_255 = arith.index_cast %get3A_254 : i32 to index
        %get3A_256 = arith.index_cast %mul3A_253 : i32 to index
        %get3A_257 = tpu.vector_load %arg7[%get3A_255, %get3A_256] {strides = array<i32>} : memref<3x8192xf32, #tpu.memory_space<vmem>>, vector<16xf32>,
        %get3A_258 = arith.constant 1 : i32
        %get3A_259 = arith.index_cast %get3A_258 : i32 to index
        %get3A_260 = arith.index_cast %mul3A_253 : i32 to index
        %get3A_261 = tpu.vector_load %arg7[%get3A_259, %get3A_260] {strides = array<i32>} : memref<3x8192xf32, #tpu.memory_space<vmem>>, vector<16xf32>,
        %get3A_262 = arith.constant 2 : i32
        %get3A_263 = arith.index_cast %get3A_262 : i32 to index
        %get3A_264 = arith.index_cast %mul3A_253 : i32 to index
        %get3A_265 = tpu.vector_load %arg7[%get3A_263, %get3A_264] {strides = array<i32>} : memref<3x8192xf32, #tpu.memory_space<vmem>>, vector<16xf32>,
        %slice3A = vector.extract_strided_slice %get3A_257 {offsets = [0], sizes = [1], strides = [1]} : vector<16xf32> to vector<1xf32>
        %squeeze3A = vector.extract %slice3A[0] : f32 from vector<1xf32>
        %broadcast_in_dim3A_266 = vector.broadcast %squeeze3A : f32 to vector<16xf32>
        %sub3A_267 = arith.subf %broadcast_in_dim3A_266, %get3A_44 : vector<16xf32>
        %slice3A_268 = vector.extract_strided_slice %get3A_261 {offsets = [0], sizes = [1], strides = [1]} : vector<16xf32> to vector<1xf32>
        %squeeze3A_269 = vector.extract %slice3A_268[0] : f32 from vector<1xf32>
        %broadcast_in_dim3A_270 = vector.broadcast %squeeze3A_269 : f32 to vector<16xf32>
        %sub3A_271 = arith.subf %broadcast_in_dim3A_270, %get3A_48 : vector<16xf32>
        %slice3A_272 = vector.extract_strided_slice %get3A_265 {offsets = [0], sizes = [1], strides = [1]} : vector<16xf32> to vector<1xf32>
        %squeeze3A_273 = vector.extract %slice3A_272[0] : f32 from vector<1xf32>
        %broadcast_in_dim3A_274 = vector.broadcast %squeeze3A_273 : f32 to vector<16xf32>
        %sub3A_275 = arith.subf %broadcast_in_dim3A_274, %get3A_52 : vector<16xf32>
        %mul3A_276 = arith.mulf %sub3A_267, %sub3A_267 : vector<16xf32>
        %mul3A_277 = arith.mulf %sub3A_271, %sub3A_271 : vector<16xf32>
        %add3A_278 = arith.addf %mul3A_276, %mul3A_277 : vector<16xf32>
        %mul3A_279 = arith.mulf %sub3A_275, %sub3A_275 : vector<16xf32>
        %add3A_280 = arith.addf %add3A_278, %mul3A_279 : vector<16xf32>
        %lt3A = arith.constant 4.000000e-02 : f32
        %lt3A_281 = vector.broadcast %lt3A : f32 to vector<16xf32>
        %lt3A_282 = arith.cmpf olt, %add3A_280, %lt3A_281 : vector<16xf32>
        %lt3A_283 = arith.constant 32 : i32
        %lt3A_284 = vector.broadcast %lt3A_283 : i32 to vector<16xi32>
        %lt3A_285 = arith.cmpi slt, %scan3A_251, %lt3A_284 : vector<16xi32>
        %and3A_286 = arith.andi %lt3A_282, %lt3A_285 : vector<16xi1>
        %add3A_287 = arith.addi %mul3A_57, %scan3A_251 : vector<16xi32>
        %add3A_288 = arith.constant 0 : i32
        %add3A_289 = arith.addi %mul3A_253, %add3A_288 : i32
        %broadcast_in_dim3A_290 = vector.broadcast %add3A_289 : i32 to vector<16xi32>
        tpu.vector_store_idx %arg10[%add3A_287], %broadcast_in_dim3A_290 masked %and3A_286 : memref<8192xi32, #tpu.memory_space<vmem>>[vector<16xi32>], vector<16xi32>, vector<16xi1>
        %convert_element_type3A = arith.extui %and3A_286 : vector<16xi1> to vector<16xi32>
        %add3A_291 = arith.addi %scan3A_251, %convert_element_type3A : vector<16xi32>
        %slice3A_292 = vector.extract_strided_slice %get3A_257 {offsets = [1], sizes = [1], strides = [1]} : vector<16xf32> to vector<1xf32>
        %squeeze3A_293 = vector.extract %slice3A_292[0] : f32 from vector<1xf32>
        %broadcast_in_dim3A_294 = vector.broadcast %squeeze3A_293 : f32 to vector<16xf32>
        %sub3A_295 = arith.subf %broadcast_in_dim3A_294, %get3A_44 : vector<16xf32>
        %slice3A_296 = vector.extract_strided_slice %get3A_261 {offsets = [1], sizes = [1], strides = [1]} : vector<16xf32> to vector<1xf32>
        %squeeze3A_297 = vector.extract %slice3A_296[0] : f32 from vector<1xf32>
        %broadcast_in_dim3A_298 = vector.broadcast %squeeze3A_297 : f32 to vector<16xf32>
        %sub3A_299 = arith.subf %broadcast_in_dim3A_298, %get3A_48 : vector<16xf32>
        %slice3A_300 = vector.extract_strided_slice %get3A_265 {offsets = [1], sizes = [1], strides = [1]} : vector<16xf32> to vector<1xf32>
        %squeeze3A_301 = vector.extract %slice3A_300[0] : f32 from vector<1xf32>
        %broadcast_in_dim3A_302 = vector.broadcast %squeeze3A_301 : f32 to vector<16xf32>
        %sub3A_303 = arith.subf %broadcast_in_dim3A_302, %get3A_52 : vector<16xf32>
        %mul3A_304 = arith.mulf %sub3A_295, %sub3A_295 : vector<16xf32>
        %mul3A_305 = arith.mulf %sub3A_299, %sub3A_299 : vector<16xf32>
        %add3A_306 = arith.addf %mul3A_304, %mul3A_305 : vector<16xf32>
        %mul3A_307 = arith.mulf %sub3A_303, %sub3A_303 : vector<16xf32>
        %add3A_308 = arith.addf %add3A_306, %mul3A_307 : vector<16xf32>
        %lt3A_309 = arith.constant 4.000000e-02 : f32
        %lt3A_310 = vector.broadcast %lt3A_309 : f32 to vector<16xf32>
        %lt3A_311 = arith.cmpf olt, %add3A_308, %lt3A_310 : vector<16xf32>
        %lt3A_312 = arith.constant 32 : i32
        %lt3A_313 = vector.broadcast %lt3A_312 : i32 to vector<16xi32>
        %lt3A_314 = arith.cmpi slt, %add3A_291, %lt3A_313 : vector<16xi32>
        %and3A_315 = arith.andi %lt3A_311, %lt3A_314 : vector<16xi1>
        %add3A_316 = arith.addi %mul3A_57, %add3A_291 : vector<16xi32>
        %add3A_317 = arith.constant 1 : i32
        %add3A_318 = arith.addi %mul3A_253, %add3A_317 : i32
        %broadcast_in_dim3A_319 = vector.broadcast %add3A_318 : i32 to vector<16xi32>
        tpu.vector_store_idx %arg10[%add3A_316], %broadcast_in_dim3A_319 masked %and3A_315 : memref<8192xi32, #tpu.memory_space<vmem>>[vector<16xi32>], vector<16xi32>, vector<16xi1>
        %convert_element_type3A_320 = arith.extui %and3A_315 : vector<16xi1> to vector<16xi32>
        %add3A_321 = arith.addi %add3A_291, %convert_element_type3A_320 : vector<16xi32>
        %slice3A_322 = vector.extract_strided_slice %get3A_257 {offsets = [2], sizes = [1], strides = [1]} : vector<16xf32> to vector<1xf32>
        %squeeze3A_323 = vector.extract %slice3A_322[0] : f32 from vector<1xf32>
        %broadcast_in_dim3A_324 = vector.broadcast %squeeze3A_323 : f32 to vector<16xf32>
        %sub3A_325 = arith.subf %broadcast_in_dim3A_324, %get3A_44 : vector<16xf32>
        %slice3A_326 = vector.extract_strided_slice %get3A_261 {offsets = [2], sizes = [1], strides = [1]} : vector<16xf32> to vector<1xf32>
        %squeeze3A_327 = vector.extract %slice3A_326[0] : f32 from vector<1xf32>
        %broadcast_in_dim3A_328 = vector.broadcast %squeeze3A_327 : f32 to vector<16xf32>
        %sub3A_329 = arith.subf %broadcast_in_dim3A_328, %get3A_48 : vector<16xf32>
        %slice3A_330 = vector.extract_strided_slice %get3A_265 {offsets = [2], sizes = [1], strides = [1]} : vector<16xf32> to vector<1xf32>
        %squeeze3A_331 = vector.extract %slice3A_330[0] : f32 from vector<1xf32>
        %broadcast_in_dim3A_332 = vector.broadcast %squeeze3A_331 : f32 to vector<16xf32>
        %sub3A_333 = arith.subf %broadcast_in_dim3A_332, %get3A_52 : vector<16xf32>
        %mul3A_334 = arith.mulf %sub3A_325, %sub3A_325 : vector<16xf32>
        %mul3A_335 = arith.mulf %sub3A_329, %sub3A_329 : vector<16xf32>
        %add3A_336 = arith.addf %mul3A_334, %mul3A_335 : vector<16xf32>
        %mul3A_337 = arith.mulf %sub3A_333, %sub3A_333 : vector<16xf32>
        %add3A_338 = arith.addf %add3A_336, %mul3A_337 : vector<16xf32>
        %lt3A_339 = arith.constant 4.000000e-02 : f32
        %lt3A_340 = vector.broadcast %lt3A_339 : f32 to vector<16xf32>
        %lt3A_341 = arith.cmpf olt, %add3A_338, %lt3A_340 : vector<16xf32>
        %lt3A_342 = arith.constant 32 : i32
        %lt3A_343 = vector.broadcast %lt3A_342 : i32 to vector<16xi32>
        %lt3A_344 = arith.cmpi slt, %add3A_321, %lt3A_343 : vector<16xi32>
        %and3A_345 = arith.andi %lt3A_341, %lt3A_344 : vector<16xi1>
        %add3A_346 = arith.addi %mul3A_57, %add3A_321 : vector<16xi32>
        %add3A_347 = arith.constant 2 : i32
        %add3A_348 = arith.addi %mul3A_253, %add3A_347 : i32
        %broadcast_in_dim3A_349 = vector.broadcast %add3A_348 : i32 to vector<16xi32>
        tpu.vector_store_idx %arg10[%add3A_346], %broadcast_in_dim3A_349 masked %and3A_345 : memref<8192xi32, #tpu.memory_space<vmem>>[vector<16xi32>], vector<16xi32>, vector<16xi1>
        %convert_element_type3A_350 = arith.extui %and3A_345 : vector<16xi1> to vector<16xi32>
        %add3A_351 = arith.addi %add3A_321, %convert_element_type3A_350 : vector<16xi32>
        %slice3A_352 = vector.extract_strided_slice %get3A_257 {offsets = [3], sizes = [1], strides = [1]} : vector<16xf32> to vector<1xf32>
        %squeeze3A_353 = vector.extract %slice3A_352[0] : f32 from vector<1xf32>
        %broadcast_in_dim3A_354 = vector.broadcast %squeeze3A_353 : f32 to vector<16xf32>
        %sub3A_355 = arith.subf %broadcast_in_dim3A_354, %get3A_44 : vector<16xf32>
        %slice3A_356 = vector.extract_strided_slice %get3A_261 {offsets = [3], sizes = [1], strides = [1]} : vector<16xf32> to vector<1xf32>
        %squeeze3A_357 = vector.extract %slice3A_356[0] : f32 from vector<1xf32>
        %broadcast_in_dim3A_358 = vector.broadcast %squeeze3A_357 : f32 to vector<16xf32>
        %sub3A_359 = arith.subf %broadcast_in_dim3A_358, %get3A_48 : vector<16xf32>
        %slice3A_360 = vector.extract_strided_slice %get3A_265 {offsets = [3], sizes = [1], strides = [1]} : vector<16xf32> to vector<1xf32>
        %squeeze3A_361 = vector.extract %slice3A_360[0] : f32 from vector<1xf32>
        %broadcast_in_dim3A_362 = vector.broadcast %squeeze3A_361 : f32 to vector<16xf32>
        %sub3A_363 = arith.subf %broadcast_in_dim3A_362, %get3A_52 : vector<16xf32>
        %mul3A_364 = arith.mulf %sub3A_355, %sub3A_355 : vector<16xf32>
        %mul3A_365 = arith.mulf %sub3A_359, %sub3A_359 : vector<16xf32>
        %add3A_366 = arith.addf %mul3A_364, %mul3A_365 : vector<16xf32>
        %mul3A_367 = arith.mulf %sub3A_363, %sub3A_363 : vector<16xf32>
        %add3A_368 = arith.addf %add3A_366, %mul3A_367 : vector<16xf32>
        %lt3A_369 = arith.constant 4.000000e-02 : f32
        %lt3A_370 = vector.broadcast %lt3A_369 : f32 to vector<16xf32>
        %lt3A_371 = arith.cmpf olt, %add3A_368, %lt3A_370 : vector<16xf32>
        %lt3A_372 = arith.constant 32 : i32
        %lt3A_373 = vector.broadcast %lt3A_372 : i32 to vector<16xi32>
        %lt3A_374 = arith.cmpi slt, %add3A_351, %lt3A_373 : vector<16xi32>
        %and3A_375 = arith.andi %lt3A_371, %lt3A_374 : vector<16xi1>
        %add3A_376 = arith.addi %mul3A_57, %add3A_351 : vector<16xi32>
        %add3A_377 = arith.constant 3 : i32
        %add3A_378 = arith.addi %mul3A_253, %add3A_377 : i32
        %broadcast_in_dim3A_379 = vector.broadcast %add3A_378 : i32 to vector<16xi32>
        tpu.vector_store_idx %arg10[%add3A_376], %broadcast_in_dim3A_379 masked %and3A_375 : memref<8192xi32, #tpu.memory_space<vmem>>[vector<16xi32>], vector<16xi32>, vector<16xi1>
        %convert_element_type3A_380 = arith.extui %and3A_375 : vector<16xi1> to vector<16xi32>
        %add3A_381 = arith.addi %add3A_351, %convert_element_type3A_380 : vector<16xi32>
        %slice3A_382 = vector.extract_strided_slice %get3A_257 {offsets = [4], sizes = [1], strides = [1]} : vector<16xf32> to vector<1xf32>
        %squeeze3A_383 = vector.extract %slice3A_382[0] : f32 from vector<1xf32>
        %broadcast_in_dim3A_384 = vector.broadcast %squeeze3A_383 : f32 to vector<16xf32>
        %sub3A_385 = arith.subf %broadcast_in_dim3A_384, %get3A_44 : vector<16xf32>
        %slice3A_386 = vector.extract_strided_slice %get3A_261 {offsets = [4], sizes = [1], strides = [1]} : vector<16xf32> to vector<1xf32>
        %squeeze3A_387 = vector.extract %slice3A_386[0] : f32 from vector<1xf32>
        %broadcast_in_dim3A_388 = vector.broadcast %squeeze3A_387 : f32 to vector<16xf32>
        %sub3A_389 = arith.subf %broadcast_in_dim3A_388, %get3A_48 : vector<16xf32>
        %slice3A_390 = vector.extract_strided_slice %get3A_265 {offsets = [4], sizes = [1], strides = [1]} : vector<16xf32> to vector<1xf32>
        %squeeze3A_391 = vector.extract %slice3A_390[0] : f32 from vector<1xf32>
        %broadcast_in_dim3A_392 = vector.broadcast %squeeze3A_391 : f32 to vector<16xf32>
        %sub3A_393 = arith.subf %broadcast_in_dim3A_392, %get3A_52 : vector<16xf32>
        %mul3A_394 = arith.mulf %sub3A_385, %sub3A_385 : vector<16xf32>
        %mul3A_395 = arith.mulf %sub3A_389, %sub3A_389 : vector<16xf32>
        %add3A_396 = arith.addf %mul3A_394, %mul3A_395 : vector<16xf32>
        %mul3A_397 = arith.mulf %sub3A_393, %sub3A_393 : vector<16xf32>
        %add3A_398 = arith.addf %add3A_396, %mul3A_397 : vector<16xf32>
        %lt3A_399 = arith.constant 4.000000e-02 : f32
        %lt3A_400 = vector.broadcast %lt3A_399 : f32 to vector<16xf32>
        %lt3A_401 = arith.cmpf olt, %add3A_398, %lt3A_400 : vector<16xf32>
        %lt3A_402 = arith.constant 32 : i32
        %lt3A_403 = vector.broadcast %lt3A_402 : i32 to vector<16xi32>
        %lt3A_404 = arith.cmpi slt, %add3A_381, %lt3A_403 : vector<16xi32>
        %and3A_405 = arith.andi %lt3A_401, %lt3A_404 : vector<16xi1>
        %add3A_406 = arith.addi %mul3A_57, %add3A_381 : vector<16xi32>
        %add3A_407 = arith.constant 4 : i32
        %add3A_408 = arith.addi %mul3A_253, %add3A_407 : i32
        %broadcast_in_dim3A_409 = vector.broadcast %add3A_408 : i32 to vector<16xi32>
        tpu.vector_store_idx %arg10[%add3A_406], %broadcast_in_dim3A_409 masked %and3A_405 : memref<8192xi32, #tpu.memory_space<vmem>>[vector<16xi32>], vector<16xi32>, vector<16xi1>
        %convert_element_type3A_410 = arith.extui %and3A_405 : vector<16xi1> to vector<16xi32>
        %add3A_411 = arith.addi %add3A_381, %convert_element_type3A_410 : vector<16xi32>
        %slice3A_412 = vector.extract_strided_slice %get3A_257 {offsets = [5], sizes = [1], strides = [1]} : vector<16xf32> to vector<1xf32>
        %squeeze3A_413 = vector.extract %slice3A_412[0] : f32 from vector<1xf32>
        %broadcast_in_dim3A_414 = vector.broadcast %squeeze3A_413 : f32 to vector<16xf32>
        %sub3A_415 = arith.subf %broadcast_in_dim3A_414, %get3A_44 : vector<16xf32>
        %slice3A_416 = vector.extract_strided_slice %get3A_261 {offsets = [5], sizes = [1], strides = [1]} : vector<16xf32> to vector<1xf32>
        %squeeze3A_417 = vector.extract %slice3A_416[0] : f32 from vector<1xf32>
        %broadcast_in_dim3A_418 = vector.broadcast %squeeze3A_417 : f32 to vector<16xf32>
        %sub3A_419 = arith.subf %broadcast_in_dim3A_418, %get3A_48 : vector<16xf32>
        %slice3A_420 = vector.extract_strided_slice %get3A_265 {offsets = [5], sizes = [1], strides = [1]} : vector<16xf32> to vector<1xf32>
        %squeeze3A_421 = vector.extract %slice3A_420[0] : f32 from vector<1xf32>
        %broadcast_in_dim3A_422 = vector.broadcast %squeeze3A_421 : f32 to vector<16xf32>
        %sub3A_423 = arith.subf %broadcast_in_dim3A_422, %get3A_52 : vector<16xf32>
        %mul3A_424 = arith.mulf %sub3A_415, %sub3A_415 : vector<16xf32>
        %mul3A_425 = arith.mulf %sub3A_419, %sub3A_419 : vector<16xf32>
        %add3A_426 = arith.addf %mul3A_424, %mul3A_425 : vector<16xf32>
        %mul3A_427 = arith.mulf %sub3A_423, %sub3A_423 : vector<16xf32>
        %add3A_428 = arith.addf %add3A_426, %mul3A_427 : vector<16xf32>
        %lt3A_429 = arith.constant 4.000000e-02 : f32
        %lt3A_430 = vector.broadcast %lt3A_429 : f32 to vector<16xf32>
        %lt3A_431 = arith.cmpf olt, %add3A_428, %lt3A_430 : vector<16xf32>
        %lt3A_432 = arith.constant 32 : i32
        %lt3A_433 = vector.broadcast %lt3A_432 : i32 to vector<16xi32>
        %lt3A_434 = arith.cmpi slt, %add3A_411, %lt3A_433 : vector<16xi32>
        %and3A_435 = arith.andi %lt3A_431, %lt3A_434 : vector<16xi1>
        %add3A_436 = arith.addi %mul3A_57, %add3A_411 : vector<16xi32>
        %add3A_437 = arith.constant 5 : i32
        %add3A_438 = arith.addi %mul3A_253, %add3A_437 : i32
        %broadcast_in_dim3A_439 = vector.broadcast %add3A_438 : i32 to vector<16xi32>
        tpu.vector_store_idx %arg10[%add3A_436], %broadcast_in_dim3A_439 masked %and3A_435 : memref<8192xi32, #tpu.memory_space<vmem>>[vector<16xi32>], vector<16xi32>, vector<16xi1>
        %convert_element_type3A_440 = arith.extui %and3A_435 : vector<16xi1> to vector<16xi32>
        %add3A_441 = arith.addi %add3A_411, %convert_element_type3A_440 : vector<16xi32>
        %slice3A_442 = vector.extract_strided_slice %get3A_257 {offsets = [6], sizes = [1], strides = [1]} : vector<16xf32> to vector<1xf32>
        %squeeze3A_443 = vector.extract %slice3A_442[0] : f32 from vector<1xf32>
        %broadcast_in_dim3A_444 = vector.broadcast %squeeze3A_443 : f32 to vector<16xf32>
        %sub3A_445 = arith.subf %broadcast_in_dim3A_444, %get3A_44 : vector<16xf32>
        %slice3A_446 = vector.extract_strided_slice %get3A_261 {offsets = [6], sizes = [1], strides = [1]} : vector<16xf32> to vector<1xf32>
        %squeeze3A_447 = vector.extract %slice3A_446[0] : f32 from vector<1xf32>
        %broadcast_in_dim3A_448 = vector.broadcast %squeeze3A_447 : f32 to vector<16xf32>
        %sub3A_449 = arith.subf %broadcast_in_dim3A_448, %get3A_48 : vector<16xf32>
        %slice3A_450 = vector.extract_strided_slice %get3A_265 {offsets = [6], sizes = [1], strides = [1]} : vector<16xf32> to vector<1xf32>
        %squeeze3A_451 = vector.extract %slice3A_450[0] : f32 from vector<1xf32>
        %broadcast_in_dim3A_452 = vector.broadcast %squeeze3A_451 : f32 to vector<16xf32>
        %sub3A_453 = arith.subf %broadcast_in_dim3A_452, %get3A_52 : vector<16xf32>
        %mul3A_454 = arith.mulf %sub3A_445, %sub3A_445 : vector<16xf32>
        %mul3A_455 = arith.mulf %sub3A_449, %sub3A_449 : vector<16xf32>
        %add3A_456 = arith.addf %mul3A_454, %mul3A_455 : vector<16xf32>
        %mul3A_457 = arith.mulf %sub3A_453, %sub3A_453 : vector<16xf32>
        %add3A_458 = arith.addf %add3A_456, %mul3A_457 : vector<16xf32>
        %lt3A_459 = arith.constant 4.000000e-02 : f32
        %lt3A_460 = vector.broadcast %lt3A_459 : f32 to vector<16xf32>
        %lt3A_461 = arith.cmpf olt, %add3A_458, %lt3A_460 : vector<16xf32>
        %lt3A_462 = arith.constant 32 : i32
        %lt3A_463 = vector.broadcast %lt3A_462 : i32 to vector<16xi32>
        %lt3A_464 = arith.cmpi slt, %add3A_441, %lt3A_463 : vector<16xi32>
        %and3A_465 = arith.andi %lt3A_461, %lt3A_464 : vector<16xi1>
        %add3A_466 = arith.addi %mul3A_57, %add3A_441 : vector<16xi32>
        %add3A_467 = arith.constant 6 : i32
        %add3A_468 = arith.addi %mul3A_253, %add3A_467 : i32
        %broadcast_in_dim3A_469 = vector.broadcast %add3A_468 : i32 to vector<16xi32>
        tpu.vector_store_idx %arg10[%add3A_466], %broadcast_in_dim3A_469 masked %and3A_465 : memref<8192xi32, #tpu.memory_space<vmem>>[vector<16xi32>], vector<16xi32>, vector<16xi1>
        %convert_element_type3A_470 = arith.extui %and3A_465 : vector<16xi1> to vector<16xi32>
        %add3A_471 = arith.addi %add3A_441, %convert_element_type3A_470 : vector<16xi32>
        %slice3A_472 = vector.extract_strided_slice %get3A_257 {offsets = [7], sizes = [1], strides = [1]} : vector<16xf32> to vector<1xf32>
        %squeeze3A_473 = vector.extract %slice3A_472[0] : f32 from vector<1xf32>
        %broadcast_in_dim3A_474 = vector.broadcast %squeeze3A_473 : f32 to vector<16xf32>
        %sub3A_475 = arith.subf %broadcast_in_dim3A_474, %get3A_44 : vector<16xf32>
        %slice3A_476 = vector.extract_strided_slice %get3A_261 {offsets = [7], sizes = [1], strides = [1]} : vector<16xf32> to vector<1xf32>
        %squeeze3A_477 = vector.extract %slice3A_476[0] : f32 from vector<1xf32>
        %broadcast_in_dim3A_478 = vector.broadcast %squeeze3A_477 : f32 to vector<16xf32>
        %sub3A_479 = arith.subf %broadcast_in_dim3A_478, %get3A_48 : vector<16xf32>
        %slice3A_480 = vector.extract_strided_slice %get3A_265 {offsets = [7], sizes = [1], strides = [1]} : vector<16xf32> to vector<1xf32>
        %squeeze3A_481 = vector.extract %slice3A_480[0] : f32 from vector<1xf32>
        %broadcast_in_dim3A_482 = vector.broadcast %squeeze3A_481 : f32 to vector<16xf32>
        %sub3A_483 = arith.subf %broadcast_in_dim3A_482, %get3A_52 : vector<16xf32>
        %mul3A_484 = arith.mulf %sub3A_475, %sub3A_475 : vector<16xf32>
        %mul3A_485 = arith.mulf %sub3A_479, %sub3A_479 : vector<16xf32>
        %add3A_486 = arith.addf %mul3A_484, %mul3A_485 : vector<16xf32>
        %mul3A_487 = arith.mulf %sub3A_483, %sub3A_483 : vector<16xf32>
        %add3A_488 = arith.addf %add3A_486, %mul3A_487 : vector<16xf32>
        %lt3A_489 = arith.constant 4.000000e-02 : f32
        %lt3A_490 = vector.broadcast %lt3A_489 : f32 to vector<16xf32>
        %lt3A_491 = arith.cmpf olt, %add3A_488, %lt3A_490 : vector<16xf32>
        %lt3A_492 = arith.constant 32 : i32
        %lt3A_493 = vector.broadcast %lt3A_492 : i32 to vector<16xi32>
        %lt3A_494 = arith.cmpi slt, %add3A_471, %lt3A_493 : vector<16xi32>
        %and3A_495 = arith.andi %lt3A_491, %lt3A_494 : vector<16xi1>
        %add3A_496 = arith.addi %mul3A_57, %add3A_471 : vector<16xi32>
        %add3A_497 = arith.constant 7 : i32
        %add3A_498 = arith.addi %mul3A_253, %add3A_497 : i32
        %broadcast_in_dim3A_499 = vector.broadcast %add3A_498 : i32 to vector<16xi32>
        tpu.vector_store_idx %arg10[%add3A_496], %broadcast_in_dim3A_499 masked %and3A_495 : memref<8192xi32, #tpu.memory_space<vmem>>[vector<16xi32>], vector<16xi32>, vector<16xi1>
        %convert_element_type3A_500 = arith.extui %and3A_495 : vector<16xi1> to vector<16xi32>
        %add3A_501 = arith.addi %add3A_471, %convert_element_type3A_500 : vector<16xi32>
        %slice3A_502 = vector.extract_strided_slice %get3A_257 {offsets = [8], sizes = [1], strides = [1]} : vector<16xf32> to vector<1xf32>
        %squeeze3A_503 = vector.extract %slice3A_502[0] : f32 from vector<1xf32>
        %broadcast_in_dim3A_504 = vector.broadcast %squeeze3A_503 : f32 to vector<16xf32>
        %sub3A_505 = arith.subf %broadcast_in_dim3A_504, %get3A_44 : vector<16xf32>
        %slice3A_506 = vector.extract_strided_slice %get3A_261 {offsets = [8], sizes = [1], strides = [1]} : vector<16xf32> to vector<1xf32>
        %squeeze3A_507 = vector.extract %slice3A_506[0] : f32 from vector<1xf32>
        %broadcast_in_dim3A_508 = vector.broadcast %squeeze3A_507 : f32 to vector<16xf32>
        %sub3A_509 = arith.subf %broadcast_in_dim3A_508, %get3A_48 : vector<16xf32>
        %slice3A_510 = vector.extract_strided_slice %get3A_265 {offsets = [8], sizes = [1], strides = [1]} : vector<16xf32> to vector<1xf32>
        %squeeze3A_511 = vector.extract %slice3A_510[0] : f32 from vector<1xf32>
        %broadcast_in_dim3A_512 = vector.broadcast %squeeze3A_511 : f32 to vector<16xf32>
        %sub3A_513 = arith.subf %broadcast_in_dim3A_512, %get3A_52 : vector<16xf32>
        %mul3A_514 = arith.mulf %sub3A_505, %sub3A_505 : vector<16xf32>
        %mul3A_515 = arith.mulf %sub3A_509, %sub3A_509 : vector<16xf32>
        %add3A_516 = arith.addf %mul3A_514, %mul3A_515 : vector<16xf32>
        %mul3A_517 = arith.mulf %sub3A_513, %sub3A_513 : vector<16xf32>
        %add3A_518 = arith.addf %add3A_516, %mul3A_517 : vector<16xf32>
        %lt3A_519 = arith.constant 4.000000e-02 : f32
        %lt3A_520 = vector.broadcast %lt3A_519 : f32 to vector<16xf32>
        %lt3A_521 = arith.cmpf olt, %add3A_518, %lt3A_520 : vector<16xf32>
        %lt3A_522 = arith.constant 32 : i32
        %lt3A_523 = vector.broadcast %lt3A_522 : i32 to vector<16xi32>
        %lt3A_524 = arith.cmpi slt, %add3A_501, %lt3A_523 : vector<16xi32>
        %and3A_525 = arith.andi %lt3A_521, %lt3A_524 : vector<16xi1>
        %add3A_526 = arith.addi %mul3A_57, %add3A_501 : vector<16xi32>
        %add3A_527 = arith.constant 8 : i32
        %add3A_528 = arith.addi %mul3A_253, %add3A_527 : i32
        %broadcast_in_dim3A_529 = vector.broadcast %add3A_528 : i32 to vector<16xi32>
        tpu.vector_store_idx %arg10[%add3A_526], %broadcast_in_dim3A_529 masked %and3A_525 : memref<8192xi32, #tpu.memory_space<vmem>>[vector<16xi32>], vector<16xi32>, vector<16xi1>
        %convert_element_type3A_530 = arith.extui %and3A_525 : vector<16xi1> to vector<16xi32>
        %add3A_531 = arith.addi %add3A_501, %convert_element_type3A_530 : vector<16xi32>
        %slice3A_532 = vector.extract_strided_slice %get3A_257 {offsets = [9], sizes = [1], strides = [1]} : vector<16xf32> to vector<1xf32>
        %squeeze3A_533 = vector.extract %slice3A_532[0] : f32 from vector<1xf32>
        %broadcast_in_dim3A_534 = vector.broadcast %squeeze3A_533 : f32 to vector<16xf32>
        %sub3A_535 = arith.subf %broadcast_in_dim3A_534, %get3A_44 : vector<16xf32>
        %slice3A_536 = vector.extract_strided_slice %get3A_261 {offsets = [9], sizes = [1], strides = [1]} : vector<16xf32> to vector<1xf32>
        %squeeze3A_537 = vector.extract %slice3A_536[0] : f32 from vector<1xf32>
        %broadcast_in_dim3A_538 = vector.broadcast %squeeze3A_537 : f32 to vector<16xf32>
        %sub3A_539 = arith.subf %broadcast_in_dim3A_538, %get3A_48 : vector<16xf32>
        %slice3A_540 = vector.extract_strided_slice %get3A_265 {offsets = [9], sizes = [1], strides = [1]} : vector<16xf32> to vector<1xf32>
        %squeeze3A_541 = vector.extract %slice3A_540[0] : f32 from vector<1xf32>
        %broadcast_in_dim3A_542 = vector.broadcast %squeeze3A_541 : f32 to vector<16xf32>
        %sub3A_543 = arith.subf %broadcast_in_dim3A_542, %get3A_52 : vector<16xf32>
        %mul3A_544 = arith.mulf %sub3A_535, %sub3A_535 : vector<16xf32>
        %mul3A_545 = arith.mulf %sub3A_539, %sub3A_539 : vector<16xf32>
        %add3A_546 = arith.addf %mul3A_544, %mul3A_545 : vector<16xf32>
        %mul3A_547 = arith.mulf %sub3A_543, %sub3A_543 : vector<16xf32>
        %add3A_548 = arith.addf %add3A_546, %mul3A_547 : vector<16xf32>
        %lt3A_549 = arith.constant 4.000000e-02 : f32
        %lt3A_550 = vector.broadcast %lt3A_549 : f32 to vector<16xf32>
        %lt3A_551 = arith.cmpf olt, %add3A_548, %lt3A_550 : vector<16xf32>
        %lt3A_552 = arith.constant 32 : i32
        %lt3A_553 = vector.broadcast %lt3A_552 : i32 to vector<16xi32>
        %lt3A_554 = arith.cmpi slt, %add3A_531, %lt3A_553 : vector<16xi32>
        %and3A_555 = arith.andi %lt3A_551, %lt3A_554 : vector<16xi1>
        %add3A_556 = arith.addi %mul3A_57, %add3A_531 : vector<16xi32>
        %add3A_557 = arith.constant 9 : i32
        %add3A_558 = arith.addi %mul3A_253, %add3A_557 : i32
        %broadcast_in_dim3A_559 = vector.broadcast %add3A_558 : i32 to vector<16xi32>
        tpu.vector_store_idx %arg10[%add3A_556], %broadcast_in_dim3A_559 masked %and3A_555 : memref<8192xi32, #tpu.memory_space<vmem>>[vector<16xi32>], vector<16xi32>, vector<16xi1>
        %convert_element_type3A_560 = arith.extui %and3A_555 : vector<16xi1> to vector<16xi32>
        %add3A_561 = arith.addi %add3A_531, %convert_element_type3A_560 : vector<16xi32>
        %slice3A_562 = vector.extract_strided_slice %get3A_257 {offsets = [10], sizes = [1], strides = [1]} : vector<16xf32> to vector<1xf32>
        %squeeze3A_563 = vector.extract %slice3A_562[0] : f32 from vector<1xf32>
        %broadcast_in_dim3A_564 = vector.broadcast %squeeze3A_563 : f32 to vector<16xf32>
        %sub3A_565 = arith.subf %broadcast_in_dim3A_564, %get3A_44 : vector<16xf32>
        %slice3A_566 = vector.extract_strided_slice %get3A_261 {offsets = [10], sizes = [1], strides = [1]} : vector<16xf32> to vector<1xf32>
        %squeeze3A_567 = vector.extract %slice3A_566[0] : f32 from vector<1xf32>
        %broadcast_in_dim3A_568 = vector.broadcast %squeeze3A_567 : f32 to vector<16xf32>
        %sub3A_569 = arith.subf %broadcast_in_dim3A_568, %get3A_48 : vector<16xf32>
        %slice3A_570 = vector.extract_strided_slice %get3A_265 {offsets = [10], sizes = [1], strides = [1]} : vector<16xf32> to vector<1xf32>
        %squeeze3A_571 = vector.extract %slice3A_570[0] : f32 from vector<1xf32>
        %broadcast_in_dim3A_572 = vector.broadcast %squeeze3A_571 : f32 to vector<16xf32>
        %sub3A_573 = arith.subf %broadcast_in_dim3A_572, %get3A_52 : vector<16xf32>
        %mul3A_574 = arith.mulf %sub3A_565, %sub3A_565 : vector<16xf32>
        %mul3A_575 = arith.mulf %sub3A_569, %sub3A_569 : vector<16xf32>
        %add3A_576 = arith.addf %mul3A_574, %mul3A_575 : vector<16xf32>
        %mul3A_577 = arith.mulf %sub3A_573, %sub3A_573 : vector<16xf32>
        %add3A_578 = arith.addf %add3A_576, %mul3A_577 : vector<16xf32>
        %lt3A_579 = arith.constant 4.000000e-02 : f32
        %lt3A_580 = vector.broadcast %lt3A_579 : f32 to vector<16xf32>
        %lt3A_581 = arith.cmpf olt, %add3A_578, %lt3A_580 : vector<16xf32>
        %lt3A_582 = arith.constant 32 : i32
        %lt3A_583 = vector.broadcast %lt3A_582 : i32 to vector<16xi32>
        %lt3A_584 = arith.cmpi slt, %add3A_561, %lt3A_583 : vector<16xi32>
        %and3A_585 = arith.andi %lt3A_581, %lt3A_584 : vector<16xi1>
        %add3A_586 = arith.addi %mul3A_57, %add3A_561 : vector<16xi32>
        %add3A_587 = arith.constant 10 : i32
        %add3A_588 = arith.addi %mul3A_253, %add3A_587 : i32
        %broadcast_in_dim3A_589 = vector.broadcast %add3A_588 : i32 to vector<16xi32>
        tpu.vector_store_idx %arg10[%add3A_586], %broadcast_in_dim3A_589 masked %and3A_585 : memref<8192xi32, #tpu.memory_space<vmem>>[vector<16xi32>], vector<16xi32>, vector<16xi1>
        %convert_element_type3A_590 = arith.extui %and3A_585 : vector<16xi1> to vector<16xi32>
        %add3A_591 = arith.addi %add3A_561, %convert_element_type3A_590 : vector<16xi32>
        %slice3A_592 = vector.extract_strided_slice %get3A_257 {offsets = [11], sizes = [1], strides = [1]} : vector<16xf32> to vector<1xf32>
        %squeeze3A_593 = vector.extract %slice3A_592[0] : f32 from vector<1xf32>
        %broadcast_in_dim3A_594 = vector.broadcast %squeeze3A_593 : f32 to vector<16xf32>
        %sub3A_595 = arith.subf %broadcast_in_dim3A_594, %get3A_44 : vector<16xf32>
        %slice3A_596 = vector.extract_strided_slice %get3A_261 {offsets = [11], sizes = [1], strides = [1]} : vector<16xf32> to vector<1xf32>
        %squeeze3A_597 = vector.extract %slice3A_596[0] : f32 from vector<1xf32>
        %broadcast_in_dim3A_598 = vector.broadcast %squeeze3A_597 : f32 to vector<16xf32>
        %sub3A_599 = arith.subf %broadcast_in_dim3A_598, %get3A_48 : vector<16xf32>
        %slice3A_600 = vector.extract_strided_slice %get3A_265 {offsets = [11], sizes = [1], strides = [1]} : vector<16xf32> to vector<1xf32>
        %squeeze3A_601 = vector.extract %slice3A_600[0] : f32 from vector<1xf32>
        %broadcast_in_dim3A_602 = vector.broadcast %squeeze3A_601 : f32 to vector<16xf32>
        %sub3A_603 = arith.subf %broadcast_in_dim3A_602, %get3A_52 : vector<16xf32>
        %mul3A_604 = arith.mulf %sub3A_595, %sub3A_595 : vector<16xf32>
        %mul3A_605 = arith.mulf %sub3A_599, %sub3A_599 : vector<16xf32>
        %add3A_606 = arith.addf %mul3A_604, %mul3A_605 : vector<16xf32>
        %mul3A_607 = arith.mulf %sub3A_603, %sub3A_603 : vector<16xf32>
        %add3A_608 = arith.addf %add3A_606, %mul3A_607 : vector<16xf32>
        %lt3A_609 = arith.constant 4.000000e-02 : f32
        %lt3A_610 = vector.broadcast %lt3A_609 : f32 to vector<16xf32>
        %lt3A_611 = arith.cmpf olt, %add3A_608, %lt3A_610 : vector<16xf32>
        %lt3A_612 = arith.constant 32 : i32
        %lt3A_613 = vector.broadcast %lt3A_612 : i32 to vector<16xi32>
        %lt3A_614 = arith.cmpi slt, %add3A_591, %lt3A_613 : vector<16xi32>
        %and3A_615 = arith.andi %lt3A_611, %lt3A_614 : vector<16xi1>
        %add3A_616 = arith.addi %mul3A_57, %add3A_591 : vector<16xi32>
        %add3A_617 = arith.constant 11 : i32
        %add3A_618 = arith.addi %mul3A_253, %add3A_617 : i32
        %broadcast_in_dim3A_619 = vector.broadcast %add3A_618 : i32 to vector<16xi32>
        tpu.vector_store_idx %arg10[%add3A_616], %broadcast_in_dim3A_619 masked %and3A_615 : memref<8192xi32, #tpu.memory_space<vmem>>[vector<16xi32>], vector<16xi32>, vector<16xi1>
        %convert_element_type3A_620 = arith.extui %and3A_615 : vector<16xi1> to vector<16xi32>
        %add3A_621 = arith.addi %add3A_591, %convert_element_type3A_620 : vector<16xi32>
        %slice3A_622 = vector.extract_strided_slice %get3A_257 {offsets = [12], sizes = [1], strides = [1]} : vector<16xf32> to vector<1xf32>
        %squeeze3A_623 = vector.extract %slice3A_622[0] : f32 from vector<1xf32>
        %broadcast_in_dim3A_624 = vector.broadcast %squeeze3A_623 : f32 to vector<16xf32>
        %sub3A_625 = arith.subf %broadcast_in_dim3A_624, %get3A_44 : vector<16xf32>
        %slice3A_626 = vector.extract_strided_slice %get3A_261 {offsets = [12], sizes = [1], strides = [1]} : vector<16xf32> to vector<1xf32>
        %squeeze3A_627 = vector.extract %slice3A_626[0] : f32 from vector<1xf32>
        %broadcast_in_dim3A_628 = vector.broadcast %squeeze3A_627 : f32 to vector<16xf32>
        %sub3A_629 = arith.subf %broadcast_in_dim3A_628, %get3A_48 : vector<16xf32>
        %slice3A_630 = vector.extract_strided_slice %get3A_265 {offsets = [12], sizes = [1], strides = [1]} : vector<16xf32> to vector<1xf32>
        %squeeze3A_631 = vector.extract %slice3A_630[0] : f32 from vector<1xf32>
        %broadcast_in_dim3A_632 = vector.broadcast %squeeze3A_631 : f32 to vector<16xf32>
        %sub3A_633 = arith.subf %broadcast_in_dim3A_632, %get3A_52 : vector<16xf32>
        %mul3A_634 = arith.mulf %sub3A_625, %sub3A_625 : vector<16xf32>
        %mul3A_635 = arith.mulf %sub3A_629, %sub3A_629 : vector<16xf32>
        %add3A_636 = arith.addf %mul3A_634, %mul3A_635 : vector<16xf32>
        %mul3A_637 = arith.mulf %sub3A_633, %sub3A_633 : vector<16xf32>
        %add3A_638 = arith.addf %add3A_636, %mul3A_637 : vector<16xf32>
        %lt3A_639 = arith.constant 4.000000e-02 : f32
        %lt3A_640 = vector.broadcast %lt3A_639 : f32 to vector<16xf32>
        %lt3A_641 = arith.cmpf olt, %add3A_638, %lt3A_640 : vector<16xf32>
        %lt3A_642 = arith.constant 32 : i32
        %lt3A_643 = vector.broadcast %lt3A_642 : i32 to vector<16xi32>
        %lt3A_644 = arith.cmpi slt, %add3A_621, %lt3A_643 : vector<16xi32>
        %and3A_645 = arith.andi %lt3A_641, %lt3A_644 : vector<16xi1>
        %add3A_646 = arith.addi %mul3A_57, %add3A_621 : vector<16xi32>
        %add3A_647 = arith.constant 12 : i32
        %add3A_648 = arith.addi %mul3A_253, %add3A_647 : i32
        %broadcast_in_dim3A_649 = vector.broadcast %add3A_648 : i32 to vector<16xi32>
        tpu.vector_store_idx %arg10[%add3A_646], %broadcast_in_dim3A_649 masked %and3A_645 : memref<8192xi32, #tpu.memory_space<vmem>>[vector<16xi32>], vector<16xi32>, vector<16xi1>
        %convert_element_type3A_650 = arith.extui %and3A_645 : vector<16xi1> to vector<16xi32>
        %add3A_651 = arith.addi %add3A_621, %convert_element_type3A_650 : vector<16xi32>
        %slice3A_652 = vector.extract_strided_slice %get3A_257 {offsets = [13], sizes = [1], strides = [1]} : vector<16xf32> to vector<1xf32>
        %squeeze3A_653 = vector.extract %slice3A_652[0] : f32 from vector<1xf32>
        %broadcast_in_dim3A_654 = vector.broadcast %squeeze3A_653 : f32 to vector<16xf32>
        %sub3A_655 = arith.subf %broadcast_in_dim3A_654, %get3A_44 : vector<16xf32>
        %slice3A_656 = vector.extract_strided_slice %get3A_261 {offsets = [13], sizes = [1], strides = [1]} : vector<16xf32> to vector<1xf32>
        %squeeze3A_657 = vector.extract %slice3A_656[0] : f32 from vector<1xf32>
        %broadcast_in_dim3A_658 = vector.broadcast %squeeze3A_657 : f32 to vector<16xf32>
        %sub3A_659 = arith.subf %broadcast_in_dim3A_658, %get3A_48 : vector<16xf32>
        %slice3A_660 = vector.extract_strided_slice %get3A_265 {offsets = [13], sizes = [1], strides = [1]} : vector<16xf32> to vector<1xf32>
        %squeeze3A_661 = vector.extract %slice3A_660[0] : f32 from vector<1xf32>
        %broadcast_in_dim3A_662 = vector.broadcast %squeeze3A_661 : f32 to vector<16xf32>
        %sub3A_663 = arith.subf %broadcast_in_dim3A_662, %get3A_52 : vector<16xf32>
        %mul3A_664 = arith.mulf %sub3A_655, %sub3A_655 : vector<16xf32>
        %mul3A_665 = arith.mulf %sub3A_659, %sub3A_659 : vector<16xf32>
        %add3A_666 = arith.addf %mul3A_664, %mul3A_665 : vector<16xf32>
        %mul3A_667 = arith.mulf %sub3A_663, %sub3A_663 : vector<16xf32>
        %add3A_668 = arith.addf %add3A_666, %mul3A_667 : vector<16xf32>
        %lt3A_669 = arith.constant 4.000000e-02 : f32
        %lt3A_670 = vector.broadcast %lt3A_669 : f32 to vector<16xf32>
        %lt3A_671 = arith.cmpf olt, %add3A_668, %lt3A_670 : vector<16xf32>
        %lt3A_672 = arith.constant 32 : i32
        %lt3A_673 = vector.broadcast %lt3A_672 : i32 to vector<16xi32>
        %lt3A_674 = arith.cmpi slt, %add3A_651, %lt3A_673 : vector<16xi32>
        %and3A_675 = arith.andi %lt3A_671, %lt3A_674 : vector<16xi1>
        %add3A_676 = arith.addi %mul3A_57, %add3A_651 : vector<16xi32>
        %add3A_677 = arith.constant 13 : i32
        %add3A_678 = arith.addi %mul3A_253, %add3A_677 : i32
        %broadcast_in_dim3A_679 = vector.broadcast %add3A_678 : i32 to vector<16xi32>
        tpu.vector_store_idx %arg10[%add3A_676], %broadcast_in_dim3A_679 masked %and3A_675 : memref<8192xi32, #tpu.memory_space<vmem>>[vector<16xi32>], vector<16xi32>, vector<16xi1>
        %convert_element_type3A_680 = arith.extui %and3A_675 : vector<16xi1> to vector<16xi32>
        %add3A_681 = arith.addi %add3A_651, %convert_element_type3A_680 : vector<16xi32>
        %slice3A_682 = vector.extract_strided_slice %get3A_257 {offsets = [14], sizes = [1], strides = [1]} : vector<16xf32> to vector<1xf32>
        %squeeze3A_683 = vector.extract %slice3A_682[0] : f32 from vector<1xf32>
        %broadcast_in_dim3A_684 = vector.broadcast %squeeze3A_683 : f32 to vector<16xf32>
        %sub3A_685 = arith.subf %broadcast_in_dim3A_684, %get3A_44 : vector<16xf32>
        %slice3A_686 = vector.extract_strided_slice %get3A_261 {offsets = [14], sizes = [1], strides = [1]} : vector<16xf32> to vector<1xf32>
        %squeeze3A_687 = vector.extract %slice3A_686[0] : f32 from vector<1xf32>
        %broadcast_in_dim3A_688 = vector.broadcast %squeeze3A_687 : f32 to vector<16xf32>
        %sub3A_689 = arith.subf %broadcast_in_dim3A_688, %get3A_48 : vector<16xf32>
        %slice3A_690 = vector.extract_strided_slice %get3A_265 {offsets = [14], sizes = [1], strides = [1]} : vector<16xf32> to vector<1xf32>
        %squeeze3A_691 = vector.extract %slice3A_690[0] : f32 from vector<1xf32>
        %broadcast_in_dim3A_692 = vector.broadcast %squeeze3A_691 : f32 to vector<16xf32>
        %sub3A_693 = arith.subf %broadcast_in_dim3A_692, %get3A_52 : vector<16xf32>
        %mul3A_694 = arith.mulf %sub3A_685, %sub3A_685 : vector<16xf32>
        %mul3A_695 = arith.mulf %sub3A_689, %sub3A_689 : vector<16xf32>
        %add3A_696 = arith.addf %mul3A_694, %mul3A_695 : vector<16xf32>
        %mul3A_697 = arith.mulf %sub3A_693, %sub3A_693 : vector<16xf32>
        %add3A_698 = arith.addf %add3A_696, %mul3A_697 : vector<16xf32>
        %lt3A_699 = arith.constant 4.000000e-02 : f32
        %lt3A_700 = vector.broadcast %lt3A_699 : f32 to vector<16xf32>
        %lt3A_701 = arith.cmpf olt, %add3A_698, %lt3A_700 : vector<16xf32>
        %lt3A_702 = arith.constant 32 : i32
        %lt3A_703 = vector.broadcast %lt3A_702 : i32 to vector<16xi32>
        %lt3A_704 = arith.cmpi slt, %add3A_681, %lt3A_703 : vector<16xi32>
        %and3A_705 = arith.andi %lt3A_701, %lt3A_704 : vector<16xi1>
        %add3A_706 = arith.addi %mul3A_57, %add3A_681 : vector<16xi32>
        %add3A_707 = arith.constant 14 : i32
        %add3A_708 = arith.addi %mul3A_253, %add3A_707 : i32
        %broadcast_in_dim3A_709 = vector.broadcast %add3A_708 : i32 to vector<16xi32>
        tpu.vector_store_idx %arg10[%add3A_706], %broadcast_in_dim3A_709 masked %and3A_705 : memref<8192xi32, #tpu.memory_space<vmem>>[vector<16xi32>], vector<16xi32>, vector<16xi1>
        %convert_element_type3A_710 = arith.extui %and3A_705 : vector<16xi1> to vector<16xi32>
        %add3A_711 = arith.addi %add3A_681, %convert_element_type3A_710 : vector<16xi32>
        %slice3A_712 = vector.extract_strided_slice %get3A_257 {offsets = [15], sizes = [1], strides = [1]} : vector<16xf32> to vector<1xf32>
        %squeeze3A_713 = vector.extract %slice3A_712[0] : f32 from vector<1xf32>
        %broadcast_in_dim3A_714 = vector.broadcast %squeeze3A_713 : f32 to vector<16xf32>
        %sub3A_715 = arith.subf %broadcast_in_dim3A_714, %get3A_44 : vector<16xf32>
        %slice3A_716 = vector.extract_strided_slice %get3A_261 {offsets = [15], sizes = [1], strides = [1]} : vector<16xf32> to vector<1xf32>
        %squeeze3A_717 = vector.extract %slice3A_716[0] : f32 from vector<1xf32>
        %broadcast_in_dim3A_718 = vector.broadcast %squeeze3A_717 : f32 to vector<16xf32>
        %sub3A_719 = arith.subf %broadcast_in_dim3A_718, %get3A_48 : vector<16xf32>
        %slice3A_720 = vector.extract_strided_slice %get3A_265 {offsets = [15], sizes = [1], strides = [1]} : vector<16xf32> to vector<1xf32>
        %squeeze3A_721 = vector.extract %slice3A_720[0] : f32 from vector<1xf32>
        %broadcast_in_dim3A_722 = vector.broadcast %squeeze3A_721 : f32 to vector<16xf32>
        %sub3A_723 = arith.subf %broadcast_in_dim3A_722, %get3A_52 : vector<16xf32>
        %mul3A_724 = arith.mulf %sub3A_715, %sub3A_715 : vector<16xf32>
        %mul3A_725 = arith.mulf %sub3A_719, %sub3A_719 : vector<16xf32>
        %add3A_726 = arith.addf %mul3A_724, %mul3A_725 : vector<16xf32>
        %mul3A_727 = arith.mulf %sub3A_723, %sub3A_723 : vector<16xf32>
        %add3A_728 = arith.addf %add3A_726, %mul3A_727 : vector<16xf32>
        %lt3A_729 = arith.constant 4.000000e-02 : f32
        %lt3A_730 = vector.broadcast %lt3A_729 : f32 to vector<16xf32>
        %lt3A_731 = arith.cmpf olt, %add3A_728, %lt3A_730 : vector<16xf32>
        %lt3A_732 = arith.constant 32 : i32
        %lt3A_733 = vector.broadcast %lt3A_732 : i32 to vector<16xi32>
        %lt3A_734 = arith.cmpi slt, %add3A_711, %lt3A_733 : vector<16xi32>
        %and3A_735 = arith.andi %lt3A_731, %lt3A_734 : vector<16xi1>
        %add3A_736 = arith.addi %mul3A_57, %add3A_711 : vector<16xi32>
        %add3A_737 = arith.constant 15 : i32
        %add3A_738 = arith.addi %mul3A_253, %add3A_737 : i32
        %broadcast_in_dim3A_739 = vector.broadcast %add3A_738 : i32 to vector<16xi32>
        tpu.vector_store_idx %arg10[%add3A_736], %broadcast_in_dim3A_739 masked %and3A_735 : memref<8192xi32, #tpu.memory_space<vmem>>[vector<16xi32>], vector<16xi32>, vector<16xi1>
        %convert_element_type3A_740 = arith.extui %and3A_735 : vector<16xi1> to vector<16xi32>
        %add3A_741 = arith.addi %add3A_711, %convert_element_type3A_740 : vector<16xi32>
        scf.yield %add3A_741 : vector<16xi32>
      }
      %scan3A_64 = arith.constant 512 : i32
      %gather3A = tpu.vector_load_idx %arg10[%mul3A_57] : memref<8192xi32, #tpu.memory_space<vmem>>[vector<16xi32>], vector<16xi32>,
      %add3A_65 = arith.constant 1 : i32
      %add3A_66 = vector.broadcast %add3A_65 : i32 to vector<16xi32>
      %add3A_67 = arith.addi %mul3A_57, %add3A_66 : vector<16xi32>
      %le3A = arith.constant 1 : i32
      %le3A_68 = vector.broadcast %le3A : i32 to vector<16xi32>
      %le3A_69 = arith.cmpi sle, %scan3A_63, %le3A_68 : vector<16xi32>
      tpu.vector_store_idx %arg10[%add3A_67], %gather3A masked %le3A_69 : memref<8192xi32, #tpu.memory_space<vmem>>[vector<16xi32>], vector<16xi32>, vector<16xi1>
      %add3A_70 = arith.constant 2 : i32
      %add3A_71 = vector.broadcast %add3A_70 : i32 to vector<16xi32>
      %add3A_72 = arith.addi %mul3A_57, %add3A_71 : vector<16xi32>
      %le3A_73 = arith.constant 2 : i32
      %le3A_74 = vector.broadcast %le3A_73 : i32 to vector<16xi32>
      %le3A_75 = arith.cmpi sle, %scan3A_63, %le3A_74 : vector<16xi32>
      tpu.vector_store_idx %arg10[%add3A_72], %gather3A masked %le3A_75 : memref<8192xi32, #tpu.memory_space<vmem>>[vector<16xi32>], vector<16xi32>, vector<16xi1>
      %add3A_76 = arith.constant 3 : i32
      %add3A_77 = vector.broadcast %add3A_76 : i32 to vector<16xi32>
      %add3A_78 = arith.addi %mul3A_57, %add3A_77 : vector<16xi32>
      %le3A_79 = arith.constant 3 : i32
      %le3A_80 = vector.broadcast %le3A_79 : i32 to vector<16xi32>
      %le3A_81 = arith.cmpi sle, %scan3A_63, %le3A_80 : vector<16xi32>
      tpu.vector_store_idx %arg10[%add3A_78], %gather3A masked %le3A_81 : memref<8192xi32, #tpu.memory_space<vmem>>[vector<16xi32>], vector<16xi32>, vector<16xi1>
      %add3A_82 = arith.constant 4 : i32
      %add3A_83 = vector.broadcast %add3A_82 : i32 to vector<16xi32>
      %add3A_84 = arith.addi %mul3A_57, %add3A_83 : vector<16xi32>
      %le3A_85 = arith.constant 4 : i32
      %le3A_86 = vector.broadcast %le3A_85 : i32 to vector<16xi32>
      %le3A_87 = arith.cmpi sle, %scan3A_63, %le3A_86 : vector<16xi32>
      tpu.vector_store_idx %arg10[%add3A_84], %gather3A masked %le3A_87 : memref<8192xi32, #tpu.memory_space<vmem>>[vector<16xi32>], vector<16xi32>, vector<16xi1>
      %add3A_88 = arith.constant 5 : i32
      %add3A_89 = vector.broadcast %add3A_88 : i32 to vector<16xi32>
      %add3A_90 = arith.addi %mul3A_57, %add3A_89 : vector<16xi32>
      %le3A_91 = arith.constant 5 : i32
      %le3A_92 = vector.broadcast %le3A_91 : i32 to vector<16xi32>
      %le3A_93 = arith.cmpi sle, %scan3A_63, %le3A_92 : vector<16xi32>
      tpu.vector_store_idx %arg10[%add3A_90], %gather3A masked %le3A_93 : memref<8192xi32, #tpu.memory_space<vmem>>[vector<16xi32>], vector<16xi32>, vector<16xi1>
      %add3A_94 = arith.constant 6 : i32
      %add3A_95 = vector.broadcast %add3A_94 : i32 to vector<16xi32>
      %add3A_96 = arith.addi %mul3A_57, %add3A_95 : vector<16xi32>
      %le3A_97 = arith.constant 6 : i32
      %le3A_98 = vector.broadcast %le3A_97 : i32 to vector<16xi32>
      %le3A_99 = arith.cmpi sle, %scan3A_63, %le3A_98 : vector<16xi32>
      tpu.vector_store_idx %arg10[%add3A_96], %gather3A masked %le3A_99 : memref<8192xi32, #tpu.memory_space<vmem>>[vector<16xi32>], vector<16xi32>, vector<16xi1>
      %add3A_100 = arith.constant 7 : i32
      %add3A_101 = vector.broadcast %add3A_100 : i32 to vector<16xi32>
      %add3A_102 = arith.addi %mul3A_57, %add3A_101 : vector<16xi32>
      %le3A_103 = arith.constant 7 : i32
      %le3A_104 = vector.broadcast %le3A_103 : i32 to vector<16xi32>
      %le3A_105 = arith.cmpi sle, %scan3A_63, %le3A_104 : vector<16xi32>
      tpu.vector_store_idx %arg10[%add3A_102], %gather3A masked %le3A_105 : memref<8192xi32, #tpu.memory_space<vmem>>[vector<16xi32>], vector<16xi32>, vector<16xi1>
      %add3A_106 = arith.constant 8 : i32
      %add3A_107 = vector.broadcast %add3A_106 : i32 to vector<16xi32>
      %add3A_108 = arith.addi %mul3A_57, %add3A_107 : vector<16xi32>
      %le3A_109 = arith.constant 8 : i32
      %le3A_110 = vector.broadcast %le3A_109 : i32 to vector<16xi32>
      %le3A_111 = arith.cmpi sle, %scan3A_63, %le3A_110 : vector<16xi32>
      tpu.vector_store_idx %arg10[%add3A_108], %gather3A masked %le3A_111 : memref<8192xi32, #tpu.memory_space<vmem>>[vector<16xi32>], vector<16xi32>, vector<16xi1>
      %add3A_112 = arith.constant 9 : i32
      %add3A_113 = vector.broadcast %add3A_112 : i32 to vector<16xi32>
      %add3A_114 = arith.addi %mul3A_57, %add3A_113 : vector<16xi32>
      %le3A_115 = arith.constant 9 : i32
      %le3A_116 = vector.broadcast %le3A_115 : i32 to vector<16xi32>
      %le3A_117 = arith.cmpi sle, %scan3A_63, %le3A_116 : vector<16xi32>
      tpu.vector_store_idx %arg10[%add3A_114], %gather3A masked %le3A_117 : memref<8192xi32, #tpu.memory_space<vmem>>[vector<16xi32>], vector<16xi32>, vector<16xi1>
      %add3A_118 = arith.constant 10 : i32
      %add3A_119 = vector.broadcast %add3A_118 : i32 to vector<16xi32>
      %add3A_120 = arith.addi %mul3A_57, %add3A_119 : vector<16xi32>
      %le3A_121 = arith.constant 10 : i32
      %le3A_122 = vector.broadcast %le3A_121 : i32 to vector<16xi32>
      %le3A_123 = arith.cmpi sle, %scan3A_63, %le3A_122 : vector<16xi32>
      tpu.vector_store_idx %arg10[%add3A_120], %gather3A masked %le3A_123 : memref<8192xi32, #tpu.memory_space<vmem>>[vector<16xi32>], vector<16xi32>, vector<16xi1>
      %add3A_124 = arith.constant 11 : i32
      %add3A_125 = vector.broadcast %add3A_124 : i32 to vector<16xi32>
      %add3A_126 = arith.addi %mul3A_57, %add3A_125 : vector<16xi32>
      %le3A_127 = arith.constant 11 : i32
      %le3A_128 = vector.broadcast %le3A_127 : i32 to vector<16xi32>
      %le3A_129 = arith.cmpi sle, %scan3A_63, %le3A_128 : vector<16xi32>
      tpu.vector_store_idx %arg10[%add3A_126], %gather3A masked %le3A_129 : memref<8192xi32, #tpu.memory_space<vmem>>[vector<16xi32>], vector<16xi32>, vector<16xi1>
      %add3A_130 = arith.constant 12 : i32
      %add3A_131 = vector.broadcast %add3A_130 : i32 to vector<16xi32>
      %add3A_132 = arith.addi %mul3A_57, %add3A_131 : vector<16xi32>
      %le3A_133 = arith.constant 12 : i32
      %le3A_134 = vector.broadcast %le3A_133 : i32 to vector<16xi32>
      %le3A_135 = arith.cmpi sle, %scan3A_63, %le3A_134 : vector<16xi32>
      tpu.vector_store_idx %arg10[%add3A_132], %gather3A masked %le3A_135 : memref<8192xi32, #tpu.memory_space<vmem>>[vector<16xi32>], vector<16xi32>, vector<16xi1>
      %add3A_136 = arith.constant 13 : i32
      %add3A_137 = vector.broadcast %add3A_136 : i32 to vector<16xi32>
      %add3A_138 = arith.addi %mul3A_57, %add3A_137 : vector<16xi32>
      %le3A_139 = arith.constant 13 : i32
      %le3A_140 = vector.broadcast %le3A_139 : i32 to vector<16xi32>
      %le3A_141 = arith.cmpi sle, %scan3A_63, %le3A_140 : vector<16xi32>
      tpu.vector_store_idx %arg10[%add3A_138], %gather3A masked %le3A_141 : memref<8192xi32, #tpu.memory_space<vmem>>[vector<16xi32>], vector<16xi32>, vector<16xi1>
      %add3A_142 = arith.constant 14 : i32
      %add3A_143 = vector.broadcast %add3A_142 : i32 to vector<16xi32>
      %add3A_144 = arith.addi %mul3A_57, %add3A_143 : vector<16xi32>
      %le3A_145 = arith.constant 14 : i32
      %le3A_146 = vector.broadcast %le3A_145 : i32 to vector<16xi32>
      %le3A_147 = arith.cmpi sle, %scan3A_63, %le3A_146 : vector<16xi32>
      tpu.vector_store_idx %arg10[%add3A_144], %gather3A masked %le3A_147 : memref<8192xi32, #tpu.memory_space<vmem>>[vector<16xi32>], vector<16xi32>, vector<16xi1>
      %add3A_148 = arith.constant 15 : i32
      %add3A_149 = vector.broadcast %add3A_148 : i32 to vector<16xi32>
      %add3A_150 = arith.addi %mul3A_57, %add3A_149 : vector<16xi32>
      %le3A_151 = arith.constant 15 : i32
      %le3A_152 = vector.broadcast %le3A_151 : i32 to vector<16xi32>
      %le3A_153 = arith.cmpi sle, %scan3A_63, %le3A_152 : vector<16xi32>
      tpu.vector_store_idx %arg10[%add3A_150], %gather3A masked %le3A_153 : memref<8192xi32, #tpu.memory_space<vmem>>[vector<16xi32>], vector<16xi32>, vector<16xi1>
      %add3A_154 = arith.constant 16 : i32
      %add3A_155 = vector.broadcast %add3A_154 : i32 to vector<16xi32>
      %add3A_156 = arith.addi %mul3A_57, %add3A_155 : vector<16xi32>
      %le3A_157 = arith.constant 16 : i32
      %le3A_158 = vector.broadcast %le3A_157 : i32 to vector<16xi32>
      %le3A_159 = arith.cmpi sle, %scan3A_63, %le3A_158 : vector<16xi32>
      tpu.vector_store_idx %arg10[%add3A_156], %gather3A masked %le3A_159 : memref<8192xi32, #tpu.memory_space<vmem>>[vector<16xi32>], vector<16xi32>, vector<16xi1>
      %add3A_160 = arith.constant 17 : i32
      %add3A_161 = vector.broadcast %add3A_160 : i32 to vector<16xi32>
      %add3A_162 = arith.addi %mul3A_57, %add3A_161 : vector<16xi32>
      %le3A_163 = arith.constant 17 : i32
      %le3A_164 = vector.broadcast %le3A_163 : i32 to vector<16xi32>
      %le3A_165 = arith.cmpi sle, %scan3A_63, %le3A_164 : vector<16xi32>
      tpu.vector_store_idx %arg10[%add3A_162], %gather3A masked %le3A_165 : memref<8192xi32, #tpu.memory_space<vmem>>[vector<16xi32>], vector<16xi32>, vector<16xi1>
      %add3A_166 = arith.constant 18 : i32
      %add3A_167 = vector.broadcast %add3A_166 : i32 to vector<16xi32>
      %add3A_168 = arith.addi %mul3A_57, %add3A_167 : vector<16xi32>
      %le3A_169 = arith.constant 18 : i32
      %le3A_170 = vector.broadcast %le3A_169 : i32 to vector<16xi32>
      %le3A_171 = arith.cmpi sle, %scan3A_63, %le3A_170 : vector<16xi32>
      tpu.vector_store_idx %arg10[%add3A_168], %gather3A masked %le3A_171 : memref<8192xi32, #tpu.memory_space<vmem>>[vector<16xi32>], vector<16xi32>, vector<16xi1>
      %add3A_172 = arith.constant 19 : i32
      %add3A_173 = vector.broadcast %add3A_172 : i32 to vector<16xi32>
      %add3A_174 = arith.addi %mul3A_57, %add3A_173 : vector<16xi32>
      %le3A_175 = arith.constant 19 : i32
      %le3A_176 = vector.broadcast %le3A_175 : i32 to vector<16xi32>
      %le3A_177 = arith.cmpi sle, %scan3A_63, %le3A_176 : vector<16xi32>
      tpu.vector_store_idx %arg10[%add3A_174], %gather3A masked %le3A_177 : memref<8192xi32, #tpu.memory_space<vmem>>[vector<16xi32>], vector<16xi32>, vector<16xi1>
      %add3A_178 = arith.constant 20 : i32
      %add3A_179 = vector.broadcast %add3A_178 : i32 to vector<16xi32>
      %add3A_180 = arith.addi %mul3A_57, %add3A_179 : vector<16xi32>
      %le3A_181 = arith.constant 20 : i32
      %le3A_182 = vector.broadcast %le3A_181 : i32 to vector<16xi32>
      %le3A_183 = arith.cmpi sle, %scan3A_63, %le3A_182 : vector<16xi32>
      tpu.vector_store_idx %arg10[%add3A_180], %gather3A masked %le3A_183 : memref<8192xi32, #tpu.memory_space<vmem>>[vector<16xi32>], vector<16xi32>, vector<16xi1>
      %add3A_184 = arith.constant 21 : i32
      %add3A_185 = vector.broadcast %add3A_184 : i32 to vector<16xi32>
      %add3A_186 = arith.addi %mul3A_57, %add3A_185 : vector<16xi32>
      %le3A_187 = arith.constant 21 : i32
      %le3A_188 = vector.broadcast %le3A_187 : i32 to vector<16xi32>
      %le3A_189 = arith.cmpi sle, %scan3A_63, %le3A_188 : vector<16xi32>
      tpu.vector_store_idx %arg10[%add3A_186], %gather3A masked %le3A_189 : memref<8192xi32, #tpu.memory_space<vmem>>[vector<16xi32>], vector<16xi32>, vector<16xi1>
      %add3A_190 = arith.constant 22 : i32
      %add3A_191 = vector.broadcast %add3A_190 : i32 to vector<16xi32>
      %add3A_192 = arith.addi %mul3A_57, %add3A_191 : vector<16xi32>
      %le3A_193 = arith.constant 22 : i32
      %le3A_194 = vector.broadcast %le3A_193 : i32 to vector<16xi32>
      %le3A_195 = arith.cmpi sle, %scan3A_63, %le3A_194 : vector<16xi32>
      tpu.vector_store_idx %arg10[%add3A_192], %gather3A masked %le3A_195 : memref<8192xi32, #tpu.memory_space<vmem>>[vector<16xi32>], vector<16xi32>, vector<16xi1>
      %add3A_196 = arith.constant 23 : i32
      %add3A_197 = vector.broadcast %add3A_196 : i32 to vector<16xi32>
      %add3A_198 = arith.addi %mul3A_57, %add3A_197 : vector<16xi32>
      %le3A_199 = arith.constant 23 : i32
      %le3A_200 = vector.broadcast %le3A_199 : i32 to vector<16xi32>
      %le3A_201 = arith.cmpi sle, %scan3A_63, %le3A_200 : vector<16xi32>
      tpu.vector_store_idx %arg10[%add3A_198], %gather3A masked %le3A_201 : memref<8192xi32, #tpu.memory_space<vmem>>[vector<16xi32>], vector<16xi32>, vector<16xi1>
      %add3A_202 = arith.constant 24 : i32
      %add3A_203 = vector.broadcast %add3A_202 : i32 to vector<16xi32>
      %add3A_204 = arith.addi %mul3A_57, %add3A_203 : vector<16xi32>
      %le3A_205 = arith.constant 24 : i32
      %le3A_206 = vector.broadcast %le3A_205 : i32 to vector<16xi32>
      %le3A_207 = arith.cmpi sle, %scan3A_63, %le3A_206 : vector<16xi32>
      tpu.vector_store_idx %arg10[%add3A_204], %gather3A masked %le3A_207 : memref<8192xi32, #tpu.memory_space<vmem>>[vector<16xi32>], vector<16xi32>, vector<16xi1>
      %add3A_208 = arith.constant 25 : i32
      %add3A_209 = vector.broadcast %add3A_208 : i32 to vector<16xi32>
      %add3A_210 = arith.addi %mul3A_57, %add3A_209 : vector<16xi32>
      %le3A_211 = arith.constant 25 : i32
      %le3A_212 = vector.broadcast %le3A_211 : i32 to vector<16xi32>
      %le3A_213 = arith.cmpi sle, %scan3A_63, %le3A_212 : vector<16xi32>
      tpu.vector_store_idx %arg10[%add3A_210], %gather3A masked %le3A_213 : memref<8192xi32, #tpu.memory_space<vmem>>[vector<16xi32>], vector<16xi32>, vector<16xi1>
      %add3A_214 = arith.constant 26 : i32
      %add3A_215 = vector.broadcast %add3A_214 : i32 to vector<16xi32>
      %add3A_216 = arith.addi %mul3A_57, %add3A_215 : vector<16xi32>
      %le3A_217 = arith.constant 26 : i32
      %le3A_218 = vector.broadcast %le3A_217 : i32 to vector<16xi32>
      %le3A_219 = arith.cmpi sle, %scan3A_63, %le3A_218 : vector<16xi32>
      tpu.vector_store_idx %arg10[%add3A_216], %gather3A masked %le3A_219 : memref<8192xi32, #tpu.memory_space<vmem>>[vector<16xi32>], vector<16xi32>, vector<16xi1>
      %add3A_220 = arith.constant 27 : i32
      %add3A_221 = vector.broadcast %add3A_220 : i32 to vector<16xi32>
      %add3A_222 = arith.addi %mul3A_57, %add3A_221 : vector<16xi32>
      %le3A_223 = arith.constant 27 : i32
      %le3A_224 = vector.broadcast %le3A_223 : i32 to vector<16xi32>
      %le3A_225 = arith.cmpi sle, %scan3A_63, %le3A_224 : vector<16xi32>
      tpu.vector_store_idx %arg10[%add3A_222], %gather3A masked %le3A_225 : memref<8192xi32, #tpu.memory_space<vmem>>[vector<16xi32>], vector<16xi32>, vector<16xi1>
      %add3A_226 = arith.constant 28 : i32
      %add3A_227 = vector.broadcast %add3A_226 : i32 to vector<16xi32>
      %add3A_228 = arith.addi %mul3A_57, %add3A_227 : vector<16xi32>
      %le3A_229 = arith.constant 28 : i32
      %le3A_230 = vector.broadcast %le3A_229 : i32 to vector<16xi32>
      %le3A_231 = arith.cmpi sle, %scan3A_63, %le3A_230 : vector<16xi32>
      tpu.vector_store_idx %arg10[%add3A_228], %gather3A masked %le3A_231 : memref<8192xi32, #tpu.memory_space<vmem>>[vector<16xi32>], vector<16xi32>, vector<16xi1>
      %add3A_232 = arith.constant 29 : i32
      %add3A_233 = vector.broadcast %add3A_232 : i32 to vector<16xi32>
      %add3A_234 = arith.addi %mul3A_57, %add3A_233 : vector<16xi32>
      %le3A_235 = arith.constant 29 : i32
      %le3A_236 = vector.broadcast %le3A_235 : i32 to vector<16xi32>
      %le3A_237 = arith.cmpi sle, %scan3A_63, %le3A_236 : vector<16xi32>
      tpu.vector_store_idx %arg10[%add3A_234], %gather3A masked %le3A_237 : memref<8192xi32, #tpu.memory_space<vmem>>[vector<16xi32>], vector<16xi32>, vector<16xi1>
      %add3A_238 = arith.constant 30 : i32
      %add3A_239 = vector.broadcast %add3A_238 : i32 to vector<16xi32>
      %add3A_240 = arith.addi %mul3A_57, %add3A_239 : vector<16xi32>
      %le3A_241 = arith.constant 30 : i32
      %le3A_242 = vector.broadcast %le3A_241 : i32 to vector<16xi32>
      %le3A_243 = arith.cmpi sle, %scan3A_63, %le3A_242 : vector<16xi32>
      tpu.vector_store_idx %arg10[%add3A_240], %gather3A masked %le3A_243 : memref<8192xi32, #tpu.memory_space<vmem>>[vector<16xi32>], vector<16xi32>, vector<16xi1>
      %add3A_244 = arith.constant 31 : i32
      %add3A_245 = vector.broadcast %add3A_244 : i32 to vector<16xi32>
      %add3A_246 = arith.addi %mul3A_57, %add3A_245 : vector<16xi32>
      %le3A_247 = arith.constant 31 : i32
      %le3A_248 = vector.broadcast %le3A_247 : i32 to vector<16xi32>
      %le3A_249 = arith.cmpi sle, %scan3A_63, %le3A_248 : vector<16xi32>
      tpu.vector_store_idx %arg10[%add3A_246], %gather3A masked %le3A_249 : memref<8192xi32, #tpu.memory_space<vmem>>[vector<16xi32>], vector<16xi32>, vector<16xi1>
    }
    %scan3A_26 = arith.constant 16 : i32
    "tpu.region"() ({
      %run_scoped3A = tpu.sem_alloc : memref<!tpu.dma_semaphore, #tpu.memory_space<semaphore_mem>>
      %dma_start3A = arith.constant 0 : i32
      %dma_start3A_39 = arith.constant 0 : i32
      %dma_start3A_40 = tpu.memref_slice %arg9[%dma_start3A, %dma_start3A_39] : memref<8x8192xf32, #tpu.memory_space<vmem>> -> memref<8x8192xf32, #tpu.memory_space<vmem>>
      %dma_start3A_41 = arith.constant 0 : i32
      %dma_start3A_42 = arith.constant 0 : i32
      %dma_start3A_43 = tpu.memref_slice %arg4[%select_n3A, %dma_start3A_41, %dma_start3A_42] : memref<8x16x8192xf32, #tpu.memory_space<hbm>> -> memref<1x8x8192xf32, #tpu.memory_space<hbm>>
      %dma_start3A_44 = tpu.memref_squeeze %dma_start3A_43 : memref<1x8x8192xf32, #tpu.memory_space<hbm>> -> memref<8x8192xf32, #tpu.memory_space<hbm>>
      %dma_start3A_45 = arith.constant 0 : i32
      %dma_start3A_46 = arith.constant 0 : i32
      %dma_start3A_47 = tpu.memref_slice %arg9[%dma_start3A_45, %dma_start3A_46] : memref<8x8192xf32, #tpu.memory_space<vmem>> -> memref<8x8192xf32, #tpu.memory_space<vmem>>
      %dma_start3A_48 = arith.constant 0 : i32
      %dma_start3A_49 = arith.constant 0 : i32
      %dma_start3A_50 = tpu.memref_slice %arg4[%select_n3A, %dma_start3A_48, %dma_start3A_49] : memref<8x16x8192xf32, #tpu.memory_space<hbm>> -> memref<1x8x8192xf32, #tpu.memory_space<hbm>>
      %dma_start3A_51 = tpu.memref_squeeze %dma_start3A_50 : memref<1x8x8192xf32, #tpu.memory_space<hbm>> -> memref<8x8192xf32, #tpu.memory_space<hbm>>
      tpu.enqueue_dma source(%dma_start3A_51 : memref<8x8192xf32, #tpu.memory_space<hbm>>) target(%dma_start3A_47 : memref<8x8192xf32, #tpu.memory_space<vmem>>) target_semaphore(%run_scoped3A : memref<!tpu.dma_semaphore, #tpu.memory_space<semaphore_mem>>)
      %dma_wait3A = arith.constant 0 : i32
      %dma_wait3A_52 = arith.constant 0 : i32
      %dma_wait3A_53 = tpu.memref_slice %arg9[%dma_wait3A, %dma_wait3A_52] : memref<8x8192xf32, #tpu.memory_space<vmem>> -> memref<8x8192xf32, #tpu.memory_space<vmem>>
      %dma_wait3A_54 = arith.constant 0 : i32
      %dma_wait3A_55 = arith.constant 0 : i32
      %dma_wait3A_56 = tpu.memref_slice %arg4[%select_n3A, %dma_wait3A_54, %dma_wait3A_55] : memref<8x16x8192xf32, #tpu.memory_space<hbm>> -> memref<1x8x8192xf32, #tpu.memory_space<hbm>>
      %dma_wait3A_57 = tpu.memref_squeeze %dma_wait3A_56 : memref<1x8x8192xf32, #tpu.memory_space<hbm>> -> memref<8x8192xf32, #tpu.memory_space<hbm>>
      %dma_wait3A_58 = arith.constant 0 : i32
      %dma_wait3A_59 = arith.constant 0 : i32
      %dma_wait3A_60 = tpu.memref_slice %arg9[%dma_wait3A_58, %dma_wait3A_59] : memref<8x8192xf32, #tpu.memory_space<vmem>> -> memref<8x8192xf32, #tpu.memory_space<vmem>>
      %dma_wait3A_61 = arith.constant 0 : i32
      %dma_wait3A_62 = arith.constant 0 : i32
      %dma_wait3A_63 = tpu.memref_slice %arg4[%select_n3A, %dma_wait3A_61, %dma_wait3A_62] : memref<8x16x8192xf32, #tpu.memory_space<hbm>> -> memref<1x8x8192xf32, #tpu.memory_space<hbm>>
      %dma_wait3A_64 = tpu.memref_squeeze %dma_wait3A_63 : memref<1x8x8192xf32, #tpu.memory_space<hbm>> -> memref<8x8192xf32, #tpu.memory_space<hbm>>
      tpu.wait_dma2 semaphore(%run_scoped3A : memref<!tpu.dma_semaphore, #tpu.memory_space<semaphore_mem>>) src(%dma_wait3A_64 : memref<8x8192xf32, #tpu.memory_space<hbm>>) dst(%dma_wait3A_60 : memref<8x8192xf32, #tpu.memory_space<vmem>>)
      tpu.yield
    }) : () -> ()
    %scan3A_27 = arith.constant 0 : i32
    %scan3A_28 = arith.constant 0 : i32
    %scan3A_29 = arith.constant 16 : i32
    %scan3A_30 = arith.addi %scan3A_28, %scan3A_29 : i32
    %scan3A_31 = arith.constant 1 : i32
    scf.for %scan3A_39 = %scan3A_28 to %scan3A_30 step %scan3A_31  : i32 {
      %mul3A_40 = arith.constant 512 : i32
      %mul3A_41 = arith.muli %scan3A_39, %mul3A_40 : i32
      %scan3A_42 = arith.constant 0 : i32
      %scan3A_43 = arith.constant 0 : i32
      %scan3A_44 = arith.constant 32 : i32
      %scan3A_45 = arith.addi %scan3A_43, %scan3A_44 : i32
      %scan3A_46 = arith.constant 1 : i32
      scf.for %scan3A_81 = %scan3A_43 to %scan3A_45 step %scan3A_46  : i32 {
        %mul3A_82 = arith.constant 16 : i32
        %mul3A_83 = arith.muli %scan3A_81, %mul3A_82 : i32
        %add3A_84 = arith.addi %mul3A_41, %mul3A_83 : i32
        %get3A = arith.index_cast %add3A_84 : i32 to index
        %get3A_85 = tpu.vector_load %arg10[%get3A] {strides = array<i32>} : memref<8192xi32, #tpu.memory_space<vmem>>, vector<16xi32>,
        %add3A_86 = arith.addi %mul3A_41, %mul3A_83 : i32
        %jit3A_87 = arith.constant 32 : i32
        %div3A_88 = arith.divsi %add3A_86, %jit3A_87 : i32
        %sign3A_89 = arith.constant 0 : i32
        %sign3A_90 = arith.cmpi sgt, %add3A_86, %sign3A_89 : i32
        %sign3A_91 = arith.extui %sign3A_90 : i1 to i32
        %sign3A_92 = arith.constant 0 : i32
        %sign3A_93 = arith.cmpi slt, %add3A_86, %sign3A_92 : i32
        %sign3A_94 = arith.extui %sign3A_93 : i1 to i32
        %sign3A_95 = arith.subi %sign3A_91, %sign3A_94 : i32
        %sign3A_96 = arith.constant 0 : i32
        %sign3A_97 = arith.cmpi sgt, %jit3A_87, %sign3A_96 : i32
        %sign3A_98 = arith.extui %sign3A_97 : i1 to i32
        %sign3A_99 = arith.constant 0 : i32
        %sign3A_100 = arith.cmpi slt, %jit3A_87, %sign3A_99 : i32
        %sign3A_101 = arith.extui %sign3A_100 : i1 to i32
        %sign3A_102 = arith.subi %sign3A_98, %sign3A_101 : i32
        %ne3A_103 = arith.cmpi ne, %sign3A_95, %sign3A_102 : i32
        %rem3A_104 = arith.remsi %add3A_86, %jit3A_87 : i32
        %ne3A_105 = arith.constant 0 : i32
        %ne3A_106 = arith.cmpi ne, %rem3A_104, %ne3A_105 : i32
        %and3A_107 = arith.andi %ne3A_103, %ne3A_106 : i1
        %sub3A_108 = arith.constant 1 : i32
        %sub3A_109 = arith.subi %div3A_88, %sub3A_108 : i32
        %select_n3A_110 = arith.select %and3A_107, %sub3A_109, %div3A_88 : i32
        %broadcast_in_dim3A = arith.constant 0 : i32
        %broadcast_in_dim3A_111 = vector.broadcast %broadcast_in_dim3A : i32 to vector<16xi32>
        %gather3A = tpu.vector_load_idx %arg7[%broadcast_in_dim3A_111, %get3A_85] : memref<3x8192xf32, #tpu.memory_space<vmem>>[vector<16xi32>, vector<16xi32>], vector<16xf32>,
        %broadcast_in_dim3A_112 = arith.constant 0 : i32
        %broadcast_in_dim3A_113 = vector.broadcast %broadcast_in_dim3A_112 : i32 to vector<16xi32>
        %broadcast_in_dim3A_114 = vector.broadcast %select_n3A_110 : i32 to vector<16xi32>
        %gather3A_115 = tpu.vector_load_idx %arg8[%broadcast_in_dim3A_113, %broadcast_in_dim3A_114] : memref<3x256xf32, #tpu.memory_space<vmem>>[vector<16xi32>, vector<16xi32>], vector<16xf32>,
        %sub3A_116 = arith.subf %gather3A, %gather3A_115 : vector<16xf32>
        %swap3A = arith.constant 0 : i32
        %swap3A_117 = arith.index_cast %swap3A : i32 to index
        %swap3A_118 = arith.index_cast %mul3A_83 : i32 to index
        %swap3A_119 = tpu.vector_load %arg11[%swap3A_117, %swap3A_118] {strides = array<i32>} : memref<11x512xf32, #tpu.memory_space<vmem>>, vector<16xf32>,
        tpu.vector_store %arg11[%swap3A_117, %swap3A_118], %sub3A_116 {strides = array<i32>} : memref<11x512xf32, #tpu.memory_space<vmem>>, vector<16xf32>,
        %broadcast_in_dim3A_120 = arith.constant 1 : i32
        %broadcast_in_dim3A_121 = vector.broadcast %broadcast_in_dim3A_120 : i32 to vector<16xi32>
        %gather3A_122 = tpu.vector_load_idx %arg7[%broadcast_in_dim3A_121, %get3A_85] : memref<3x8192xf32, #tpu.memory_space<vmem>>[vector<16xi32>, vector<16xi32>], vector<16xf32>,
        %broadcast_in_dim3A_123 = arith.constant 1 : i32
        %broadcast_in_dim3A_124 = vector.broadcast %broadcast_in_dim3A_123 : i32 to vector<16xi32>
        %broadcast_in_dim3A_125 = vector.broadcast %select_n3A_110 : i32 to vector<16xi32>
        %gather3A_126 = tpu.vector_load_idx %arg8[%broadcast_in_dim3A_124, %broadcast_in_dim3A_125] : memref<3x256xf32, #tpu.memory_space<vmem>>[vector<16xi32>, vector<16xi32>], vector<16xf32>,
        %sub3A_127 = arith.subf %gather3A_122, %gather3A_126 : vector<16xf32>
        %swap3A_128 = arith.constant 1 : i32
        %swap3A_129 = arith.index_cast %swap3A_128 : i32 to index
        %swap3A_130 = arith.index_cast %mul3A_83 : i32 to index
        %swap3A_131 = tpu.vector_load %arg11[%swap3A_129, %swap3A_130] {strides = array<i32>} : memref<11x512xf32, #tpu.memory_space<vmem>>, vector<16xf32>,
        tpu.vector_store %arg11[%swap3A_129, %swap3A_130], %sub3A_127 {strides = array<i32>} : memref<11x512xf32, #tpu.memory_space<vmem>>, vector<16xf32>,
        %broadcast_in_dim3A_132 = arith.constant 2 : i32
        %broadcast_in_dim3A_133 = vector.broadcast %broadcast_in_dim3A_132 : i32 to vector<16xi32>
        %gather3A_134 = tpu.vector_load_idx %arg7[%broadcast_in_dim3A_133, %get3A_85] : memref<3x8192xf32, #tpu.memory_space<vmem>>[vector<16xi32>, vector<16xi32>], vector<16xf32>,
        %broadcast_in_dim3A_135 = arith.constant 2 : i32
        %broadcast_in_dim3A_136 = vector.broadcast %broadcast_in_dim3A_135 : i32 to vector<16xi32>
        %broadcast_in_dim3A_137 = vector.broadcast %select_n3A_110 : i32 to vector<16xi32>
        %gather3A_138 = tpu.vector_load_idx %arg8[%broadcast_in_dim3A_136, %broadcast_in_dim3A_137] : memref<3x256xf32, #tpu.memory_space<vmem>>[vector<16xi32>, vector<16xi32>], vector<16xf32>,
        %sub3A_139 = arith.subf %gather3A_134, %gather3A_138 : vector<16xf32>
        %swap3A_140 = arith.constant 2 : i32
        %swap3A_141 = arith.index_cast %swap3A_140 : i32 to index
        %swap3A_142 = arith.index_cast %mul3A_83 : i32 to index
        %swap3A_143 = tpu.vector_load %arg11[%swap3A_141, %swap3A_142] {strides = array<i32>} : memref<11x512xf32, #tpu.memory_space<vmem>>, vector<16xf32>,
        tpu.vector_store %arg11[%swap3A_141, %swap3A_142], %sub3A_139 {strides = array<i32>} : memref<11x512xf32, #tpu.memory_space<vmem>>, vector<16xf32>,
        %broadcast_in_dim3A_144 = arith.constant 0 : i32
        %broadcast_in_dim3A_145 = vector.broadcast %broadcast_in_dim3A_144 : i32 to vector<16xi32>
        %gather3A_146 = tpu.vector_load_idx %arg9[%broadcast_in_dim3A_145, %get3A_85] : memref<8x8192xf32, #tpu.memory_space<vmem>>[vector<16xi32>, vector<16xi32>], vector<16xf32>,
        %swap3A_147 = arith.constant 3 : i32
        %swap3A_148 = arith.index_cast %swap3A_147 : i32 to index
        %swap3A_149 = arith.index_cast %mul3A_83 : i32 to index
        %swap3A_150 = tpu.vector_load %arg11[%swap3A_148, %swap3A_149] {strides = array<i32>} : memref<11x512xf32, #tpu.memory_space<vmem>>, vector<16xf32>,
        tpu.vector_store %arg11[%swap3A_148, %swap3A_149], %gather3A_146 {strides = array<i32>} : memref<11x512xf32, #tpu.memory_space<vmem>>, vector<16xf32>,
        %broadcast_in_dim3A_151 = arith.constant 1 : i32
        %broadcast_in_dim3A_152 = vector.broadcast %broadcast_in_dim3A_151 : i32 to vector<16xi32>
        %gather3A_153 = tpu.vector_load_idx %arg9[%broadcast_in_dim3A_152, %get3A_85] : memref<8x8192xf32, #tpu.memory_space<vmem>>[vector<16xi32>, vector<16xi32>], vector<16xf32>,
        %swap3A_154 = arith.constant 4 : i32
        %swap3A_155 = arith.index_cast %swap3A_154 : i32 to index
        %swap3A_156 = arith.index_cast %mul3A_83 : i32 to index
        %swap3A_157 = tpu.vector_load %arg11[%swap3A_155, %swap3A_156] {strides = array<i32>} : memref<11x512xf32, #tpu.memory_space<vmem>>, vector<16xf32>,
        tpu.vector_store %arg11[%swap3A_155, %swap3A_156], %gather3A_153 {strides = array<i32>} : memref<11x512xf32, #tpu.memory_space<vmem>>, vector<16xf32>,
        %broadcast_in_dim3A_158 = arith.constant 2 : i32
        %broadcast_in_dim3A_159 = vector.broadcast %broadcast_in_dim3A_158 : i32 to vector<16xi32>
        %gather3A_160 = tpu.vector_load_idx %arg9[%broadcast_in_dim3A_159, %get3A_85] : memref<8x8192xf32, #tpu.memory_space<vmem>>[vector<16xi32>, vector<16xi32>], vector<16xf32>,
        %swap3A_161 = arith.constant 5 : i32
        %swap3A_162 = arith.index_cast %swap3A_161 : i32 to index
        %swap3A_163 = arith.index_cast %mul3A_83 : i32 to index
        %swap3A_164 = tpu.vector_load %arg11[%swap3A_162, %swap3A_163] {strides = array<i32>} : memref<11x512xf32, #tpu.memory_space<vmem>>, vector<16xf32>,
        tpu.vector_store %arg11[%swap3A_162, %swap3A_163], %gather3A_160 {strides = array<i32>} : memref<11x512xf32, #tpu.memory_space<vmem>>, vector<16xf32>,
        %broadcast_in_dim3A_165 = arith.constant 3 : i32
        %broadcast_in_dim3A_166 = vector.broadcast %broadcast_in_dim3A_165 : i32 to vector<16xi32>
        %gather3A_167 = tpu.vector_load_idx %arg9[%broadcast_in_dim3A_166, %get3A_85] : memref<8x8192xf32, #tpu.memory_space<vmem>>[vector<16xi32>, vector<16xi32>], vector<16xf32>,
        %swap3A_168 = arith.constant 6 : i32
        %swap3A_169 = arith.index_cast %swap3A_168 : i32 to index
        %swap3A_170 = arith.index_cast %mul3A_83 : i32 to index
        %swap3A_171 = tpu.vector_load %arg11[%swap3A_169, %swap3A_170] {strides = array<i32>} : memref<11x512xf32, #tpu.memory_space<vmem>>, vector<16xf32>,
        tpu.vector_store %arg11[%swap3A_169, %swap3A_170], %gather3A_167 {strides = array<i32>} : memref<11x512xf32, #tpu.memory_space<vmem>>, vector<16xf32>,
        %broadcast_in_dim3A_172 = arith.constant 4 : i32
        %broadcast_in_dim3A_173 = vector.broadcast %broadcast_in_dim3A_172 : i32 to vector<16xi32>
        %gather3A_174 = tpu.vector_load_idx %arg9[%broadcast_in_dim3A_173, %get3A_85] : memref<8x8192xf32, #tpu.memory_space<vmem>>[vector<16xi32>, vector<16xi32>], vector<16xf32>,
        %swap3A_175 = arith.constant 7 : i32
        %swap3A_176 = arith.index_cast %swap3A_175 : i32 to index
        %swap3A_177 = arith.index_cast %mul3A_83 : i32 to index
        %swap3A_178 = tpu.vector_load %arg11[%swap3A_176, %swap3A_177] {strides = array<i32>} : memref<11x512xf32, #tpu.memory_space<vmem>>, vector<16xf32>,
        tpu.vector_store %arg11[%swap3A_176, %swap3A_177], %gather3A_174 {strides = array<i32>} : memref<11x512xf32, #tpu.memory_space<vmem>>, vector<16xf32>,
        %broadcast_in_dim3A_179 = arith.constant 5 : i32
        %broadcast_in_dim3A_180 = vector.broadcast %broadcast_in_dim3A_179 : i32 to vector<16xi32>
        %gather3A_181 = tpu.vector_load_idx %arg9[%broadcast_in_dim3A_180, %get3A_85] : memref<8x8192xf32, #tpu.memory_space<vmem>>[vector<16xi32>, vector<16xi32>], vector<16xf32>,
        %swap3A_182 = arith.constant 8 : i32
        %swap3A_183 = arith.index_cast %swap3A_182 : i32 to index
        %swap3A_184 = arith.index_cast %mul3A_83 : i32 to index
        %swap3A_185 = tpu.vector_load %arg11[%swap3A_183, %swap3A_184] {strides = array<i32>} : memref<11x512xf32, #tpu.memory_space<vmem>>, vector<16xf32>,
        tpu.vector_store %arg11[%swap3A_183, %swap3A_184], %gather3A_181 {strides = array<i32>} : memref<11x512xf32, #tpu.memory_space<vmem>>, vector<16xf32>,
        %broadcast_in_dim3A_186 = arith.constant 6 : i32
        %broadcast_in_dim3A_187 = vector.broadcast %broadcast_in_dim3A_186 : i32 to vector<16xi32>
        %gather3A_188 = tpu.vector_load_idx %arg9[%broadcast_in_dim3A_187, %get3A_85] : memref<8x8192xf32, #tpu.memory_space<vmem>>[vector<16xi32>, vector<16xi32>], vector<16xf32>,
        %swap3A_189 = arith.constant 9 : i32
        %swap3A_190 = arith.index_cast %swap3A_189 : i32 to index
        %swap3A_191 = arith.index_cast %mul3A_83 : i32 to index
        %swap3A_192 = tpu.vector_load %arg11[%swap3A_190, %swap3A_191] {strides = array<i32>} : memref<11x512xf32, #tpu.memory_space<vmem>>, vector<16xf32>,
        tpu.vector_store %arg11[%swap3A_190, %swap3A_191], %gather3A_188 {strides = array<i32>} : memref<11x512xf32, #tpu.memory_space<vmem>>, vector<16xf32>,
        %broadcast_in_dim3A_193 = arith.constant 7 : i32
        %broadcast_in_dim3A_194 = vector.broadcast %broadcast_in_dim3A_193 : i32 to vector<16xi32>
        %gather3A_195 = tpu.vector_load_idx %arg9[%broadcast_in_dim3A_194, %get3A_85] : memref<8x8192xf32, #tpu.memory_space<vmem>>[vector<16xi32>, vector<16xi32>], vector<16xf32>,
        %swap3A_196 = arith.constant 10 : i32
        %swap3A_197 = arith.index_cast %swap3A_196 : i32 to index
        %swap3A_198 = arith.index_cast %mul3A_83 : i32 to index
        %swap3A_199 = tpu.vector_load %arg11[%swap3A_197, %swap3A_198] {strides = array<i32>} : memref<11x512xf32, #tpu.memory_space<vmem>>, vector<16xf32>,
        tpu.vector_store %arg11[%swap3A_197, %swap3A_198], %gather3A_195 {strides = array<i32>} : memref<11x512xf32, #tpu.memory_space<vmem>>, vector<16xf32>,
      }
      %scan3A_47 = arith.constant 32 : i32
      %mul3A_48 = arith.constant 8192 : i32
      %mul3A_49 = arith.muli %add3A, %mul3A_48 : i32
      %add3A_50 = arith.addi %mul3A_49, %mul3A_41 : i32
      "tpu.region"() ({
        %run_scoped3A = tpu.sem_alloc : memref<!tpu.dma_semaphore, #tpu.memory_space<semaphore_mem>>
        %dma_start3A = arith.constant 0 : i32
        %dma_start3A_81 = arith.constant 0 : i32
        %dma_start3A_82 = tpu.memref_slice %arg11[%dma_start3A, %dma_start3A_81] : memref<11x512xf32, #tpu.memory_space<vmem>> -> memref<1x512xf32, #tpu.memory_space<vmem>>
        %dma_start3A_83 = arith.constant 0 : i32
        %dma_start3A_84 = tpu.memref_slice %arg5[%dma_start3A_83, %add3A_50] : memref<11x262144xf32, #tpu.memory_space<hbm>> -> memref<1x512xf32, #tpu.memory_space<hbm>>
        %dma_start3A_85 = arith.constant 0 : i32
        %dma_start3A_86 = tpu.memref_slice %arg5[%dma_start3A_85, %add3A_50] : memref<11x262144xf32, #tpu.memory_space<hbm>> -> memref<1x512xf32, #tpu.memory_space<hbm>>
        %dma_start3A_87 = arith.constant 0 : i32
        %dma_start3A_88 = arith.constant 0 : i32
        %dma_start3A_89 = tpu.memref_slice %arg11[%dma_start3A_87, %dma_start3A_88] : memref<11x512xf32, #tpu.memory_space<vmem>> -> memref<1x512xf32, #tpu.memory_space<vmem>>
        tpu.enqueue_dma source(%dma_start3A_89 : memref<1x512xf32, #tpu.memory_space<vmem>>) target(%dma_start3A_86 : memref<1x512xf32, #tpu.memory_space<hbm>>) target_semaphore(%run_scoped3A : memref<!tpu.dma_semaphore, #tpu.memory_space<semaphore_mem>>)
        %dma_wait3A = arith.constant 0 : i32
        %dma_wait3A_90 = arith.constant 0 : i32
        %dma_wait3A_91 = tpu.memref_slice %arg11[%dma_wait3A, %dma_wait3A_90] : memref<11x512xf32, #tpu.memory_space<vmem>> -> memref<1x512xf32, #tpu.memory_space<vmem>>
        %dma_wait3A_92 = arith.constant 0 : i32
        %dma_wait3A_93 = tpu.memref_slice %arg5[%dma_wait3A_92, %add3A_50] : memref<11x262144xf32, #tpu.memory_space<hbm>> -> memref<1x512xf32, #tpu.memory_space<hbm>>
        %dma_wait3A_94 = arith.constant 0 : i32
        %dma_wait3A_95 = tpu.memref_slice %arg5[%dma_wait3A_94, %add3A_50] : memref<11x262144xf32, #tpu.memory_space<hbm>> -> memref<1x512xf32, #tpu.memory_space<hbm>>
        %dma_wait3A_96 = arith.constant 0 : i32
        %dma_wait3A_97 = arith.constant 0 : i32
        %dma_wait3A_98 = tpu.memref_slice %arg11[%dma_wait3A_96, %dma_wait3A_97] : memref<11x512xf32, #tpu.memory_space<vmem>> -> memref<1x512xf32, #tpu.memory_space<vmem>>
        tpu.wait_dma2 semaphore(%run_scoped3A : memref<!tpu.dma_semaphore, #tpu.memory_space<semaphore_mem>>) src(%dma_wait3A_98 : memref<1x512xf32, #tpu.memory_space<vmem>>) dst(%dma_wait3A_95 : memref<1x512xf32, #tpu.memory_space<hbm>>)
        tpu.yield
      }) : () -> ()
      %mul3A_51 = arith.constant 8192 : i32
      %mul3A_52 = arith.muli %add3A, %mul3A_51 : i32
      %add3A_53 = arith.addi %mul3A_52, %mul3A_41 : i32
      "tpu.region"() ({
        %run_scoped3A = tpu.sem_alloc : memref<!tpu.dma_semaphore, #tpu.memory_space<semaphore_mem>>
        %dma_start3A = arith.constant 1 : i32
        %dma_start3A_81 = arith.constant 0 : i32
        %dma_start3A_82 = tpu.memref_slice %arg11[%dma_start3A, %dma_start3A_81] : memref<11x512xf32, #tpu.memory_space<vmem>> -> memref<1x512xf32, #tpu.memory_space<vmem>>
        %dma_start3A_83 = arith.constant 1 : i32
        %dma_start3A_84 = tpu.memref_slice %arg5[%dma_start3A_83, %add3A_53] : memref<11x262144xf32, #tpu.memory_space<hbm>> -> memref<1x512xf32, #tpu.memory_space<hbm>>
        %dma_start3A_85 = arith.constant 1 : i32
        %dma_start3A_86 = tpu.memref_slice %arg5[%dma_start3A_85, %add3A_53] : memref<11x262144xf32, #tpu.memory_space<hbm>> -> memref<1x512xf32, #tpu.memory_space<hbm>>
        %dma_start3A_87 = arith.constant 1 : i32
        %dma_start3A_88 = arith.constant 0 : i32
        %dma_start3A_89 = tpu.memref_slice %arg11[%dma_start3A_87, %dma_start3A_88] : memref<11x512xf32, #tpu.memory_space<vmem>> -> memref<1x512xf32, #tpu.memory_space<vmem>>
        tpu.enqueue_dma source(%dma_start3A_89 : memref<1x512xf32, #tpu.memory_space<vmem>>) target(%dma_start3A_86 : memref<1x512xf32, #tpu.memory_space<hbm>>) target_semaphore(%run_scoped3A : memref<!tpu.dma_semaphore, #tpu.memory_space<semaphore_mem>>)
        %dma_wait3A = arith.constant 1 : i32
        %dma_wait3A_90 = arith.constant 0 : i32
        %dma_wait3A_91 = tpu.memref_slice %arg11[%dma_wait3A, %dma_wait3A_90] : memref<11x512xf32, #tpu.memory_space<vmem>> -> memref<1x512xf32, #tpu.memory_space<vmem>>
        %dma_wait3A_92 = arith.constant 1 : i32
        %dma_wait3A_93 = tpu.memref_slice %arg5[%dma_wait3A_92, %add3A_53] : memref<11x262144xf32, #tpu.memory_space<hbm>> -> memref<1x512xf32, #tpu.memory_space<hbm>>
        %dma_wait3A_94 = arith.constant 1 : i32
        %dma_wait3A_95 = tpu.memref_slice %arg5[%dma_wait3A_94, %add3A_53] : memref<11x262144xf32, #tpu.memory_space<hbm>> -> memref<1x512xf32, #tpu.memory_space<hbm>>
        %dma_wait3A_96 = arith.constant 1 : i32
        %dma_wait3A_97 = arith.constant 0 : i32
        %dma_wait3A_98 = tpu.memref_slice %arg11[%dma_wait3A_96, %dma_wait3A_97] : memref<11x512xf32, #tpu.memory_space<vmem>> -> memref<1x512xf32, #tpu.memory_space<vmem>>
        tpu.wait_dma2 semaphore(%run_scoped3A : memref<!tpu.dma_semaphore, #tpu.memory_space<semaphore_mem>>) src(%dma_wait3A_98 : memref<1x512xf32, #tpu.memory_space<vmem>>) dst(%dma_wait3A_95 : memref<1x512xf32, #tpu.memory_space<hbm>>)
        tpu.yield
      }) : () -> ()
      %mul3A_54 = arith.constant 8192 : i32
      %mul3A_55 = arith.muli %add3A, %mul3A_54 : i32
      %add3A_56 = arith.addi %mul3A_55, %mul3A_41 : i32
      "tpu.region"() ({
        %run_scoped3A = tpu.sem_alloc : memref<!tpu.dma_semaphore, #tpu.memory_space<semaphore_mem>>
        %dma_start3A = arith.constant 2 : i32
        %dma_start3A_81 = arith.constant 0 : i32
        %dma_start3A_82 = tpu.memref_slice %arg11[%dma_start3A, %dma_start3A_81] : memref<11x512xf32, #tpu.memory_space<vmem>> -> memref<1x512xf32, #tpu.memory_space<vmem>>
        %dma_start3A_83 = arith.constant 2 : i32
        %dma_start3A_84 = tpu.memref_slice %arg5[%dma_start3A_83, %add3A_56] : memref<11x262144xf32, #tpu.memory_space<hbm>> -> memref<1x512xf32, #tpu.memory_space<hbm>>
        %dma_start3A_85 = arith.constant 2 : i32
        %dma_start3A_86 = tpu.memref_slice %arg5[%dma_start3A_85, %add3A_56] : memref<11x262144xf32, #tpu.memory_space<hbm>> -> memref<1x512xf32, #tpu.memory_space<hbm>>
        %dma_start3A_87 = arith.constant 2 : i32
        %dma_start3A_88 = arith.constant 0 : i32
        %dma_start3A_89 = tpu.memref_slice %arg11[%dma_start3A_87, %dma_start3A_88] : memref<11x512xf32, #tpu.memory_space<vmem>> -> memref<1x512xf32, #tpu.memory_space<vmem>>
        tpu.enqueue_dma source(%dma_start3A_89 : memref<1x512xf32, #tpu.memory_space<vmem>>) target(%dma_start3A_86 : memref<1x512xf32, #tpu.memory_space<hbm>>) target_semaphore(%run_scoped3A : memref<!tpu.dma_semaphore, #tpu.memory_space<semaphore_mem>>)
        %dma_wait3A = arith.constant 2 : i32
        %dma_wait3A_90 = arith.constant 0 : i32
        %dma_wait3A_91 = tpu.memref_slice %arg11[%dma_wait3A, %dma_wait3A_90] : memref<11x512xf32, #tpu.memory_space<vmem>> -> memref<1x512xf32, #tpu.memory_space<vmem>>
        %dma_wait3A_92 = arith.constant 2 : i32
        %dma_wait3A_93 = tpu.memref_slice %arg5[%dma_wait3A_92, %add3A_56] : memref<11x262144xf32, #tpu.memory_space<hbm>> -> memref<1x512xf32, #tpu.memory_space<hbm>>
        %dma_wait3A_94 = arith.constant 2 : i32
        %dma_wait3A_95 = tpu.memref_slice %arg5[%dma_wait3A_94, %add3A_56] : memref<11x262144xf32, #tpu.memory_space<hbm>> -> memref<1x512xf32, #tpu.memory_space<hbm>>
        %dma_wait3A_96 = arith.constant 2 : i32
        %dma_wait3A_97 = arith.constant 0 : i32
        %dma_wait3A_98 = tpu.memref_slice %arg11[%dma_wait3A_96, %dma_wait3A_97] : memref<11x512xf32, #tpu.memory_space<vmem>> -> memref<1x512xf32, #tpu.memory_space<vmem>>
        tpu.wait_dma2 semaphore(%run_scoped3A : memref<!tpu.dma_semaphore, #tpu.memory_space<semaphore_mem>>) src(%dma_wait3A_98 : memref<1x512xf32, #tpu.memory_space<vmem>>) dst(%dma_wait3A_95 : memref<1x512xf32, #tpu.memory_space<hbm>>)
        tpu.yield
      }) : () -> ()
      %mul3A_57 = arith.constant 8192 : i32
      %mul3A_58 = arith.muli %add3A, %mul3A_57 : i32
      %add3A_59 = arith.addi %mul3A_58, %mul3A_41 : i32
      "tpu.region"() ({
        %run_scoped3A = tpu.sem_alloc : memref<!tpu.dma_semaphore, #tpu.memory_space<semaphore_mem>>
        %dma_start3A = arith.constant 3 : i32
        %dma_start3A_81 = arith.constant 0 : i32
        %dma_start3A_82 = tpu.memref_slice %arg11[%dma_start3A, %dma_start3A_81] : memref<11x512xf32, #tpu.memory_space<vmem>> -> memref<1x512xf32, #tpu.memory_space<vmem>>
        %dma_start3A_83 = arith.constant 3 : i32
        %dma_start3A_84 = tpu.memref_slice %arg5[%dma_start3A_83, %add3A_59] : memref<11x262144xf32, #tpu.memory_space<hbm>> -> memref<1x512xf32, #tpu.memory_space<hbm>>
        %dma_start3A_85 = arith.constant 3 : i32
        %dma_start3A_86 = tpu.memref_slice %arg5[%dma_start3A_85, %add3A_59] : memref<11x262144xf32, #tpu.memory_space<hbm>> -> memref<1x512xf32, #tpu.memory_space<hbm>>
        %dma_start3A_87 = arith.constant 3 : i32
        %dma_start3A_88 = arith.constant 0 : i32
        %dma_start3A_89 = tpu.memref_slice %arg11[%dma_start3A_87, %dma_start3A_88] : memref<11x512xf32, #tpu.memory_space<vmem>> -> memref<1x512xf32, #tpu.memory_space<vmem>>
        tpu.enqueue_dma source(%dma_start3A_89 : memref<1x512xf32, #tpu.memory_space<vmem>>) target(%dma_start3A_86 : memref<1x512xf32, #tpu.memory_space<hbm>>) target_semaphore(%run_scoped3A : memref<!tpu.dma_semaphore, #tpu.memory_space<semaphore_mem>>)
        %dma_wait3A = arith.constant 3 : i32
        %dma_wait3A_90 = arith.constant 0 : i32
        %dma_wait3A_91 = tpu.memref_slice %arg11[%dma_wait3A, %dma_wait3A_90] : memref<11x512xf32, #tpu.memory_space<vmem>> -> memref<1x512xf32, #tpu.memory_space<vmem>>
        %dma_wait3A_92 = arith.constant 3 : i32
        %dma_wait3A_93 = tpu.memref_slice %arg5[%dma_wait3A_92, %add3A_59] : memref<11x262144xf32, #tpu.memory_space<hbm>> -> memref<1x512xf32, #tpu.memory_space<hbm>>
        %dma_wait3A_94 = arith.constant 3 : i32
        %dma_wait3A_95 = tpu.memref_slice %arg5[%dma_wait3A_94, %add3A_59] : memref<11x262144xf32, #tpu.memory_space<hbm>> -> memref<1x512xf32, #tpu.memory_space<hbm>>
        %dma_wait3A_96 = arith.constant 3 : i32
        %dma_wait3A_97 = arith.constant 0 : i32
        %dma_wait3A_98 = tpu.memref_slice %arg11[%dma_wait3A_96, %dma_wait3A_97] : memref<11x512xf32, #tpu.memory_space<vmem>> -> memref<1x512xf32, #tpu.memory_space<vmem>>
        tpu.wait_dma2 semaphore(%run_scoped3A : memref<!tpu.dma_semaphore, #tpu.memory_space<semaphore_mem>>) src(%dma_wait3A_98 : memref<1x512xf32, #tpu.memory_space<vmem>>) dst(%dma_wait3A_95 : memref<1x512xf32, #tpu.memory_space<hbm>>)
        tpu.yield
      }) : () -> ()
      %mul3A_60 = arith.constant 8192 : i32
      %mul3A_61 = arith.muli %add3A, %mul3A_60 : i32
      %add3A_62 = arith.addi %mul3A_61, %mul3A_41 : i32
      "tpu.region"() ({
        %run_scoped3A = tpu.sem_alloc : memref<!tpu.dma_semaphore, #tpu.memory_space<semaphore_mem>>
        %dma_start3A = arith.constant 4 : i32
        %dma_start3A_81 = arith.constant 0 : i32
        %dma_start3A_82 = tpu.memref_slice %arg11[%dma_start3A, %dma_start3A_81] : memref<11x512xf32, #tpu.memory_space<vmem>> -> memref<1x512xf32, #tpu.memory_space<vmem>>
        %dma_start3A_83 = arith.constant 4 : i32
        %dma_start3A_84 = tpu.memref_slice %arg5[%dma_start3A_83, %add3A_62] : memref<11x262144xf32, #tpu.memory_space<hbm>> -> memref<1x512xf32, #tpu.memory_space<hbm>>
        %dma_start3A_85 = arith.constant 4 : i32
        %dma_start3A_86 = tpu.memref_slice %arg5[%dma_start3A_85, %add3A_62] : memref<11x262144xf32, #tpu.memory_space<hbm>> -> memref<1x512xf32, #tpu.memory_space<hbm>>
        %dma_start3A_87 = arith.constant 4 : i32
        %dma_start3A_88 = arith.constant 0 : i32
        %dma_start3A_89 = tpu.memref_slice %arg11[%dma_start3A_87, %dma_start3A_88] : memref<11x512xf32, #tpu.memory_space<vmem>> -> memref<1x512xf32, #tpu.memory_space<vmem>>
        tpu.enqueue_dma source(%dma_start3A_89 : memref<1x512xf32, #tpu.memory_space<vmem>>) target(%dma_start3A_86 : memref<1x512xf32, #tpu.memory_space<hbm>>) target_semaphore(%run_scoped3A : memref<!tpu.dma_semaphore, #tpu.memory_space<semaphore_mem>>)
        %dma_wait3A = arith.constant 4 : i32
        %dma_wait3A_90 = arith.constant 0 : i32
        %dma_wait3A_91 = tpu.memref_slice %arg11[%dma_wait3A, %dma_wait3A_90] : memref<11x512xf32, #tpu.memory_space<vmem>> -> memref<1x512xf32, #tpu.memory_space<vmem>>
        %dma_wait3A_92 = arith.constant 4 : i32
        %dma_wait3A_93 = tpu.memref_slice %arg5[%dma_wait3A_92, %add3A_62] : memref<11x262144xf32, #tpu.memory_space<hbm>> -> memref<1x512xf32, #tpu.memory_space<hbm>>
        %dma_wait3A_94 = arith.constant 4 : i32
        %dma_wait3A_95 = tpu.memref_slice %arg5[%dma_wait3A_94, %add3A_62] : memref<11x262144xf32, #tpu.memory_space<hbm>> -> memref<1x512xf32, #tpu.memory_space<hbm>>
        %dma_wait3A_96 = arith.constant 4 : i32
        %dma_wait3A_97 = arith.constant 0 : i32
        %dma_wait3A_98 = tpu.memref_slice %arg11[%dma_wait3A_96, %dma_wait3A_97] : memref<11x512xf32, #tpu.memory_space<vmem>> -> memref<1x512xf32, #tpu.memory_space<vmem>>
        tpu.wait_dma2 semaphore(%run_scoped3A : memref<!tpu.dma_semaphore, #tpu.memory_space<semaphore_mem>>) src(%dma_wait3A_98 : memref<1x512xf32, #tpu.memory_space<vmem>>) dst(%dma_wait3A_95 : memref<1x512xf32, #tpu.memory_space<hbm>>)
        tpu.yield
      }) : () -> ()
      %mul3A_63 = arith.constant 8192 : i32
      %mul3A_64 = arith.muli %add3A, %mul3A_63 : i32
      %add3A_65 = arith.addi %mul3A_64, %mul3A_41 : i32
      "tpu.region"() ({
        %run_scoped3A = tpu.sem_alloc : memref<!tpu.dma_semaphore, #tpu.memory_space<semaphore_mem>>
        %dma_start3A = arith.constant 5 : i32
        %dma_start3A_81 = arith.constant 0 : i32
        %dma_start3A_82 = tpu.memref_slice %arg11[%dma_start3A, %dma_start3A_81] : memref<11x512xf32, #tpu.memory_space<vmem>> -> memref<1x512xf32, #tpu.memory_space<vmem>>
        %dma_start3A_83 = arith.constant 5 : i32
        %dma_start3A_84 = tpu.memref_slice %arg5[%dma_start3A_83, %add3A_65] : memref<11x262144xf32, #tpu.memory_space<hbm>> -> memref<1x512xf32, #tpu.memory_space<hbm>>
        %dma_start3A_85 = arith.constant 5 : i32
        %dma_start3A_86 = tpu.memref_slice %arg5[%dma_start3A_85, %add3A_65] : memref<11x262144xf32, #tpu.memory_space<hbm>> -> memref<1x512xf32, #tpu.memory_space<hbm>>
        %dma_start3A_87 = arith.constant 5 : i32
        %dma_start3A_88 = arith.constant 0 : i32
        %dma_start3A_89 = tpu.memref_slice %arg11[%dma_start3A_87, %dma_start3A_88] : memref<11x512xf32, #tpu.memory_space<vmem>> -> memref<1x512xf32, #tpu.memory_space<vmem>>
        tpu.enqueue_dma source(%dma_start3A_89 : memref<1x512xf32, #tpu.memory_space<vmem>>) target(%dma_start3A_86 : memref<1x512xf32, #tpu.memory_space<hbm>>) target_semaphore(%run_scoped3A : memref<!tpu.dma_semaphore, #tpu.memory_space<semaphore_mem>>)
        %dma_wait3A = arith.constant 5 : i32
        %dma_wait3A_90 = arith.constant 0 : i32
        %dma_wait3A_91 = tpu.memref_slice %arg11[%dma_wait3A, %dma_wait3A_90] : memref<11x512xf32, #tpu.memory_space<vmem>> -> memref<1x512xf32, #tpu.memory_space<vmem>>
        %dma_wait3A_92 = arith.constant 5 : i32
        %dma_wait3A_93 = tpu.memref_slice %arg5[%dma_wait3A_92, %add3A_65] : memref<11x262144xf32, #tpu.memory_space<hbm>> -> memref<1x512xf32, #tpu.memory_space<hbm>>
        %dma_wait3A_94 = arith.constant 5 : i32
        %dma_wait3A_95 = tpu.memref_slice %arg5[%dma_wait3A_94, %add3A_65] : memref<11x262144xf32, #tpu.memory_space<hbm>> -> memref<1x512xf32, #tpu.memory_space<hbm>>
        %dma_wait3A_96 = arith.constant 5 : i32
        %dma_wait3A_97 = arith.constant 0 : i32
        %dma_wait3A_98 = tpu.memref_slice %arg11[%dma_wait3A_96, %dma_wait3A_97] : memref<11x512xf32, #tpu.memory_space<vmem>> -> memref<1x512xf32, #tpu.memory_space<vmem>>
        tpu.wait_dma2 semaphore(%run_scoped3A : memref<!tpu.dma_semaphore, #tpu.memory_space<semaphore_mem>>) src(%dma_wait3A_98 : memref<1x512xf32, #tpu.memory_space<vmem>>) dst(%dma_wait3A_95 : memref<1x512xf32, #tpu.memory_space<hbm>>)
        tpu.yield
      }) : () -> ()
      %mul3A_66 = arith.constant 8192 : i32
      %mul3A_67 = arith.muli %add3A, %mul3A_66 : i32
      %add3A_68 = arith.addi %mul3A_67, %mul3A_41 : i32
      "tpu.region"() ({
        %run_scoped3A = tpu.sem_alloc : memref<!tpu.dma_semaphore, #tpu.memory_space<semaphore_mem>>
        %dma_start3A = arith.constant 6 : i32
        %dma_start3A_81 = arith.constant 0 : i32
        %dma_start3A_82 = tpu.memref_slice %arg11[%dma_start3A, %dma_start3A_81] : memref<11x512xf32, #tpu.memory_space<vmem>> -> memref<1x512xf32, #tpu.memory_space<vmem>>
        %dma_start3A_83 = arith.constant 6 : i32
        %dma_start3A_84 = tpu.memref_slice %arg5[%dma_start3A_83, %add3A_68] : memref<11x262144xf32, #tpu.memory_space<hbm>> -> memref<1x512xf32, #tpu.memory_space<hbm>>
        %dma_start3A_85 = arith.constant 6 : i32
        %dma_start3A_86 = tpu.memref_slice %arg5[%dma_start3A_85, %add3A_68] : memref<11x262144xf32, #tpu.memory_space<hbm>> -> memref<1x512xf32, #tpu.memory_space<hbm>>
        %dma_start3A_87 = arith.constant 6 : i32
        %dma_start3A_88 = arith.constant 0 : i32
        %dma_start3A_89 = tpu.memref_slice %arg11[%dma_start3A_87, %dma_start3A_88] : memref<11x512xf32, #tpu.memory_space<vmem>> -> memref<1x512xf32, #tpu.memory_space<vmem>>
        tpu.enqueue_dma source(%dma_start3A_89 : memref<1x512xf32, #tpu.memory_space<vmem>>) target(%dma_start3A_86 : memref<1x512xf32, #tpu.memory_space<hbm>>) target_semaphore(%run_scoped3A : memref<!tpu.dma_semaphore, #tpu.memory_space<semaphore_mem>>)
        %dma_wait3A = arith.constant 6 : i32
        %dma_wait3A_90 = arith.constant 0 : i32
        %dma_wait3A_91 = tpu.memref_slice %arg11[%dma_wait3A, %dma_wait3A_90] : memref<11x512xf32, #tpu.memory_space<vmem>> -> memref<1x512xf32, #tpu.memory_space<vmem>>
        %dma_wait3A_92 = arith.constant 6 : i32
        %dma_wait3A_93 = tpu.memref_slice %arg5[%dma_wait3A_92, %add3A_68] : memref<11x262144xf32, #tpu.memory_space<hbm>> -> memref<1x512xf32, #tpu.memory_space<hbm>>
        %dma_wait3A_94 = arith.constant 6 : i32
        %dma_wait3A_95 = tpu.memref_slice %arg5[%dma_wait3A_94, %add3A_68] : memref<11x262144xf32, #tpu.memory_space<hbm>> -> memref<1x512xf32, #tpu.memory_space<hbm>>
        %dma_wait3A_96 = arith.constant 6 : i32
        %dma_wait3A_97 = arith.constant 0 : i32
        %dma_wait3A_98 = tpu.memref_slice %arg11[%dma_wait3A_96, %dma_wait3A_97] : memref<11x512xf32, #tpu.memory_space<vmem>> -> memref<1x512xf32, #tpu.memory_space<vmem>>
        tpu.wait_dma2 semaphore(%run_scoped3A : memref<!tpu.dma_semaphore, #tpu.memory_space<semaphore_mem>>) src(%dma_wait3A_98 : memref<1x512xf32, #tpu.memory_space<vmem>>) dst(%dma_wait3A_95 : memref<1x512xf32, #tpu.memory_space<hbm>>)
        tpu.yield
      }) : () -> ()
      %mul3A_69 = arith.constant 8192 : i32
      %mul3A_70 = arith.muli %add3A, %mul3A_69 : i32
      %add3A_71 = arith.addi %mul3A_70, %mul3A_41 : i32
      "tpu.region"() ({
        %run_scoped3A = tpu.sem_alloc : memref<!tpu.dma_semaphore, #tpu.memory_space<semaphore_mem>>
        %dma_start3A = arith.constant 7 : i32
        %dma_start3A_81 = arith.constant 0 : i32
        %dma_start3A_82 = tpu.memref_slice %arg11[%dma_start3A, %dma_start3A_81] : memref<11x512xf32, #tpu.memory_space<vmem>> -> memref<1x512xf32, #tpu.memory_space<vmem>>
        %dma_start3A_83 = arith.constant 7 : i32
        %dma_start3A_84 = tpu.memref_slice %arg5[%dma_start3A_83, %add3A_71] : memref<11x262144xf32, #tpu.memory_space<hbm>> -> memref<1x512xf32, #tpu.memory_space<hbm>>
        %dma_start3A_85 = arith.constant 7 : i32
        %dma_start3A_86 = tpu.memref_slice %arg5[%dma_start3A_85, %add3A_71] : memref<11x262144xf32, #tpu.memory_space<hbm>> -> memref<1x512xf32, #tpu.memory_space<hbm>>
        %dma_start3A_87 = arith.constant 7 : i32
        %dma_start3A_88 = arith.constant 0 : i32
        %dma_start3A_89 = tpu.memref_slice %arg11[%dma_start3A_87, %dma_start3A_88] : memref<11x512xf32, #tpu.memory_space<vmem>> -> memref<1x512xf32, #tpu.memory_space<vmem>>
        tpu.enqueue_dma source(%dma_start3A_89 : memref<1x512xf32, #tpu.memory_space<vmem>>) target(%dma_start3A_86 : memref<1x512xf32, #tpu.memory_space<hbm>>) target_semaphore(%run_scoped3A : memref<!tpu.dma_semaphore, #tpu.memory_space<semaphore_mem>>)
        %dma_wait3A = arith.constant 7 : i32
        %dma_wait3A_90 = arith.constant 0 : i32
        %dma_wait3A_91 = tpu.memref_slice %arg11[%dma_wait3A, %dma_wait3A_90] : memref<11x512xf32, #tpu.memory_space<vmem>> -> memref<1x512xf32, #tpu.memory_space<vmem>>
        %dma_wait3A_92 = arith.constant 7 : i32
        %dma_wait3A_93 = tpu.memref_slice %arg5[%dma_wait3A_92, %add3A_71] : memref<11x262144xf32, #tpu.memory_space<hbm>> -> memref<1x512xf32, #tpu.memory_space<hbm>>
        %dma_wait3A_94 = arith.constant 7 : i32
        %dma_wait3A_95 = tpu.memref_slice %arg5[%dma_wait3A_94, %add3A_71] : memref<11x262144xf32, #tpu.memory_space<hbm>> -> memref<1x512xf32, #tpu.memory_space<hbm>>
        %dma_wait3A_96 = arith.constant 7 : i32
        %dma_wait3A_97 = arith.constant 0 : i32
        %dma_wait3A_98 = tpu.memref_slice %arg11[%dma_wait3A_96, %dma_wait3A_97] : memref<11x512xf32, #tpu.memory_space<vmem>> -> memref<1x512xf32, #tpu.memory_space<vmem>>
        tpu.wait_dma2 semaphore(%run_scoped3A : memref<!tpu.dma_semaphore, #tpu.memory_space<semaphore_mem>>) src(%dma_wait3A_98 : memref<1x512xf32, #tpu.memory_space<vmem>>) dst(%dma_wait3A_95 : memref<1x512xf32, #tpu.memory_space<hbm>>)
        tpu.yield
      }) : () -> ()
      %mul3A_72 = arith.constant 8192 : i32
      %mul3A_73 = arith.muli %add3A, %mul3A_72 : i32
      %add3A_74 = arith.addi %mul3A_73, %mul3A_41 : i32
      "tpu.region"() ({
        %run_scoped3A = tpu.sem_alloc : memref<!tpu.dma_semaphore, #tpu.memory_space<semaphore_mem>>
        %dma_start3A = arith.constant 8 : i32
        %dma_start3A_81 = arith.constant 0 : i32
        %dma_start3A_82 = tpu.memref_slice %arg11[%dma_start3A, %dma_start3A_81] : memref<11x512xf32, #tpu.memory_space<vmem>> -> memref<1x512xf32, #tpu.memory_space<vmem>>
        %dma_start3A_83 = arith.constant 8 : i32
        %dma_start3A_84 = tpu.memref_slice %arg5[%dma_start3A_83, %add3A_74] : memref<11x262144xf32, #tpu.memory_space<hbm>> -> memref<1x512xf32, #tpu.memory_space<hbm>>
        %dma_start3A_85 = arith.constant 8 : i32
        %dma_start3A_86 = tpu.memref_slice %arg5[%dma_start3A_85, %add3A_74] : memref<11x262144xf32, #tpu.memory_space<hbm>> -> memref<1x512xf32, #tpu.memory_space<hbm>>
        %dma_start3A_87 = arith.constant 8 : i32
        %dma_start3A_88 = arith.constant 0 : i32
        %dma_start3A_89 = tpu.memref_slice %arg11[%dma_start3A_87, %dma_start3A_88] : memref<11x512xf32, #tpu.memory_space<vmem>> -> memref<1x512xf32, #tpu.memory_space<vmem>>
        tpu.enqueue_dma source(%dma_start3A_89 : memref<1x512xf32, #tpu.memory_space<vmem>>) target(%dma_start3A_86 : memref<1x512xf32, #tpu.memory_space<hbm>>) target_semaphore(%run_scoped3A : memref<!tpu.dma_semaphore, #tpu.memory_space<semaphore_mem>>)
        %dma_wait3A = arith.constant 8 : i32
        %dma_wait3A_90 = arith.constant 0 : i32
        %dma_wait3A_91 = tpu.memref_slice %arg11[%dma_wait3A, %dma_wait3A_90] : memref<11x512xf32, #tpu.memory_space<vmem>> -> memref<1x512xf32, #tpu.memory_space<vmem>>
        %dma_wait3A_92 = arith.constant 8 : i32
        %dma_wait3A_93 = tpu.memref_slice %arg5[%dma_wait3A_92, %add3A_74] : memref<11x262144xf32, #tpu.memory_space<hbm>> -> memref<1x512xf32, #tpu.memory_space<hbm>>
        %dma_wait3A_94 = arith.constant 8 : i32
        %dma_wait3A_95 = tpu.memref_slice %arg5[%dma_wait3A_94, %add3A_74] : memref<11x262144xf32, #tpu.memory_space<hbm>> -> memref<1x512xf32, #tpu.memory_space<hbm>>
        %dma_wait3A_96 = arith.constant 8 : i32
        %dma_wait3A_97 = arith.constant 0 : i32
        %dma_wait3A_98 = tpu.memref_slice %arg11[%dma_wait3A_96, %dma_wait3A_97] : memref<11x512xf32, #tpu.memory_space<vmem>> -> memref<1x512xf32, #tpu.memory_space<vmem>>
        tpu.wait_dma2 semaphore(%run_scoped3A : memref<!tpu.dma_semaphore, #tpu.memory_space<semaphore_mem>>) src(%dma_wait3A_98 : memref<1x512xf32, #tpu.memory_space<vmem>>) dst(%dma_wait3A_95 : memref<1x512xf32, #tpu.memory_space<hbm>>)
        tpu.yield
      }) : () -> ()
      %mul3A_75 = arith.constant 8192 : i32
      %mul3A_76 = arith.muli %add3A, %mul3A_75 : i32
      %add3A_77 = arith.addi %mul3A_76, %mul3A_41 : i32
      "tpu.region"() ({
        %run_scoped3A = tpu.sem_alloc : memref<!tpu.dma_semaphore, #tpu.memory_space<semaphore_mem>>
        %dma_start3A = arith.constant 9 : i32
        %dma_start3A_81 = arith.constant 0 : i32
        %dma_start3A_82 = tpu.memref_slice %arg11[%dma_start3A, %dma_start3A_81] : memref<11x512xf32, #tpu.memory_space<vmem>> -> memref<1x512xf32, #tpu.memory_space<vmem>>
        %dma_start3A_83 = arith.constant 9 : i32
        %dma_start3A_84 = tpu.memref_slice %arg5[%dma_start3A_83, %add3A_77] : memref<11x262144xf32, #tpu.memory_space<hbm>> -> memref<1x512xf32, #tpu.memory_space<hbm>>
        %dma_start3A_85 = arith.constant 9 : i32
        %dma_start3A_86 = tpu.memref_slice %arg5[%dma_start3A_85, %add3A_77] : memref<11x262144xf32, #tpu.memory_space<hbm>> -> memref<1x512xf32, #tpu.memory_space<hbm>>
        %dma_start3A_87 = arith.constant 9 : i32
        %dma_start3A_88 = arith.constant 0 : i32
        %dma_start3A_89 = tpu.memref_slice %arg11[%dma_start3A_87, %dma_start3A_88] : memref<11x512xf32, #tpu.memory_space<vmem>> -> memref<1x512xf32, #tpu.memory_space<vmem>>
        tpu.enqueue_dma source(%dma_start3A_89 : memref<1x512xf32, #tpu.memory_space<vmem>>) target(%dma_start3A_86 : memref<1x512xf32, #tpu.memory_space<hbm>>) target_semaphore(%run_scoped3A : memref<!tpu.dma_semaphore, #tpu.memory_space<semaphore_mem>>)
        %dma_wait3A = arith.constant 9 : i32
        %dma_wait3A_90 = arith.constant 0 : i32
        %dma_wait3A_91 = tpu.memref_slice %arg11[%dma_wait3A, %dma_wait3A_90] : memref<11x512xf32, #tpu.memory_space<vmem>> -> memref<1x512xf32, #tpu.memory_space<vmem>>
        %dma_wait3A_92 = arith.constant 9 : i32
        %dma_wait3A_93 = tpu.memref_slice %arg5[%dma_wait3A_92, %add3A_77] : memref<11x262144xf32, #tpu.memory_space<hbm>> -> memref<1x512xf32, #tpu.memory_space<hbm>>
        %dma_wait3A_94 = arith.constant 9 : i32
        %dma_wait3A_95 = tpu.memref_slice %arg5[%dma_wait3A_94, %add3A_77] : memref<11x262144xf32, #tpu.memory_space<hbm>> -> memref<1x512xf32, #tpu.memory_space<hbm>>
        %dma_wait3A_96 = arith.constant 9 : i32
        %dma_wait3A_97 = arith.constant 0 : i32
        %dma_wait3A_98 = tpu.memref_slice %arg11[%dma_wait3A_96, %dma_wait3A_97] : memref<11x512xf32, #tpu.memory_space<vmem>> -> memref<1x512xf32, #tpu.memory_space<vmem>>
        tpu.wait_dma2 semaphore(%run_scoped3A : memref<!tpu.dma_semaphore, #tpu.memory_space<semaphore_mem>>) src(%dma_wait3A_98 : memref<1x512xf32, #tpu.memory_space<vmem>>) dst(%dma_wait3A_95 : memref<1x512xf32, #tpu.memory_space<hbm>>)
        tpu.yield
      }) : () -> ()
      %mul3A_78 = arith.constant 8192 : i32
      %mul3A_79 = arith.muli %add3A, %mul3A_78 : i32
      %add3A_80 = arith.addi %mul3A_79, %mul3A_41 : i32
      "tpu.region"() ({
        %run_scoped3A = tpu.sem_alloc : memref<!tpu.dma_semaphore, #tpu.memory_space<semaphore_mem>>
        %dma_start3A = arith.constant 10 : i32
        %dma_start3A_81 = arith.constant 0 : i32
        %dma_start3A_82 = tpu.memref_slice %arg11[%dma_start3A, %dma_start3A_81] : memref<11x512xf32, #tpu.memory_space<vmem>> -> memref<1x512xf32, #tpu.memory_space<vmem>>
        %dma_start3A_83 = arith.constant 10 : i32
        %dma_start3A_84 = tpu.memref_slice %arg5[%dma_start3A_83, %add3A_80] : memref<11x262144xf32, #tpu.memory_space<hbm>> -> memref<1x512xf32, #tpu.memory_space<hbm>>
        %dma_start3A_85 = arith.constant 10 : i32
        %dma_start3A_86 = tpu.memref_slice %arg5[%dma_start3A_85, %add3A_80] : memref<11x262144xf32, #tpu.memory_space<hbm>> -> memref<1x512xf32, #tpu.memory_space<hbm>>
        %dma_start3A_87 = arith.constant 10 : i32
        %dma_start3A_88 = arith.constant 0 : i32
        %dma_start3A_89 = tpu.memref_slice %arg11[%dma_start3A_87, %dma_start3A_88] : memref<11x512xf32, #tpu.memory_space<vmem>> -> memref<1x512xf32, #tpu.memory_space<vmem>>
        tpu.enqueue_dma source(%dma_start3A_89 : memref<1x512xf32, #tpu.memory_space<vmem>>) target(%dma_start3A_86 : memref<1x512xf32, #tpu.memory_space<hbm>>) target_semaphore(%run_scoped3A : memref<!tpu.dma_semaphore, #tpu.memory_space<semaphore_mem>>)
        %dma_wait3A = arith.constant 10 : i32
        %dma_wait3A_90 = arith.constant 0 : i32
        %dma_wait3A_91 = tpu.memref_slice %arg11[%dma_wait3A, %dma_wait3A_90] : memref<11x512xf32, #tpu.memory_space<vmem>> -> memref<1x512xf32, #tpu.memory_space<vmem>>
        %dma_wait3A_92 = arith.constant 10 : i32
        %dma_wait3A_93 = tpu.memref_slice %arg5[%dma_wait3A_92, %add3A_80] : memref<11x262144xf32, #tpu.memory_space<hbm>> -> memref<1x512xf32, #tpu.memory_space<hbm>>
        %dma_wait3A_94 = arith.constant 10 : i32
        %dma_wait3A_95 = tpu.memref_slice %arg5[%dma_wait3A_94, %add3A_80] : memref<11x262144xf32, #tpu.memory_space<hbm>> -> memref<1x512xf32, #tpu.memory_space<hbm>>
        %dma_wait3A_96 = arith.constant 10 : i32
        %dma_wait3A_97 = arith.constant 0 : i32
        %dma_wait3A_98 = tpu.memref_slice %arg11[%dma_wait3A_96, %dma_wait3A_97] : memref<11x512xf32, #tpu.memory_space<vmem>> -> memref<1x512xf32, #tpu.memory_space<vmem>>
        tpu.wait_dma2 semaphore(%run_scoped3A : memref<!tpu.dma_semaphore, #tpu.memory_space<semaphore_mem>>) src(%dma_wait3A_98 : memref<1x512xf32, #tpu.memory_space<vmem>>) dst(%dma_wait3A_95 : memref<1x512xf32, #tpu.memory_space<hbm>>)
        tpu.yield
      }) : () -> ()
    }
    %scan3A_32 = arith.constant 16 : i32
    "tpu.region"() ({
      %run_scoped3A = tpu.sem_alloc : memref<!tpu.dma_semaphore, #tpu.memory_space<semaphore_mem>>
      %dma_start3A = arith.constant 0 : i32
      %dma_start3A_39 = arith.constant 0 : i32
      %dma_start3A_40 = tpu.memref_slice %arg9[%dma_start3A, %dma_start3A_39] : memref<8x8192xf32, #tpu.memory_space<vmem>> -> memref<8x8192xf32, #tpu.memory_space<vmem>>
      %dma_start3A_41 = arith.constant 8 : i32
      %dma_start3A_42 = arith.constant 0 : i32
      %dma_start3A_43 = tpu.memref_slice %arg4[%select_n3A, %dma_start3A_41, %dma_start3A_42] : memref<8x16x8192xf32, #tpu.memory_space<hbm>> -> memref<1x8x8192xf32, #tpu.memory_space<hbm>>
      %dma_start3A_44 = tpu.memref_squeeze %dma_start3A_43 : memref<1x8x8192xf32, #tpu.memory_space<hbm>> -> memref<8x8192xf32, #tpu.memory_space<hbm>>
      %dma_start3A_45 = arith.constant 0 : i32
      %dma_start3A_46 = arith.constant 0 : i32
      %dma_start3A_47 = tpu.memref_slice %arg9[%dma_start3A_45, %dma_start3A_46] : memref<8x8192xf32, #tpu.memory_space<vmem>> -> memref<8x8192xf32, #tpu.memory_space<vmem>>
      %dma_start3A_48 = arith.constant 8 : i32
      %dma_start3A_49 = arith.constant 0 : i32
      %dma_start3A_50 = tpu.memref_slice %arg4[%select_n3A, %dma_start3A_48, %dma_start3A_49] : memref<8x16x8192xf32, #tpu.memory_space<hbm>> -> memref<1x8x8192xf32, #tpu.memory_space<hbm>>
      %dma_start3A_51 = tpu.memref_squeeze %dma_start3A_50 : memref<1x8x8192xf32, #tpu.memory_space<hbm>> -> memref<8x8192xf32, #tpu.memory_space<hbm>>
      tpu.enqueue_dma source(%dma_start3A_51 : memref<8x8192xf32, #tpu.memory_space<hbm>>) target(%dma_start3A_47 : memref<8x8192xf32, #tpu.memory_space<vmem>>) target_semaphore(%run_scoped3A : memref<!tpu.dma_semaphore, #tpu.memory_space<semaphore_mem>>)
      %dma_wait3A = arith.constant 0 : i32
      %dma_wait3A_52 = arith.constant 0 : i32
      %dma_wait3A_53 = tpu.memref_slice %arg9[%dma_wait3A, %dma_wait3A_52] : memref<8x8192xf32, #tpu.memory_space<vmem>> -> memref<8x8192xf32, #tpu.memory_space<vmem>>
      %dma_wait3A_54 = arith.constant 8 : i32
      %dma_wait3A_55 = arith.constant 0 : i32
      %dma_wait3A_56 = tpu.memref_slice %arg4[%select_n3A, %dma_wait3A_54, %dma_wait3A_55] : memref<8x16x8192xf32, #tpu.memory_space<hbm>> -> memref<1x8x8192xf32, #tpu.memory_space<hbm>>
      %dma_wait3A_57 = tpu.memref_squeeze %dma_wait3A_56 : memref<1x8x8192xf32, #tpu.memory_space<hbm>> -> memref<8x8192xf32, #tpu.memory_space<hbm>>
      %dma_wait3A_58 = arith.constant 0 : i32
      %dma_wait3A_59 = arith.constant 0 : i32
      %dma_wait3A_60 = tpu.memref_slice %arg9[%dma_wait3A_58, %dma_wait3A_59] : memref<8x8192xf32, #tpu.memory_space<vmem>> -> memref<8x8192xf32, #tpu.memory_space<vmem>>
      %dma_wait3A_61 = arith.constant 8 : i32
      %dma_wait3A_62 = arith.constant 0 : i32
      %dma_wait3A_63 = tpu.memref_slice %arg4[%select_n3A, %dma_wait3A_61, %dma_wait3A_62] : memref<8x16x8192xf32, #tpu.memory_space<hbm>> -> memref<1x8x8192xf32, #tpu.memory_space<hbm>>
      %dma_wait3A_64 = tpu.memref_squeeze %dma_wait3A_63 : memref<1x8x8192xf32, #tpu.memory_space<hbm>> -> memref<8x8192xf32, #tpu.memory_space<hbm>>
      tpu.wait_dma2 semaphore(%run_scoped3A : memref<!tpu.dma_semaphore, #tpu.memory_space<semaphore_mem>>) src(%dma_wait3A_64 : memref<8x8192xf32, #tpu.memory_space<hbm>>) dst(%dma_wait3A_60 : memref<8x8192xf32, #tpu.memory_space<vmem>>)
      tpu.yield
    }) : () -> ()
    %scan3A_33 = arith.constant 0 : i32
    %scan3A_34 = arith.constant 0 : i32
    %scan3A_35 = arith.constant 16 : i32
    %scan3A_36 = arith.addi %scan3A_34, %scan3A_35 : i32
    %scan3A_37 = arith.constant 1 : i32
    scf.for %scan3A_39 = %scan3A_34 to %scan3A_36 step %scan3A_37  : i32 {
      %mul3A_40 = arith.constant 512 : i32
      %mul3A_41 = arith.muli %scan3A_39, %mul3A_40 : i32
      %scan3A_42 = arith.constant 0 : i32
      %scan3A_43 = arith.constant 0 : i32
      %scan3A_44 = arith.constant 32 : i32
      %scan3A_45 = arith.addi %scan3A_43, %scan3A_44 : i32
      %scan3A_46 = arith.constant 1 : i32
      scf.for %scan3A_72 = %scan3A_43 to %scan3A_45 step %scan3A_46  : i32 {
        %mul3A_73 = arith.constant 16 : i32
        %mul3A_74 = arith.muli %scan3A_72, %mul3A_73 : i32
        %add3A_75 = arith.addi %mul3A_41, %mul3A_74 : i32
        %get3A = arith.index_cast %add3A_75 : i32 to index
        %get3A_76 = tpu.vector_load %arg10[%get3A] {strides = array<i32>} : memref<8192xi32, #tpu.memory_space<vmem>>, vector<16xi32>,
        %add3A_77 = arith.addi %mul3A_41, %mul3A_74 : i32
        %jit3A_78 = arith.constant 32 : i32
        %div3A_79 = arith.divsi %add3A_77, %jit3A_78 : i32
        %sign3A_80 = arith.constant 0 : i32
        %sign3A_81 = arith.cmpi sgt, %add3A_77, %sign3A_80 : i32
        %sign3A_82 = arith.extui %sign3A_81 : i1 to i32
        %sign3A_83 = arith.constant 0 : i32
        %sign3A_84 = arith.cmpi slt, %add3A_77, %sign3A_83 : i32
        %sign3A_85 = arith.extui %sign3A_84 : i1 to i32
        %sign3A_86 = arith.subi %sign3A_82, %sign3A_85 : i32
        %sign3A_87 = arith.constant 0 : i32
        %sign3A_88 = arith.cmpi sgt, %jit3A_78, %sign3A_87 : i32
        %sign3A_89 = arith.extui %sign3A_88 : i1 to i32
        %sign3A_90 = arith.constant 0 : i32
        %sign3A_91 = arith.cmpi slt, %jit3A_78, %sign3A_90 : i32
        %sign3A_92 = arith.extui %sign3A_91 : i1 to i32
        %sign3A_93 = arith.subi %sign3A_89, %sign3A_92 : i32
        %ne3A_94 = arith.cmpi ne, %sign3A_86, %sign3A_93 : i32
        %rem3A_95 = arith.remsi %add3A_77, %jit3A_78 : i32
        %ne3A_96 = arith.constant 0 : i32
        %ne3A_97 = arith.cmpi ne, %rem3A_95, %ne3A_96 : i32
        %and3A_98 = arith.andi %ne3A_94, %ne3A_97 : i1
        %sub3A_99 = arith.constant 1 : i32
        %sub3A_100 = arith.subi %div3A_79, %sub3A_99 : i32
        %select_n3A_101 = arith.select %and3A_98, %sub3A_100, %div3A_79 : i32
        %broadcast_in_dim3A = arith.constant 0 : i32
        %broadcast_in_dim3A_102 = vector.broadcast %broadcast_in_dim3A : i32 to vector<16xi32>
        %gather3A = tpu.vector_load_idx %arg9[%broadcast_in_dim3A_102, %get3A_76] : memref<8x8192xf32, #tpu.memory_space<vmem>>[vector<16xi32>, vector<16xi32>], vector<16xf32>,
        %swap3A = arith.constant 0 : i32
        %swap3A_103 = arith.index_cast %swap3A : i32 to index
        %swap3A_104 = arith.index_cast %mul3A_74 : i32 to index
        %swap3A_105 = tpu.vector_load %arg12[%swap3A_103, %swap3A_104] {strides = array<i32>} : memref<8x512xf32, #tpu.memory_space<vmem>>, vector<16xf32>,
        tpu.vector_store %arg12[%swap3A_103, %swap3A_104], %gather3A {strides = array<i32>} : memref<8x512xf32, #tpu.memory_space<vmem>>, vector<16xf32>,
        %broadcast_in_dim3A_106 = arith.constant 1 : i32
        %broadcast_in_dim3A_107 = vector.broadcast %broadcast_in_dim3A_106 : i32 to vector<16xi32>
        %gather3A_108 = tpu.vector_load_idx %arg9[%broadcast_in_dim3A_107, %get3A_76] : memref<8x8192xf32, #tpu.memory_space<vmem>>[vector<16xi32>, vector<16xi32>], vector<16xf32>,
        %swap3A_109 = arith.constant 1 : i32
        %swap3A_110 = arith.index_cast %swap3A_109 : i32 to index
        %swap3A_111 = arith.index_cast %mul3A_74 : i32 to index
        %swap3A_112 = tpu.vector_load %arg12[%swap3A_110, %swap3A_111] {strides = array<i32>} : memref<8x512xf32, #tpu.memory_space<vmem>>, vector<16xf32>,
        tpu.vector_store %arg12[%swap3A_110, %swap3A_111], %gather3A_108 {strides = array<i32>} : memref<8x512xf32, #tpu.memory_space<vmem>>, vector<16xf32>,
        %broadcast_in_dim3A_113 = arith.constant 2 : i32
        %broadcast_in_dim3A_114 = vector.broadcast %broadcast_in_dim3A_113 : i32 to vector<16xi32>
        %gather3A_115 = tpu.vector_load_idx %arg9[%broadcast_in_dim3A_114, %get3A_76] : memref<8x8192xf32, #tpu.memory_space<vmem>>[vector<16xi32>, vector<16xi32>], vector<16xf32>,
        %swap3A_116 = arith.constant 2 : i32
        %swap3A_117 = arith.index_cast %swap3A_116 : i32 to index
        %swap3A_118 = arith.index_cast %mul3A_74 : i32 to index
        %swap3A_119 = tpu.vector_load %arg12[%swap3A_117, %swap3A_118] {strides = array<i32>} : memref<8x512xf32, #tpu.memory_space<vmem>>, vector<16xf32>,
        tpu.vector_store %arg12[%swap3A_117, %swap3A_118], %gather3A_115 {strides = array<i32>} : memref<8x512xf32, #tpu.memory_space<vmem>>, vector<16xf32>,
        %broadcast_in_dim3A_120 = arith.constant 3 : i32
        %broadcast_in_dim3A_121 = vector.broadcast %broadcast_in_dim3A_120 : i32 to vector<16xi32>
        %gather3A_122 = tpu.vector_load_idx %arg9[%broadcast_in_dim3A_121, %get3A_76] : memref<8x8192xf32, #tpu.memory_space<vmem>>[vector<16xi32>, vector<16xi32>], vector<16xf32>,
        %swap3A_123 = arith.constant 3 : i32
        %swap3A_124 = arith.index_cast %swap3A_123 : i32 to index
        %swap3A_125 = arith.index_cast %mul3A_74 : i32 to index
        %swap3A_126 = tpu.vector_load %arg12[%swap3A_124, %swap3A_125] {strides = array<i32>} : memref<8x512xf32, #tpu.memory_space<vmem>>, vector<16xf32>,
        tpu.vector_store %arg12[%swap3A_124, %swap3A_125], %gather3A_122 {strides = array<i32>} : memref<8x512xf32, #tpu.memory_space<vmem>>, vector<16xf32>,
        %broadcast_in_dim3A_127 = arith.constant 4 : i32
        %broadcast_in_dim3A_128 = vector.broadcast %broadcast_in_dim3A_127 : i32 to vector<16xi32>
        %gather3A_129 = tpu.vector_load_idx %arg9[%broadcast_in_dim3A_128, %get3A_76] : memref<8x8192xf32, #tpu.memory_space<vmem>>[vector<16xi32>, vector<16xi32>], vector<16xf32>,
        %swap3A_130 = arith.constant 4 : i32
        %swap3A_131 = arith.index_cast %swap3A_130 : i32 to index
        %swap3A_132 = arith.index_cast %mul3A_74 : i32 to index
        %swap3A_133 = tpu.vector_load %arg12[%swap3A_131, %swap3A_132] {strides = array<i32>} : memref<8x512xf32, #tpu.memory_space<vmem>>, vector<16xf32>,
        tpu.vector_store %arg12[%swap3A_131, %swap3A_132], %gather3A_129 {strides = array<i32>} : memref<8x512xf32, #tpu.memory_space<vmem>>, vector<16xf32>,
        %broadcast_in_dim3A_134 = arith.constant 5 : i32
        %broadcast_in_dim3A_135 = vector.broadcast %broadcast_in_dim3A_134 : i32 to vector<16xi32>
        %gather3A_136 = tpu.vector_load_idx %arg9[%broadcast_in_dim3A_135, %get3A_76] : memref<8x8192xf32, #tpu.memory_space<vmem>>[vector<16xi32>, vector<16xi32>], vector<16xf32>,
        %swap3A_137 = arith.constant 5 : i32
        %swap3A_138 = arith.index_cast %swap3A_137 : i32 to index
        %swap3A_139 = arith.index_cast %mul3A_74 : i32 to index
        %swap3A_140 = tpu.vector_load %arg12[%swap3A_138, %swap3A_139] {strides = array<i32>} : memref<8x512xf32, #tpu.memory_space<vmem>>, vector<16xf32>,
        tpu.vector_store %arg12[%swap3A_138, %swap3A_139], %gather3A_136 {strides = array<i32>} : memref<8x512xf32, #tpu.memory_space<vmem>>, vector<16xf32>,
        %broadcast_in_dim3A_141 = arith.constant 6 : i32
        %broadcast_in_dim3A_142 = vector.broadcast %broadcast_in_dim3A_141 : i32 to vector<16xi32>
        %gather3A_143 = tpu.vector_load_idx %arg9[%broadcast_in_dim3A_142, %get3A_76] : memref<8x8192xf32, #tpu.memory_space<vmem>>[vector<16xi32>, vector<16xi32>], vector<16xf32>,
        %swap3A_144 = arith.constant 6 : i32
        %swap3A_145 = arith.index_cast %swap3A_144 : i32 to index
        %swap3A_146 = arith.index_cast %mul3A_74 : i32 to index
        %swap3A_147 = tpu.vector_load %arg12[%swap3A_145, %swap3A_146] {strides = array<i32>} : memref<8x512xf32, #tpu.memory_space<vmem>>, vector<16xf32>,
        tpu.vector_store %arg12[%swap3A_145, %swap3A_146], %gather3A_143 {strides = array<i32>} : memref<8x512xf32, #tpu.memory_space<vmem>>, vector<16xf32>,
        %broadcast_in_dim3A_148 = arith.constant 7 : i32
        %broadcast_in_dim3A_149 = vector.broadcast %broadcast_in_dim3A_148 : i32 to vector<16xi32>
        %gather3A_150 = tpu.vector_load_idx %arg9[%broadcast_in_dim3A_149, %get3A_76] : memref<8x8192xf32, #tpu.memory_space<vmem>>[vector<16xi32>, vector<16xi32>], vector<16xf32>,
        %swap3A_151 = arith.constant 7 : i32
        %swap3A_152 = arith.index_cast %swap3A_151 : i32 to index
        %swap3A_153 = arith.index_cast %mul3A_74 : i32 to index
        %swap3A_154 = tpu.vector_load %arg12[%swap3A_152, %swap3A_153] {strides = array<i32>} : memref<8x512xf32, #tpu.memory_space<vmem>>, vector<16xf32>,
        tpu.vector_store %arg12[%swap3A_152, %swap3A_153], %gather3A_150 {strides = array<i32>} : memref<8x512xf32, #tpu.memory_space<vmem>>, vector<16xf32>,
      }
      %scan3A_47 = arith.constant 32 : i32
      %mul3A_48 = arith.constant 8192 : i32
      %mul3A_49 = arith.muli %add3A, %mul3A_48 : i32
      %add3A_50 = arith.addi %mul3A_49, %mul3A_41 : i32
      "tpu.region"() ({
        %run_scoped3A = tpu.sem_alloc : memref<!tpu.dma_semaphore, #tpu.memory_space<semaphore_mem>>
        %dma_start3A = arith.constant 0 : i32
        %dma_start3A_72 = arith.constant 0 : i32
        %dma_start3A_73 = tpu.memref_slice %arg12[%dma_start3A, %dma_start3A_72] : memref<8x512xf32, #tpu.memory_space<vmem>> -> memref<1x512xf32, #tpu.memory_space<vmem>>
        %dma_start3A_74 = arith.constant 0 : i32
        %dma_start3A_75 = tpu.memref_slice %arg6[%dma_start3A_74, %add3A_50] : memref<8x262144xf32, #tpu.memory_space<hbm>> -> memref<1x512xf32, #tpu.memory_space<hbm>>
        %dma_start3A_76 = arith.constant 0 : i32
        %dma_start3A_77 = tpu.memref_slice %arg6[%dma_start3A_76, %add3A_50] : memref<8x262144xf32, #tpu.memory_space<hbm>> -> memref<1x512xf32, #tpu.memory_space<hbm>>
        %dma_start3A_78 = arith.constant 0 : i32
        %dma_start3A_79 = arith.constant 0 : i32
        %dma_start3A_80 = tpu.memref_slice %arg12[%dma_start3A_78, %dma_start3A_79] : memref<8x512xf32, #tpu.memory_space<vmem>> -> memref<1x512xf32, #tpu.memory_space<vmem>>
        tpu.enqueue_dma source(%dma_start3A_80 : memref<1x512xf32, #tpu.memory_space<vmem>>) target(%dma_start3A_77 : memref<1x512xf32, #tpu.memory_space<hbm>>) target_semaphore(%run_scoped3A : memref<!tpu.dma_semaphore, #tpu.memory_space<semaphore_mem>>)
        %dma_wait3A = arith.constant 0 : i32
        %dma_wait3A_81 = arith.constant 0 : i32
        %dma_wait3A_82 = tpu.memref_slice %arg12[%dma_wait3A, %dma_wait3A_81] : memref<8x512xf32, #tpu.memory_space<vmem>> -> memref<1x512xf32, #tpu.memory_space<vmem>>
        %dma_wait3A_83 = arith.constant 0 : i32
        %dma_wait3A_84 = tpu.memref_slice %arg6[%dma_wait3A_83, %add3A_50] : memref<8x262144xf32, #tpu.memory_space<hbm>> -> memref<1x512xf32, #tpu.memory_space<hbm>>
        %dma_wait3A_85 = arith.constant 0 : i32
        %dma_wait3A_86 = tpu.memref_slice %arg6[%dma_wait3A_85, %add3A_50] : memref<8x262144xf32, #tpu.memory_space<hbm>> -> memref<1x512xf32, #tpu.memory_space<hbm>>
        %dma_wait3A_87 = arith.constant 0 : i32
        %dma_wait3A_88 = arith.constant 0 : i32
        %dma_wait3A_89 = tpu.memref_slice %arg12[%dma_wait3A_87, %dma_wait3A_88] : memref<8x512xf32, #tpu.memory_space<vmem>> -> memref<1x512xf32, #tpu.memory_space<vmem>>
        tpu.wait_dma2 semaphore(%run_scoped3A : memref<!tpu.dma_semaphore, #tpu.memory_space<semaphore_mem>>) src(%dma_wait3A_89 : memref<1x512xf32, #tpu.memory_space<vmem>>) dst(%dma_wait3A_86 : memref<1x512xf32, #tpu.memory_space<hbm>>)
        tpu.yield
      }) : () -> ()
      %mul3A_51 = arith.constant 8192 : i32
      %mul3A_52 = arith.muli %add3A, %mul3A_51 : i32
      %add3A_53 = arith.addi %mul3A_52, %mul3A_41 : i32
      "tpu.region"() ({
        %run_scoped3A = tpu.sem_alloc : memref<!tpu.dma_semaphore, #tpu.memory_space<semaphore_mem>>
        %dma_start3A = arith.constant 1 : i32
        %dma_start3A_72 = arith.constant 0 : i32
        %dma_start3A_73 = tpu.memref_slice %arg12[%dma_start3A, %dma_start3A_72] : memref<8x512xf32, #tpu.memory_space<vmem>> -> memref<1x512xf32, #tpu.memory_space<vmem>>
        %dma_start3A_74 = arith.constant 1 : i32
        %dma_start3A_75 = tpu.memref_slice %arg6[%dma_start3A_74, %add3A_53] : memref<8x262144xf32, #tpu.memory_space<hbm>> -> memref<1x512xf32, #tpu.memory_space<hbm>>
        %dma_start3A_76 = arith.constant 1 : i32
        %dma_start3A_77 = tpu.memref_slice %arg6[%dma_start3A_76, %add3A_53] : memref<8x262144xf32, #tpu.memory_space<hbm>> -> memref<1x512xf32, #tpu.memory_space<hbm>>
        %dma_start3A_78 = arith.constant 1 : i32
        %dma_start3A_79 = arith.constant 0 : i32
        %dma_start3A_80 = tpu.memref_slice %arg12[%dma_start3A_78, %dma_start3A_79] : memref<8x512xf32, #tpu.memory_space<vmem>> -> memref<1x512xf32, #tpu.memory_space<vmem>>
        tpu.enqueue_dma source(%dma_start3A_80 : memref<1x512xf32, #tpu.memory_space<vmem>>) target(%dma_start3A_77 : memref<1x512xf32, #tpu.memory_space<hbm>>) target_semaphore(%run_scoped3A : memref<!tpu.dma_semaphore, #tpu.memory_space<semaphore_mem>>)
        %dma_wait3A = arith.constant 1 : i32
        %dma_wait3A_81 = arith.constant 0 : i32
        %dma_wait3A_82 = tpu.memref_slice %arg12[%dma_wait3A, %dma_wait3A_81] : memref<8x512xf32, #tpu.memory_space<vmem>> -> memref<1x512xf32, #tpu.memory_space<vmem>>
        %dma_wait3A_83 = arith.constant 1 : i32
        %dma_wait3A_84 = tpu.memref_slice %arg6[%dma_wait3A_83, %add3A_53] : memref<8x262144xf32, #tpu.memory_space<hbm>> -> memref<1x512xf32, #tpu.memory_space<hbm>>
        %dma_wait3A_85 = arith.constant 1 : i32
        %dma_wait3A_86 = tpu.memref_slice %arg6[%dma_wait3A_85, %add3A_53] : memref<8x262144xf32, #tpu.memory_space<hbm>> -> memref<1x512xf32, #tpu.memory_space<hbm>>
        %dma_wait3A_87 = arith.constant 1 : i32
        %dma_wait3A_88 = arith.constant 0 : i32
        %dma_wait3A_89 = tpu.memref_slice %arg12[%dma_wait3A_87, %dma_wait3A_88] : memref<8x512xf32, #tpu.memory_space<vmem>> -> memref<1x512xf32, #tpu.memory_space<vmem>>
        tpu.wait_dma2 semaphore(%run_scoped3A : memref<!tpu.dma_semaphore, #tpu.memory_space<semaphore_mem>>) src(%dma_wait3A_89 : memref<1x512xf32, #tpu.memory_space<vmem>>) dst(%dma_wait3A_86 : memref<1x512xf32, #tpu.memory_space<hbm>>)
        tpu.yield
      }) : () -> ()
      %mul3A_54 = arith.constant 8192 : i32
      %mul3A_55 = arith.muli %add3A, %mul3A_54 : i32
      %add3A_56 = arith.addi %mul3A_55, %mul3A_41 : i32
      "tpu.region"() ({
        %run_scoped3A = tpu.sem_alloc : memref<!tpu.dma_semaphore, #tpu.memory_space<semaphore_mem>>
        %dma_start3A = arith.constant 2 : i32
        %dma_start3A_72 = arith.constant 0 : i32
        %dma_start3A_73 = tpu.memref_slice %arg12[%dma_start3A, %dma_start3A_72] : memref<8x512xf32, #tpu.memory_space<vmem>> -> memref<1x512xf32, #tpu.memory_space<vmem>>
        %dma_start3A_74 = arith.constant 2 : i32
        %dma_start3A_75 = tpu.memref_slice %arg6[%dma_start3A_74, %add3A_56] : memref<8x262144xf32, #tpu.memory_space<hbm>> -> memref<1x512xf32, #tpu.memory_space<hbm>>
        %dma_start3A_76 = arith.constant 2 : i32
        %dma_start3A_77 = tpu.memref_slice %arg6[%dma_start3A_76, %add3A_56] : memref<8x262144xf32, #tpu.memory_space<hbm>> -> memref<1x512xf32, #tpu.memory_space<hbm>>
        %dma_start3A_78 = arith.constant 2 : i32
        %dma_start3A_79 = arith.constant 0 : i32
        %dma_start3A_80 = tpu.memref_slice %arg12[%dma_start3A_78, %dma_start3A_79] : memref<8x512xf32, #tpu.memory_space<vmem>> -> memref<1x512xf32, #tpu.memory_space<vmem>>
        tpu.enqueue_dma source(%dma_start3A_80 : memref<1x512xf32, #tpu.memory_space<vmem>>) target(%dma_start3A_77 : memref<1x512xf32, #tpu.memory_space<hbm>>) target_semaphore(%run_scoped3A : memref<!tpu.dma_semaphore, #tpu.memory_space<semaphore_mem>>)
        %dma_wait3A = arith.constant 2 : i32
        %dma_wait3A_81 = arith.constant 0 : i32
        %dma_wait3A_82 = tpu.memref_slice %arg12[%dma_wait3A, %dma_wait3A_81] : memref<8x512xf32, #tpu.memory_space<vmem>> -> memref<1x512xf32, #tpu.memory_space<vmem>>
        %dma_wait3A_83 = arith.constant 2 : i32
        %dma_wait3A_84 = tpu.memref_slice %arg6[%dma_wait3A_83, %add3A_56] : memref<8x262144xf32, #tpu.memory_space<hbm>> -> memref<1x512xf32, #tpu.memory_space<hbm>>
        %dma_wait3A_85 = arith.constant 2 : i32
        %dma_wait3A_86 = tpu.memref_slice %arg6[%dma_wait3A_85, %add3A_56] : memref<8x262144xf32, #tpu.memory_space<hbm>> -> memref<1x512xf32, #tpu.memory_space<hbm>>
        %dma_wait3A_87 = arith.constant 2 : i32
        %dma_wait3A_88 = arith.constant 0 : i32
        %dma_wait3A_89 = tpu.memref_slice %arg12[%dma_wait3A_87, %dma_wait3A_88] : memref<8x512xf32, #tpu.memory_space<vmem>> -> memref<1x512xf32, #tpu.memory_space<vmem>>
        tpu.wait_dma2 semaphore(%run_scoped3A : memref<!tpu.dma_semaphore, #tpu.memory_space<semaphore_mem>>) src(%dma_wait3A_89 : memref<1x512xf32, #tpu.memory_space<vmem>>) dst(%dma_wait3A_86 : memref<1x512xf32, #tpu.memory_space<hbm>>)
        tpu.yield
      }) : () -> ()
      %mul3A_57 = arith.constant 8192 : i32
      %mul3A_58 = arith.muli %add3A, %mul3A_57 : i32
      %add3A_59 = arith.addi %mul3A_58, %mul3A_41 : i32
      "tpu.region"() ({
        %run_scoped3A = tpu.sem_alloc : memref<!tpu.dma_semaphore, #tpu.memory_space<semaphore_mem>>
        %dma_start3A = arith.constant 3 : i32
        %dma_start3A_72 = arith.constant 0 : i32
        %dma_start3A_73 = tpu.memref_slice %arg12[%dma_start3A, %dma_start3A_72] : memref<8x512xf32, #tpu.memory_space<vmem>> -> memref<1x512xf32, #tpu.memory_space<vmem>>
        %dma_start3A_74 = arith.constant 3 : i32
        %dma_start3A_75 = tpu.memref_slice %arg6[%dma_start3A_74, %add3A_59] : memref<8x262144xf32, #tpu.memory_space<hbm>> -> memref<1x512xf32, #tpu.memory_space<hbm>>
        %dma_start3A_76 = arith.constant 3 : i32
        %dma_start3A_77 = tpu.memref_slice %arg6[%dma_start3A_76, %add3A_59] : memref<8x262144xf32, #tpu.memory_space<hbm>> -> memref<1x512xf32, #tpu.memory_space<hbm>>
        %dma_start3A_78 = arith.constant 3 : i32
        %dma_start3A_79 = arith.constant 0 : i32
        %dma_start3A_80 = tpu.memref_slice %arg12[%dma_start3A_78, %dma_start3A_79] : memref<8x512xf32, #tpu.memory_space<vmem>> -> memref<1x512xf32, #tpu.memory_space<vmem>>
        tpu.enqueue_dma source(%dma_start3A_80 : memref<1x512xf32, #tpu.memory_space<vmem>>) target(%dma_start3A_77 : memref<1x512xf32, #tpu.memory_space<hbm>>) target_semaphore(%run_scoped3A : memref<!tpu.dma_semaphore, #tpu.memory_space<semaphore_mem>>)
        %dma_wait3A = arith.constant 3 : i32
        %dma_wait3A_81 = arith.constant 0 : i32
        %dma_wait3A_82 = tpu.memref_slice %arg12[%dma_wait3A, %dma_wait3A_81] : memref<8x512xf32, #tpu.memory_space<vmem>> -> memref<1x512xf32, #tpu.memory_space<vmem>>
        %dma_wait3A_83 = arith.constant 3 : i32
        %dma_wait3A_84 = tpu.memref_slice %arg6[%dma_wait3A_83, %add3A_59] : memref<8x262144xf32, #tpu.memory_space<hbm>> -> memref<1x512xf32, #tpu.memory_space<hbm>>
        %dma_wait3A_85 = arith.constant 3 : i32
        %dma_wait3A_86 = tpu.memref_slice %arg6[%dma_wait3A_85, %add3A_59] : memref<8x262144xf32, #tpu.memory_space<hbm>> -> memref<1x512xf32, #tpu.memory_space<hbm>>
        %dma_wait3A_87 = arith.constant 3 : i32
        %dma_wait3A_88 = arith.constant 0 : i32
        %dma_wait3A_89 = tpu.memref_slice %arg12[%dma_wait3A_87, %dma_wait3A_88] : memref<8x512xf32, #tpu.memory_space<vmem>> -> memref<1x512xf32, #tpu.memory_space<vmem>>
        tpu.wait_dma2 semaphore(%run_scoped3A : memref<!tpu.dma_semaphore, #tpu.memory_space<semaphore_mem>>) src(%dma_wait3A_89 : memref<1x512xf32, #tpu.memory_space<vmem>>) dst(%dma_wait3A_86 : memref<1x512xf32, #tpu.memory_space<hbm>>)
        tpu.yield
      }) : () -> ()
      %mul3A_60 = arith.constant 8192 : i32
      %mul3A_61 = arith.muli %add3A, %mul3A_60 : i32
      %add3A_62 = arith.addi %mul3A_61, %mul3A_41 : i32
      "tpu.region"() ({
        %run_scoped3A = tpu.sem_alloc : memref<!tpu.dma_semaphore, #tpu.memory_space<semaphore_mem>>
        %dma_start3A = arith.constant 4 : i32
        %dma_start3A_72 = arith.constant 0 : i32
        %dma_start3A_73 = tpu.memref_slice %arg12[%dma_start3A, %dma_start3A_72] : memref<8x512xf32, #tpu.memory_space<vmem>> -> memref<1x512xf32, #tpu.memory_space<vmem>>
        %dma_start3A_74 = arith.constant 4 : i32
        %dma_start3A_75 = tpu.memref_slice %arg6[%dma_start3A_74, %add3A_62] : memref<8x262144xf32, #tpu.memory_space<hbm>> -> memref<1x512xf32, #tpu.memory_space<hbm>>
        %dma_start3A_76 = arith.constant 4 : i32
        %dma_start3A_77 = tpu.memref_slice %arg6[%dma_start3A_76, %add3A_62] : memref<8x262144xf32, #tpu.memory_space<hbm>> -> memref<1x512xf32, #tpu.memory_space<hbm>>
        %dma_start3A_78 = arith.constant 4 : i32
        %dma_start3A_79 = arith.constant 0 : i32
        %dma_start3A_80 = tpu.memref_slice %arg12[%dma_start3A_78, %dma_start3A_79] : memref<8x512xf32, #tpu.memory_space<vmem>> -> memref<1x512xf32, #tpu.memory_space<vmem>>
        tpu.enqueue_dma source(%dma_start3A_80 : memref<1x512xf32, #tpu.memory_space<vmem>>) target(%dma_start3A_77 : memref<1x512xf32, #tpu.memory_space<hbm>>) target_semaphore(%run_scoped3A : memref<!tpu.dma_semaphore, #tpu.memory_space<semaphore_mem>>)
        %dma_wait3A = arith.constant 4 : i32
        %dma_wait3A_81 = arith.constant 0 : i32
        %dma_wait3A_82 = tpu.memref_slice %arg12[%dma_wait3A, %dma_wait3A_81] : memref<8x512xf32, #tpu.memory_space<vmem>> -> memref<1x512xf32, #tpu.memory_space<vmem>>
        %dma_wait3A_83 = arith.constant 4 : i32
        %dma_wait3A_84 = tpu.memref_slice %arg6[%dma_wait3A_83, %add3A_62] : memref<8x262144xf32, #tpu.memory_space<hbm>> -> memref<1x512xf32, #tpu.memory_space<hbm>>
        %dma_wait3A_85 = arith.constant 4 : i32
        %dma_wait3A_86 = tpu.memref_slice %arg6[%dma_wait3A_85, %add3A_62] : memref<8x262144xf32, #tpu.memory_space<hbm>> -> memref<1x512xf32, #tpu.memory_space<hbm>>
        %dma_wait3A_87 = arith.constant 4 : i32
        %dma_wait3A_88 = arith.constant 0 : i32
        %dma_wait3A_89 = tpu.memref_slice %arg12[%dma_wait3A_87, %dma_wait3A_88] : memref<8x512xf32, #tpu.memory_space<vmem>> -> memref<1x512xf32, #tpu.memory_space<vmem>>
        tpu.wait_dma2 semaphore(%run_scoped3A : memref<!tpu.dma_semaphore, #tpu.memory_space<semaphore_mem>>) src(%dma_wait3A_89 : memref<1x512xf32, #tpu.memory_space<vmem>>) dst(%dma_wait3A_86 : memref<1x512xf32, #tpu.memory_space<hbm>>)
        tpu.yield
      }) : () -> ()
      %mul3A_63 = arith.constant 8192 : i32
      %mul3A_64 = arith.muli %add3A, %mul3A_63 : i32
      %add3A_65 = arith.addi %mul3A_64, %mul3A_41 : i32
      "tpu.region"() ({
        %run_scoped3A = tpu.sem_alloc : memref<!tpu.dma_semaphore, #tpu.memory_space<semaphore_mem>>
        %dma_start3A = arith.constant 5 : i32
        %dma_start3A_72 = arith.constant 0 : i32
        %dma_start3A_73 = tpu.memref_slice %arg12[%dma_start3A, %dma_start3A_72] : memref<8x512xf32, #tpu.memory_space<vmem>> -> memref<1x512xf32, #tpu.memory_space<vmem>>
        %dma_start3A_74 = arith.constant 5 : i32
        %dma_start3A_75 = tpu.memref_slice %arg6[%dma_start3A_74, %add3A_65] : memref<8x262144xf32, #tpu.memory_space<hbm>> -> memref<1x512xf32, #tpu.memory_space<hbm>>
        %dma_start3A_76 = arith.constant 5 : i32
        %dma_start3A_77 = tpu.memref_slice %arg6[%dma_start3A_76, %add3A_65] : memref<8x262144xf32, #tpu.memory_space<hbm>> -> memref<1x512xf32, #tpu.memory_space<hbm>>
        %dma_start3A_78 = arith.constant 5 : i32
        %dma_start3A_79 = arith.constant 0 : i32
        %dma_start3A_80 = tpu.memref_slice %arg12[%dma_start3A_78, %dma_start3A_79] : memref<8x512xf32, #tpu.memory_space<vmem>> -> memref<1x512xf32, #tpu.memory_space<vmem>>
        tpu.enqueue_dma source(%dma_start3A_80 : memref<1x512xf32, #tpu.memory_space<vmem>>) target(%dma_start3A_77 : memref<1x512xf32, #tpu.memory_space<hbm>>) target_semaphore(%run_scoped3A : memref<!tpu.dma_semaphore, #tpu.memory_space<semaphore_mem>>)
        %dma_wait3A = arith.constant 5 : i32
        %dma_wait3A_81 = arith.constant 0 : i32
        %dma_wait3A_82 = tpu.memref_slice %arg12[%dma_wait3A, %dma_wait3A_81] : memref<8x512xf32, #tpu.memory_space<vmem>> -> memref<1x512xf32, #tpu.memory_space<vmem>>
        %dma_wait3A_83 = arith.constant 5 : i32
        %dma_wait3A_84 = tpu.memref_slice %arg6[%dma_wait3A_83, %add3A_65] : memref<8x262144xf32, #tpu.memory_space<hbm>> -> memref<1x512xf32, #tpu.memory_space<hbm>>
        %dma_wait3A_85 = arith.constant 5 : i32
        %dma_wait3A_86 = tpu.memref_slice %arg6[%dma_wait3A_85, %add3A_65] : memref<8x262144xf32, #tpu.memory_space<hbm>> -> memref<1x512xf32, #tpu.memory_space<hbm>>
        %dma_wait3A_87 = arith.constant 5 : i32
        %dma_wait3A_88 = arith.constant 0 : i32
        %dma_wait3A_89 = tpu.memref_slice %arg12[%dma_wait3A_87, %dma_wait3A_88] : memref<8x512xf32, #tpu.memory_space<vmem>> -> memref<1x512xf32, #tpu.memory_space<vmem>>
        tpu.wait_dma2 semaphore(%run_scoped3A : memref<!tpu.dma_semaphore, #tpu.memory_space<semaphore_mem>>) src(%dma_wait3A_89 : memref<1x512xf32, #tpu.memory_space<vmem>>) dst(%dma_wait3A_86 : memref<1x512xf32, #tpu.memory_space<hbm>>)
        tpu.yield
      }) : () -> ()
      %mul3A_66 = arith.constant 8192 : i32
      %mul3A_67 = arith.muli %add3A, %mul3A_66 : i32
      %add3A_68 = arith.addi %mul3A_67, %mul3A_41 : i32
      "tpu.region"() ({
        %run_scoped3A = tpu.sem_alloc : memref<!tpu.dma_semaphore, #tpu.memory_space<semaphore_mem>>
        %dma_start3A = arith.constant 6 : i32
        %dma_start3A_72 = arith.constant 0 : i32
        %dma_start3A_73 = tpu.memref_slice %arg12[%dma_start3A, %dma_start3A_72] : memref<8x512xf32, #tpu.memory_space<vmem>> -> memref<1x512xf32, #tpu.memory_space<vmem>>
        %dma_start3A_74 = arith.constant 6 : i32
        %dma_start3A_75 = tpu.memref_slice %arg6[%dma_start3A_74, %add3A_68] : memref<8x262144xf32, #tpu.memory_space<hbm>> -> memref<1x512xf32, #tpu.memory_space<hbm>>
        %dma_start3A_76 = arith.constant 6 : i32
        %dma_start3A_77 = tpu.memref_slice %arg6[%dma_start3A_76, %add3A_68] : memref<8x262144xf32, #tpu.memory_space<hbm>> -> memref<1x512xf32, #tpu.memory_space<hbm>>
        %dma_start3A_78 = arith.constant 6 : i32
        %dma_start3A_79 = arith.constant 0 : i32
        %dma_start3A_80 = tpu.memref_slice %arg12[%dma_start3A_78, %dma_start3A_79] : memref<8x512xf32, #tpu.memory_space<vmem>> -> memref<1x512xf32, #tpu.memory_space<vmem>>
        tpu.enqueue_dma source(%dma_start3A_80 : memref<1x512xf32, #tpu.memory_space<vmem>>) target(%dma_start3A_77 : memref<1x512xf32, #tpu.memory_space<hbm>>) target_semaphore(%run_scoped3A : memref<!tpu.dma_semaphore, #tpu.memory_space<semaphore_mem>>)
        %dma_wait3A = arith.constant 6 : i32
        %dma_wait3A_81 = arith.constant 0 : i32
        %dma_wait3A_82 = tpu.memref_slice %arg12[%dma_wait3A, %dma_wait3A_81] : memref<8x512xf32, #tpu.memory_space<vmem>> -> memref<1x512xf32, #tpu.memory_space<vmem>>
        %dma_wait3A_83 = arith.constant 6 : i32
        %dma_wait3A_84 = tpu.memref_slice %arg6[%dma_wait3A_83, %add3A_68] : memref<8x262144xf32, #tpu.memory_space<hbm>> -> memref<1x512xf32, #tpu.memory_space<hbm>>
        %dma_wait3A_85 = arith.constant 6 : i32
        %dma_wait3A_86 = tpu.memref_slice %arg6[%dma_wait3A_85, %add3A_68] : memref<8x262144xf32, #tpu.memory_space<hbm>> -> memref<1x512xf32, #tpu.memory_space<hbm>>
        %dma_wait3A_87 = arith.constant 6 : i32
        %dma_wait3A_88 = arith.constant 0 : i32
        %dma_wait3A_89 = tpu.memref_slice %arg12[%dma_wait3A_87, %dma_wait3A_88] : memref<8x512xf32, #tpu.memory_space<vmem>> -> memref<1x512xf32, #tpu.memory_space<vmem>>
        tpu.wait_dma2 semaphore(%run_scoped3A : memref<!tpu.dma_semaphore, #tpu.memory_space<semaphore_mem>>) src(%dma_wait3A_89 : memref<1x512xf32, #tpu.memory_space<vmem>>) dst(%dma_wait3A_86 : memref<1x512xf32, #tpu.memory_space<hbm>>)
        tpu.yield
      }) : () -> ()
      %mul3A_69 = arith.constant 8192 : i32
      %mul3A_70 = arith.muli %add3A, %mul3A_69 : i32
      %add3A_71 = arith.addi %mul3A_70, %mul3A_41 : i32
      "tpu.region"() ({
        %run_scoped3A = tpu.sem_alloc : memref<!tpu.dma_semaphore, #tpu.memory_space<semaphore_mem>>
        %dma_start3A = arith.constant 7 : i32
        %dma_start3A_72 = arith.constant 0 : i32
        %dma_start3A_73 = tpu.memref_slice %arg12[%dma_start3A, %dma_start3A_72] : memref<8x512xf32, #tpu.memory_space<vmem>> -> memref<1x512xf32, #tpu.memory_space<vmem>>
        %dma_start3A_74 = arith.constant 7 : i32
        %dma_start3A_75 = tpu.memref_slice %arg6[%dma_start3A_74, %add3A_71] : memref<8x262144xf32, #tpu.memory_space<hbm>> -> memref<1x512xf32, #tpu.memory_space<hbm>>
        %dma_start3A_76 = arith.constant 7 : i32
        %dma_start3A_77 = tpu.memref_slice %arg6[%dma_start3A_76, %add3A_71] : memref<8x262144xf32, #tpu.memory_space<hbm>> -> memref<1x512xf32, #tpu.memory_space<hbm>>
        %dma_start3A_78 = arith.constant 7 : i32
        %dma_start3A_79 = arith.constant 0 : i32
        %dma_start3A_80 = tpu.memref_slice %arg12[%dma_start3A_78, %dma_start3A_79] : memref<8x512xf32, #tpu.memory_space<vmem>> -> memref<1x512xf32, #tpu.memory_space<vmem>>
        tpu.enqueue_dma source(%dma_start3A_80 : memref<1x512xf32, #tpu.memory_space<vmem>>) target(%dma_start3A_77 : memref<1x512xf32, #tpu.memory_space<hbm>>) target_semaphore(%run_scoped3A : memref<!tpu.dma_semaphore, #tpu.memory_space<semaphore_mem>>)
        %dma_wait3A = arith.constant 7 : i32
        %dma_wait3A_81 = arith.constant 0 : i32
        %dma_wait3A_82 = tpu.memref_slice %arg12[%dma_wait3A, %dma_wait3A_81] : memref<8x512xf32, #tpu.memory_space<vmem>> -> memref<1x512xf32, #tpu.memory_space<vmem>>
        %dma_wait3A_83 = arith.constant 7 : i32
        %dma_wait3A_84 = tpu.memref_slice %arg6[%dma_wait3A_83, %add3A_71] : memref<8x262144xf32, #tpu.memory_space<hbm>> -> memref<1x512xf32, #tpu.memory_space<hbm>>
        %dma_wait3A_85 = arith.constant 7 : i32
        %dma_wait3A_86 = tpu.memref_slice %arg6[%dma_wait3A_85, %add3A_71] : memref<8x262144xf32, #tpu.memory_space<hbm>> -> memref<1x512xf32, #tpu.memory_space<hbm>>
        %dma_wait3A_87 = arith.constant 7 : i32
        %dma_wait3A_88 = arith.constant 0 : i32
        %dma_wait3A_89 = tpu.memref_slice %arg12[%dma_wait3A_87, %dma_wait3A_88] : memref<8x512xf32, #tpu.memory_space<vmem>> -> memref<1x512xf32, #tpu.memory_space<vmem>>
        tpu.wait_dma2 semaphore(%run_scoped3A : memref<!tpu.dma_semaphore, #tpu.memory_space<semaphore_mem>>) src(%dma_wait3A_89 : memref<1x512xf32, #tpu.memory_space<vmem>>) dst(%dma_wait3A_86 : memref<1x512xf32, #tpu.memory_space<hbm>>)
        tpu.yield
      }) : () -> ()
    }
    %scan3A_38 = arith.constant 16 : i32
    return
  }
}

module attributes {stable_mosaic.version = 14 : i64} {
  func.func @_fps_body(%arg0: memref<3x8x8192xf32, #tpu.memory_space<vmem>>, %arg1: memref<3x8x1024xf32, #tpu.memory_space<vmem>>, %arg2: memref<8x8192xf32, #tpu.memory_space<vmem>>) attributes {dimension_semantics = [], scalar_prefetch = 0 : i64, scratch_operands = 1 : i64, tpu.core_type = #tpu.core_type<tc>} {
    %get3A = arith.constant 0 : index
    %get3A_0 = arith.constant 0 : index
    %get3A_1 = arith.constant 0 : index
    %get3A_2 = vector.load %arg0[%get3A, %get3A_0, %get3A_1] : memref<3x8x8192xf32, #tpu.memory_space<vmem>>, vector<1x8x8192xf32>
    %get3A_3 = vector.shape_cast %get3A_2 : vector<1x8x8192xf32> to vector<8x8192xf32>
    %get3A_4 = arith.constant 1 : index
    %get3A_5 = arith.constant 0 : index
    %get3A_6 = arith.constant 0 : index
    %get3A_7 = vector.load %arg0[%get3A_4, %get3A_5, %get3A_6] : memref<3x8x8192xf32, #tpu.memory_space<vmem>>, vector<1x8x8192xf32>
    %get3A_8 = vector.shape_cast %get3A_7 : vector<1x8x8192xf32> to vector<8x8192xf32>
    %get3A_9 = arith.constant 2 : index
    %get3A_10 = arith.constant 0 : index
    %get3A_11 = arith.constant 0 : index
    %get3A_12 = vector.load %arg0[%get3A_9, %get3A_10, %get3A_11] : memref<3x8x8192xf32, #tpu.memory_space<vmem>>, vector<1x8x8192xf32>
    %get3A_13 = vector.shape_cast %get3A_12 : vector<1x8x8192xf32> to vector<8x8192xf32>
    %iota3A = tpu.iota {dimensions = array<i32: 1>} : vector<8x8192xi32>
    %iota3A_14 = tpu.iota {dimensions = array<i32: 1>} : vector<8x1024xi32>
    %broadcast_in_dim3A = arith.constant 0.000000e+00 : f32
    %broadcast_in_dim3A_15 = vector.broadcast %broadcast_in_dim3A : f32 to vector<3x8x1024xf32>
    %swap3A = arith.constant 0 : index
    %swap3A_16 = arith.constant 0 : index
    %swap3A_17 = arith.constant 0 : index
    %swap3A_18 = vector.load %arg1[%swap3A, %swap3A_16, %swap3A_17] : memref<3x8x1024xf32, #tpu.memory_space<vmem>>, vector<3x8x1024xf32>
    tpu.vector_store %arg1[%swap3A, %swap3A_16, %swap3A_17], %broadcast_in_dim3A_15 {strides = array<i32>} : memref<3x8x1024xf32, #tpu.memory_space<vmem>>, vector<3x8x1024xf32>,
    %broadcast_in_dim3A_19 = arith.constant 1.000000e+10 : f32
    %broadcast_in_dim3A_20 = vector.broadcast %broadcast_in_dim3A_19 : f32 to vector<8x8192xf32>
    %swap3A_21 = arith.constant 0 : index
    %swap3A_22 = arith.constant 0 : index
    %swap3A_23 = vector.load %arg2[%swap3A_21, %swap3A_22] : memref<8x8192xf32, #tpu.memory_space<vmem>>, vector<8x8192xf32>
    tpu.vector_store %arg2[%swap3A_21, %swap3A_22], %broadcast_in_dim3A_20 {strides = array<i32>} : memref<8x8192xf32, #tpu.memory_space<vmem>>, vector<8x8192xf32>,
    %broadcast_in_dim3A_24 = arith.constant 0 : i32
    %broadcast_in_dim3A_25 = vector.broadcast %broadcast_in_dim3A_24 : i32 to vector<8x1xi32>
    %scan3A = arith.constant 0 : i32
    %scan3A_26 = arith.constant 1024 : i32
    %scan3A_27 = arith.addi %scan3A, %scan3A_26 : i32
    %scan3A_28 = arith.constant 2 : i32
    %scan3A_29 = scf.for %scan3A_31 = %scan3A to %scan3A_27 step %scan3A_28 iter_args(%scan3A_32 = %broadcast_in_dim3A_25) -> (vector<8x1xi32>)  : i32 {
      %eq3A = vector.broadcast %scan3A_32 : vector<8x1xi32> to vector<8x8192xi32>
      %eq3A_33 = arith.cmpi eq, %iota3A, %eq3A : vector<8x8192xi32>
      %jit3A = arith.constant -1.000000e+00 : f32
      %broadcast_in_dim3A_34 = vector.broadcast %jit3A : f32 to vector<8x8192xf32>
      %select_n3A = arith.select %eq3A_33, %get3A_3, %broadcast_in_dim3A_34 : vector<8x8192xi1>, vector<8x8192xf32>
      %reduce_max3A = arith.constant dense<0xFF800000> : vector<8xf32>
      %reduce_max3A_35 = vector.multi_reduction <maximumf>, %select_n3A, %reduce_max3A [1] : vector<8x8192xf32> to vector<8xf32>
      %broadcast_in_dim3A_36 = vector.shape_cast %reduce_max3A_35 : vector<8xf32> to vector<8x1xf32>
      %jit3A_37 = arith.constant -1.000000e+00 : f32
      %broadcast_in_dim3A_38 = vector.broadcast %jit3A_37 : f32 to vector<8x8192xf32>
      %select_n3A_39 = arith.select %eq3A_33, %get3A_8, %broadcast_in_dim3A_38 : vector<8x8192xi1>, vector<8x8192xf32>
      %reduce_max3A_40 = arith.constant dense<0xFF800000> : vector<8xf32>
      %reduce_max3A_41 = vector.multi_reduction <maximumf>, %select_n3A_39, %reduce_max3A_40 [1] : vector<8x8192xf32> to vector<8xf32>
      %broadcast_in_dim3A_42 = vector.shape_cast %reduce_max3A_41 : vector<8xf32> to vector<8x1xf32>
      %jit3A_43 = arith.constant -1.000000e+00 : f32
      %broadcast_in_dim3A_44 = vector.broadcast %jit3A_43 : f32 to vector<8x8192xf32>
      %select_n3A_45 = arith.select %eq3A_33, %get3A_13, %broadcast_in_dim3A_44 : vector<8x8192xi1>, vector<8x8192xf32>
      %reduce_max3A_46 = arith.constant dense<0xFF800000> : vector<8xf32>
      %reduce_max3A_47 = vector.multi_reduction <maximumf>, %select_n3A_45, %reduce_max3A_46 [1] : vector<8x8192xf32> to vector<8xf32>
      %broadcast_in_dim3A_48 = vector.shape_cast %reduce_max3A_47 : vector<8xf32> to vector<8x1xf32>
      %eq3A_49 = vector.broadcast %scan3A_31 : i32 to vector<8x1024xi32>
      %eq3A_50 = arith.cmpi eq, %iota3A_14, %eq3A_49 : vector<8x1024xi32>
      %get3A_51 = arith.constant 0 : index
      %get3A_52 = arith.constant 0 : index
      %get3A_53 = arith.constant 0 : index
      %get3A_54 = vector.load %arg1[%get3A_51, %get3A_52, %get3A_53] : memref<3x8x1024xf32, #tpu.memory_space<vmem>>, vector<1x8x1024xf32>
      %get3A_55 = vector.shape_cast %get3A_54 : vector<1x8x1024xf32> to vector<8x1024xf32>
      %broadcast_in_dim3A_56 = vector.shape_cast %broadcast_in_dim3A_36 : vector<8x1xf32> to vector<8x1xf32>
      %broadcast_in_dim3A_57 = vector.broadcast %broadcast_in_dim3A_56 : vector<8x1xf32> to vector<8x1024xf32>
      %select_n3A_58 = arith.select %eq3A_50, %broadcast_in_dim3A_57, %get3A_55 : vector<8x1024xi1>, vector<8x1024xf32>
      %swap3A_59 = arith.constant 0 : index
      %swap3A_60 = arith.constant 0 : index
      %swap3A_61 = arith.constant 0 : index
      %swap3A_62 = vector.load %arg1[%swap3A_59, %swap3A_60, %swap3A_61] : memref<3x8x1024xf32, #tpu.memory_space<vmem>>, vector<1x8x1024xf32>
      %swap3A_63 = vector.shape_cast %swap3A_62 : vector<1x8x1024xf32> to vector<8x1024xf32>
      %swap3A_64 = vector.shape_cast %select_n3A_58 : vector<8x1024xf32> to vector<1x8x1024xf32>
      tpu.vector_store %arg1[%swap3A_59, %swap3A_60, %swap3A_61], %swap3A_64 {strides = array<i32>} : memref<3x8x1024xf32, #tpu.memory_space<vmem>>, vector<1x8x1024xf32>,
      %get3A_65 = arith.constant 1 : index
      %get3A_66 = arith.constant 0 : index
      %get3A_67 = arith.constant 0 : index
      %get3A_68 = vector.load %arg1[%get3A_65, %get3A_66, %get3A_67] : memref<3x8x1024xf32, #tpu.memory_space<vmem>>, vector<1x8x1024xf32>
      %get3A_69 = vector.shape_cast %get3A_68 : vector<1x8x1024xf32> to vector<8x1024xf32>
      %broadcast_in_dim3A_70 = vector.shape_cast %broadcast_in_dim3A_42 : vector<8x1xf32> to vector<8x1xf32>
      %broadcast_in_dim3A_71 = vector.broadcast %broadcast_in_dim3A_70 : vector<8x1xf32> to vector<8x1024xf32>
      %select_n3A_72 = arith.select %eq3A_50, %broadcast_in_dim3A_71, %get3A_69 : vector<8x1024xi1>, vector<8x1024xf32>
      %swap3A_73 = arith.constant 1 : index
      %swap3A_74 = arith.constant 0 : index
      %swap3A_75 = arith.constant 0 : index
      %swap3A_76 = vector.load %arg1[%swap3A_73, %swap3A_74, %swap3A_75] : memref<3x8x1024xf32, #tpu.memory_space<vmem>>, vector<1x8x1024xf32>
      %swap3A_77 = vector.shape_cast %swap3A_76 : vector<1x8x1024xf32> to vector<8x1024xf32>
      %swap3A_78 = vector.shape_cast %select_n3A_72 : vector<8x1024xf32> to vector<1x8x1024xf32>
      tpu.vector_store %arg1[%swap3A_73, %swap3A_74, %swap3A_75], %swap3A_78 {strides = array<i32>} : memref<3x8x1024xf32, #tpu.memory_space<vmem>>, vector<1x8x1024xf32>,
      %get3A_79 = arith.constant 2 : index
      %get3A_80 = arith.constant 0 : index
      %get3A_81 = arith.constant 0 : index
      %get3A_82 = vector.load %arg1[%get3A_79, %get3A_80, %get3A_81] : memref<3x8x1024xf32, #tpu.memory_space<vmem>>, vector<1x8x1024xf32>
      %get3A_83 = vector.shape_cast %get3A_82 : vector<1x8x1024xf32> to vector<8x1024xf32>
      %broadcast_in_dim3A_84 = vector.shape_cast %broadcast_in_dim3A_48 : vector<8x1xf32> to vector<8x1xf32>
      %broadcast_in_dim3A_85 = vector.broadcast %broadcast_in_dim3A_84 : vector<8x1xf32> to vector<8x1024xf32>
      %select_n3A_86 = arith.select %eq3A_50, %broadcast_in_dim3A_85, %get3A_83 : vector<8x1024xi1>, vector<8x1024xf32>
      %swap3A_87 = arith.constant 2 : index
      %swap3A_88 = arith.constant 0 : index
      %swap3A_89 = arith.constant 0 : index
      %swap3A_90 = vector.load %arg1[%swap3A_87, %swap3A_88, %swap3A_89] : memref<3x8x1024xf32, #tpu.memory_space<vmem>>, vector<1x8x1024xf32>
      %swap3A_91 = vector.shape_cast %swap3A_90 : vector<1x8x1024xf32> to vector<8x1024xf32>
      %swap3A_92 = vector.shape_cast %select_n3A_86 : vector<8x1024xf32> to vector<1x8x1024xf32>
      tpu.vector_store %arg1[%swap3A_87, %swap3A_88, %swap3A_89], %swap3A_92 {strides = array<i32>} : memref<3x8x1024xf32, #tpu.memory_space<vmem>>, vector<1x8x1024xf32>,
      %sub3A = vector.broadcast %broadcast_in_dim3A_36 : vector<8x1xf32> to vector<8x8192xf32>
      %sub3A_93 = arith.subf %get3A_3, %sub3A : vector<8x8192xf32>
      %sub3A_94 = vector.broadcast %broadcast_in_dim3A_42 : vector<8x1xf32> to vector<8x8192xf32>
      %sub3A_95 = arith.subf %get3A_8, %sub3A_94 : vector<8x8192xf32>
      %sub3A_96 = vector.broadcast %broadcast_in_dim3A_48 : vector<8x1xf32> to vector<8x8192xf32>
      %sub3A_97 = arith.subf %get3A_13, %sub3A_96 : vector<8x8192xf32>
      %mul3A = arith.mulf %sub3A_93, %sub3A_93 : vector<8x8192xf32>
      %mul3A_98 = arith.mulf %sub3A_95, %sub3A_95 : vector<8x8192xf32>
      %add3A = arith.addf %mul3A, %mul3A_98 : vector<8x8192xf32>
      %mul3A_99 = arith.mulf %sub3A_97, %sub3A_97 : vector<8x8192xf32>
      %add3A_100 = arith.addf %add3A, %mul3A_99 : vector<8x8192xf32>
      %get3A_101 = arith.constant 0 : index
      %get3A_102 = arith.constant 0 : index
      %get3A_103 = vector.load %arg2[%get3A_101, %get3A_102] : memref<8x8192xf32, #tpu.memory_space<vmem>>, vector<8x8192xf32>
      %min3A = arith.minimumf %get3A_103, %add3A_100 : vector<8x8192xf32>
      %swap3A_104 = arith.constant 0 : index
      %swap3A_105 = arith.constant 0 : index
      %swap3A_106 = vector.load %arg2[%swap3A_104, %swap3A_105] : memref<8x8192xf32, #tpu.memory_space<vmem>>, vector<8x8192xf32>
      tpu.vector_store %arg2[%swap3A_104, %swap3A_105], %min3A {strides = array<i32>} : memref<8x8192xf32, #tpu.memory_space<vmem>>, vector<8x8192xf32>,
      %reduce_max3A_107 = arith.constant dense<0xFF800000> : vector<8xf32>
      %reduce_max3A_108 = vector.multi_reduction <maximumf>, %min3A, %reduce_max3A_107 [1] : vector<8x8192xf32> to vector<8xf32>
      %broadcast_in_dim3A_109 = vector.shape_cast %reduce_max3A_108 : vector<8xf32> to vector<8x1xf32>
      %eq3A_110 = vector.broadcast %broadcast_in_dim3A_109 : vector<8x1xf32> to vector<8x8192xf32>
      %eq3A_111 = arith.cmpf oeq, %min3A, %eq3A_110 : vector<8x8192xf32>
      %jit3A_112 = arith.constant 8192 : i32
      %broadcast_in_dim3A_113 = vector.broadcast %jit3A_112 : i32 to vector<8x8192xi32>
      %select_n3A_114 = arith.select %eq3A_111, %iota3A, %broadcast_in_dim3A_113 : vector<8x8192xi1>, vector<8x8192xi32>
      %reduce_min3A = arith.constant dense<2147483647> : vector<8xi32>
      %reduce_min3A_115 = vector.multi_reduction <minsi>, %select_n3A_114, %reduce_min3A [1] : vector<8x8192xi32> to vector<8xi32>
      %broadcast_in_dim3A_116 = vector.shape_cast %reduce_min3A_115 : vector<8xi32> to vector<8x1xi32>
      %scan3A_117 = arith.constant 1 : i32
      %scan3A_118 = arith.addi %scan3A_31, %scan3A_117 : i32
      %eq3A_119 = vector.broadcast %broadcast_in_dim3A_116 : vector<8x1xi32> to vector<8x8192xi32>
      %eq3A_120 = arith.cmpi eq, %iota3A, %eq3A_119 : vector<8x8192xi32>
      %jit3A_121 = arith.constant -1.000000e+00 : f32
      %broadcast_in_dim3A_122 = vector.broadcast %jit3A_121 : f32 to vector<8x8192xf32>
      %select_n3A_123 = arith.select %eq3A_120, %get3A_3, %broadcast_in_dim3A_122 : vector<8x8192xi1>, vector<8x8192xf32>
      %reduce_max3A_124 = arith.constant dense<0xFF800000> : vector<8xf32>
      %reduce_max3A_125 = vector.multi_reduction <maximumf>, %select_n3A_123, %reduce_max3A_124 [1] : vector<8x8192xf32> to vector<8xf32>
      %broadcast_in_dim3A_126 = vector.shape_cast %reduce_max3A_125 : vector<8xf32> to vector<8x1xf32>
      %jit3A_127 = arith.constant -1.000000e+00 : f32
      %broadcast_in_dim3A_128 = vector.broadcast %jit3A_127 : f32 to vector<8x8192xf32>
      %select_n3A_129 = arith.select %eq3A_120, %get3A_8, %broadcast_in_dim3A_128 : vector<8x8192xi1>, vector<8x8192xf32>
      %reduce_max3A_130 = arith.constant dense<0xFF800000> : vector<8xf32>
      %reduce_max3A_131 = vector.multi_reduction <maximumf>, %select_n3A_129, %reduce_max3A_130 [1] : vector<8x8192xf32> to vector<8xf32>
      %broadcast_in_dim3A_132 = vector.shape_cast %reduce_max3A_131 : vector<8xf32> to vector<8x1xf32>
      %jit3A_133 = arith.constant -1.000000e+00 : f32
      %broadcast_in_dim3A_134 = vector.broadcast %jit3A_133 : f32 to vector<8x8192xf32>
      %select_n3A_135 = arith.select %eq3A_120, %get3A_13, %broadcast_in_dim3A_134 : vector<8x8192xi1>, vector<8x8192xf32>
      %reduce_max3A_136 = arith.constant dense<0xFF800000> : vector<8xf32>
      %reduce_max3A_137 = vector.multi_reduction <maximumf>, %select_n3A_135, %reduce_max3A_136 [1] : vector<8x8192xf32> to vector<8xf32>
      %broadcast_in_dim3A_138 = vector.shape_cast %reduce_max3A_137 : vector<8xf32> to vector<8x1xf32>
      %eq3A_139 = vector.broadcast %scan3A_118 : i32 to vector<8x1024xi32>
      %eq3A_140 = arith.cmpi eq, %iota3A_14, %eq3A_139 : vector<8x1024xi32>
      %get3A_141 = arith.constant 0 : index
      %get3A_142 = arith.constant 0 : index
      %get3A_143 = arith.constant 0 : index
      %get3A_144 = vector.load %arg1[%get3A_141, %get3A_142, %get3A_143] : memref<3x8x1024xf32, #tpu.memory_space<vmem>>, vector<1x8x1024xf32>
      %get3A_145 = vector.shape_cast %get3A_144 : vector<1x8x1024xf32> to vector<8x1024xf32>
      %broadcast_in_dim3A_146 = vector.shape_cast %broadcast_in_dim3A_126 : vector<8x1xf32> to vector<8x1xf32>
      %broadcast_in_dim3A_147 = vector.broadcast %broadcast_in_dim3A_146 : vector<8x1xf32> to vector<8x1024xf32>
      %select_n3A_148 = arith.select %eq3A_140, %broadcast_in_dim3A_147, %get3A_145 : vector<8x1024xi1>, vector<8x1024xf32>
      %swap3A_149 = arith.constant 0 : index
      %swap3A_150 = arith.constant 0 : index
      %swap3A_151 = arith.constant 0 : index
      %swap3A_152 = vector.load %arg1[%swap3A_149, %swap3A_150, %swap3A_151] : memref<3x8x1024xf32, #tpu.memory_space<vmem>>, vector<1x8x1024xf32>
      %swap3A_153 = vector.shape_cast %swap3A_152 : vector<1x8x1024xf32> to vector<8x1024xf32>
      %swap3A_154 = vector.shape_cast %select_n3A_148 : vector<8x1024xf32> to vector<1x8x1024xf32>
      tpu.vector_store %arg1[%swap3A_149, %swap3A_150, %swap3A_151], %swap3A_154 {strides = array<i32>} : memref<3x8x1024xf32, #tpu.memory_space<vmem>>, vector<1x8x1024xf32>,
      %get3A_155 = arith.constant 1 : index
      %get3A_156 = arith.constant 0 : index
      %get3A_157 = arith.constant 0 : index
      %get3A_158 = vector.load %arg1[%get3A_155, %get3A_156, %get3A_157] : memref<3x8x1024xf32, #tpu.memory_space<vmem>>, vector<1x8x1024xf32>
      %get3A_159 = vector.shape_cast %get3A_158 : vector<1x8x1024xf32> to vector<8x1024xf32>
      %broadcast_in_dim3A_160 = vector.shape_cast %broadcast_in_dim3A_132 : vector<8x1xf32> to vector<8x1xf32>
      %broadcast_in_dim3A_161 = vector.broadcast %broadcast_in_dim3A_160 : vector<8x1xf32> to vector<8x1024xf32>
      %select_n3A_162 = arith.select %eq3A_140, %broadcast_in_dim3A_161, %get3A_159 : vector<8x1024xi1>, vector<8x1024xf32>
      %swap3A_163 = arith.constant 1 : index
      %swap3A_164 = arith.constant 0 : index
      %swap3A_165 = arith.constant 0 : index
      %swap3A_166 = vector.load %arg1[%swap3A_163, %swap3A_164, %swap3A_165] : memref<3x8x1024xf32, #tpu.memory_space<vmem>>, vector<1x8x1024xf32>
      %swap3A_167 = vector.shape_cast %swap3A_166 : vector<1x8x1024xf32> to vector<8x1024xf32>
      %swap3A_168 = vector.shape_cast %select_n3A_162 : vector<8x1024xf32> to vector<1x8x1024xf32>
      tpu.vector_store %arg1[%swap3A_163, %swap3A_164, %swap3A_165], %swap3A_168 {strides = array<i32>} : memref<3x8x1024xf32, #tpu.memory_space<vmem>>, vector<1x8x1024xf32>,
      %get3A_169 = arith.constant 2 : index
      %get3A_170 = arith.constant 0 : index
      %get3A_171 = arith.constant 0 : index
      %get3A_172 = vector.load %arg1[%get3A_169, %get3A_170, %get3A_171] : memref<3x8x1024xf32, #tpu.memory_space<vmem>>, vector<1x8x1024xf32>
      %get3A_173 = vector.shape_cast %get3A_172 : vector<1x8x1024xf32> to vector<8x1024xf32>
      %broadcast_in_dim3A_174 = vector.shape_cast %broadcast_in_dim3A_138 : vector<8x1xf32> to vector<8x1xf32>
      %broadcast_in_dim3A_175 = vector.broadcast %broadcast_in_dim3A_174 : vector<8x1xf32> to vector<8x1024xf32>
      %select_n3A_176 = arith.select %eq3A_140, %broadcast_in_dim3A_175, %get3A_173 : vector<8x1024xi1>, vector<8x1024xf32>
      %swap3A_177 = arith.constant 2 : index
      %swap3A_178 = arith.constant 0 : index
      %swap3A_179 = arith.constant 0 : index
      %swap3A_180 = vector.load %arg1[%swap3A_177, %swap3A_178, %swap3A_179] : memref<3x8x1024xf32, #tpu.memory_space<vmem>>, vector<1x8x1024xf32>
      %swap3A_181 = vector.shape_cast %swap3A_180 : vector<1x8x1024xf32> to vector<8x1024xf32>
      %swap3A_182 = vector.shape_cast %select_n3A_176 : vector<8x1024xf32> to vector<1x8x1024xf32>
      tpu.vector_store %arg1[%swap3A_177, %swap3A_178, %swap3A_179], %swap3A_182 {strides = array<i32>} : memref<3x8x1024xf32, #tpu.memory_space<vmem>>, vector<1x8x1024xf32>,
      %sub3A_183 = vector.broadcast %broadcast_in_dim3A_126 : vector<8x1xf32> to vector<8x8192xf32>
      %sub3A_184 = arith.subf %get3A_3, %sub3A_183 : vector<8x8192xf32>
      %sub3A_185 = vector.broadcast %broadcast_in_dim3A_132 : vector<8x1xf32> to vector<8x8192xf32>
      %sub3A_186 = arith.subf %get3A_8, %sub3A_185 : vector<8x8192xf32>
      %sub3A_187 = vector.broadcast %broadcast_in_dim3A_138 : vector<8x1xf32> to vector<8x8192xf32>
      %sub3A_188 = arith.subf %get3A_13, %sub3A_187 : vector<8x8192xf32>
      %mul3A_189 = arith.mulf %sub3A_184, %sub3A_184 : vector<8x8192xf32>
      %mul3A_190 = arith.mulf %sub3A_186, %sub3A_186 : vector<8x8192xf32>
      %add3A_191 = arith.addf %mul3A_189, %mul3A_190 : vector<8x8192xf32>
      %mul3A_192 = arith.mulf %sub3A_188, %sub3A_188 : vector<8x8192xf32>
      %add3A_193 = arith.addf %add3A_191, %mul3A_192 : vector<8x8192xf32>
      %get3A_194 = arith.constant 0 : index
      %get3A_195 = arith.constant 0 : index
      %get3A_196 = vector.load %arg2[%get3A_194, %get3A_195] : memref<8x8192xf32, #tpu.memory_space<vmem>>, vector<8x8192xf32>
      %min3A_197 = arith.minimumf %get3A_196, %add3A_193 : vector<8x8192xf32>
      %swap3A_198 = arith.constant 0 : index
      %swap3A_199 = arith.constant 0 : index
      %swap3A_200 = vector.load %arg2[%swap3A_198, %swap3A_199] : memref<8x8192xf32, #tpu.memory_space<vmem>>, vector<8x8192xf32>
      tpu.vector_store %arg2[%swap3A_198, %swap3A_199], %min3A_197 {strides = array<i32>} : memref<8x8192xf32, #tpu.memory_space<vmem>>, vector<8x8192xf32>,
      %reduce_max3A_201 = arith.constant dense<0xFF800000> : vector<8xf32>
      %reduce_max3A_202 = vector.multi_reduction <maximumf>, %min3A_197, %reduce_max3A_201 [1] : vector<8x8192xf32> to vector<8xf32>
      %broadcast_in_dim3A_203 = vector.shape_cast %reduce_max3A_202 : vector<8xf32> to vector<8x1xf32>
      %eq3A_204 = vector.broadcast %broadcast_in_dim3A_203 : vector<8x1xf32> to vector<8x8192xf32>
      %eq3A_205 = arith.cmpf oeq, %min3A_197, %eq3A_204 : vector<8x8192xf32>
      %jit3A_206 = arith.constant 8192 : i32
      %broadcast_in_dim3A_207 = vector.broadcast %jit3A_206 : i32 to vector<8x8192xi32>
      %select_n3A_208 = arith.select %eq3A_205, %iota3A, %broadcast_in_dim3A_207 : vector<8x8192xi1>, vector<8x8192xi32>
      %reduce_min3A_209 = arith.constant dense<2147483647> : vector<8xi32>
      %reduce_min3A_210 = vector.multi_reduction <minsi>, %select_n3A_208, %reduce_min3A_209 [1] : vector<8x8192xi32> to vector<8xi32>
      %broadcast_in_dim3A_211 = vector.shape_cast %reduce_min3A_210 : vector<8xi32> to vector<8x1xi32>
      scf.yield %broadcast_in_dim3A_211 : vector<8x1xi32>
    }
    %scan3A_30 = arith.constant 1024 : i32
    return
  }
}

module attributes {stable_mosaic.version = 14 : i64} {
  func.func @_mlp_body(%arg0: i32, %arg1: i32, %arg2: memref<11x8192xf32, #tpu.memory_space<vmem>>, %arg3: memref<8x8192xf32, #tpu.memory_space<vmem>>, %arg4: memref<1x3x256xf32, #tpu.memory_space<vmem>>, %arg5: memref<32x11xf32, #tpu.memory_space<vmem>>, %arg6: memref<32x8xf32, #tpu.memory_space<vmem>>, %arg7: memref<32x1xf32, #tpu.memory_space<vmem>>, %arg8: memref<32x32xf32, #tpu.memory_space<vmem>>, %arg9: memref<32x1xf32, #tpu.memory_space<vmem>>, %arg10: memref<64x32xf32, #tpu.memory_space<vmem>>, %arg11: memref<64x1xf32, #tpu.memory_space<vmem>>, %arg12: memref<1x64x256xf32, #tpu.memory_space<vmem>>, %arg13: memref<1x256x3xf32, #tpu.memory_space<vmem>>) attributes {dimension_semantics = [#tpu.dimension_semantics<arbitrary>, #tpu.dimension_semantics<arbitrary>], iteration_bounds = array<i64: 8, 4>, scalar_prefetch = 0 : i64, scratch_operands = 0 : i64, tpu.core_type = #tpu.core_type<tc>, window_params = [{transform_indices = @transform_0, window_bounds = array<i64: 11, 8192>}, {transform_indices = @transform_1, window_bounds = array<i64: 8, 8192>}, {transform_indices = @transform_2, window_bounds = array<i64: 1, 3, 256>}, {pipeline_mode = #tpu.pipeline_mode<synchronous>, transform_indices = @transform_3, window_bounds = array<i64: 32, 11>}, {pipeline_mode = #tpu.pipeline_mode<synchronous>, transform_indices = @transform_4, window_bounds = array<i64: 32, 8>}, {pipeline_mode = #tpu.pipeline_mode<synchronous>, transform_indices = @transform_5, window_bounds = array<i64: 32, 1>}, {pipeline_mode = #tpu.pipeline_mode<synchronous>, transform_indices = @transform_6, window_bounds = array<i64: 32, 32>}, {pipeline_mode = #tpu.pipeline_mode<synchronous>, transform_indices = @transform_7, window_bounds = array<i64: 32, 1>}, {pipeline_mode = #tpu.pipeline_mode<synchronous>, transform_indices = @transform_8, window_bounds = array<i64: 64, 32>}, {pipeline_mode = #tpu.pipeline_mode<synchronous>, transform_indices = @transform_9, window_bounds = array<i64: 64, 1>}, {transform_indices = @transform_10, window_bounds = array<i64: 1, 64, 256>}, {transform_indices = @transform_11, window_bounds = array<i64: 1, 256, 3>}]} {
    %get3A = arith.constant 0 : index
    %get3A_0 = arith.constant 0 : index
    %get3A_1 = vector.load %arg2[%get3A, %get3A_0] : memref<11x8192xf32, #tpu.memory_space<vmem>>, vector<11x8192xf32>
    %get3A_2 = arith.constant 0 : index
    %get3A_3 = arith.constant 0 : index
    %get3A_4 = vector.load %arg3[%get3A_2, %get3A_3] : memref<8x8192xf32, #tpu.memory_space<vmem>>, vector<8x8192xf32>
    %get3A_5 = arith.constant 0 : index
    %get3A_6 = arith.constant 0 : index
    %get3A_7 = vector.load %arg5[%get3A_5, %get3A_6] : memref<32x11xf32, #tpu.memory_space<vmem>>, vector<32x11xf32>
    %dot_general3A = arith.constant dense<0.000000e+00> : vector<32x8192xf32>
    %dot_general3A_8 = tpu.matmul %get3A_7, %get3A_1, %dot_general3A {dimension_numbers = #tpu.dot_dimension_numbers<[1], [0], [0], [1], [0, 0, 1, 1], [], []>, precision = #tpu.contract_precision<fp32>, transpose_lhs_hint = false} : vector<32x11xf32>, vector<11x8192xf32>, vector<32x8192xf32> -> vector<32x8192xf32>
    %get3A_9 = arith.constant 0 : index
    %get3A_10 = arith.constant 0 : index
    %get3A_11 = vector.load %arg6[%get3A_9, %get3A_10] : memref<32x8xf32, #tpu.memory_space<vmem>>, vector<32x8xf32>
    %dot_general3A_12 = arith.constant dense<0.000000e+00> : vector<32x8192xf32>
    %dot_general3A_13 = tpu.matmul %get3A_11, %get3A_4, %dot_general3A_12 {dimension_numbers = #tpu.dot_dimension_numbers<[1], [0], [0], [1], [0, 0, 1, 1], [], []>, precision = #tpu.contract_precision<fp32>, transpose_lhs_hint = false} : vector<32x8xf32>, vector<8x8192xf32>, vector<32x8192xf32> -> vector<32x8192xf32>
    %add3A = arith.addf %dot_general3A_8, %dot_general3A_13 : vector<32x8192xf32>
    %get3A_14 = arith.constant 0 : index
    %get3A_15 = arith.constant 0 : index
    %get3A_16 = vector.load %arg7[%get3A_14, %get3A_15] : memref<32x1xf32, #tpu.memory_space<vmem>>, vector<32x1xf32>
    %add3A_17 = vector.broadcast %get3A_16 : vector<32x1xf32> to vector<32x8192xf32>
    %add3A_18 = arith.addf %add3A, %add3A_17 : vector<32x8192xf32>
    %max3A = arith.constant 0.000000e+00 : f32
    %max3A_19 = vector.broadcast %max3A : f32 to vector<32x8192xf32>
    %max3A_20 = arith.maximumf %add3A_18, %max3A_19 : vector<32x8192xf32>
    %get3A_21 = arith.constant 0 : index
    %get3A_22 = arith.constant 0 : index
    %get3A_23 = vector.load %arg8[%get3A_21, %get3A_22] : memref<32x32xf32, #tpu.memory_space<vmem>>, vector<32x32xf32>
    %dot_general3A_24 = arith.constant dense<0.000000e+00> : vector<32x8192xf32>
    %dot_general3A_25 = tpu.matmul %get3A_23, %max3A_20, %dot_general3A_24 {dimension_numbers = #tpu.dot_dimension_numbers<[1], [0], [0], [1], [0, 0, 1, 1], [], []>, precision = #tpu.contract_precision<fp32>, transpose_lhs_hint = false} : vector<32x32xf32>, vector<32x8192xf32>, vector<32x8192xf32> -> vector<32x8192xf32>
    %get3A_26 = arith.constant 0 : index
    %get3A_27 = arith.constant 0 : index
    %get3A_28 = vector.load %arg9[%get3A_26, %get3A_27] : memref<32x1xf32, #tpu.memory_space<vmem>>, vector<32x1xf32>
    %add3A_29 = vector.broadcast %get3A_28 : vector<32x1xf32> to vector<32x8192xf32>
    %add3A_30 = arith.addf %dot_general3A_25, %add3A_29 : vector<32x8192xf32>
    %max3A_31 = arith.constant 0.000000e+00 : f32
    %max3A_32 = vector.broadcast %max3A_31 : f32 to vector<32x8192xf32>
    %max3A_33 = arith.maximumf %add3A_30, %max3A_32 : vector<32x8192xf32>
    %get3A_34 = arith.constant 0 : index
    %get3A_35 = arith.constant 0 : index
    %get3A_36 = vector.load %arg10[%get3A_34, %get3A_35] : memref<64x32xf32, #tpu.memory_space<vmem>>, vector<64x32xf32>
    %dot_general3A_37 = arith.constant dense<0.000000e+00> : vector<64x8192xf32>
    %dot_general3A_38 = tpu.matmul %get3A_36, %max3A_33, %dot_general3A_37 {dimension_numbers = #tpu.dot_dimension_numbers<[1], [0], [0], [1], [0, 0, 1, 1], [], []>, precision = #tpu.contract_precision<fp32>, transpose_lhs_hint = false} : vector<64x32xf32>, vector<32x8192xf32>, vector<64x8192xf32> -> vector<64x8192xf32>
    %get3A_39 = arith.constant 0 : index
    %get3A_40 = arith.constant 0 : index
    %get3A_41 = vector.load %arg11[%get3A_39, %get3A_40] : memref<64x1xf32, #tpu.memory_space<vmem>>, vector<64x1xf32>
    %add3A_42 = vector.broadcast %get3A_41 : vector<64x1xf32> to vector<64x8192xf32>
    %add3A_43 = arith.addf %dot_general3A_38, %add3A_42 : vector<64x8192xf32>
    %max3A_44 = arith.constant 0.000000e+00 : f32
    %max3A_45 = vector.broadcast %max3A_44 : f32 to vector<64x8192xf32>
    %max3A_46 = arith.maximumf %add3A_43, %max3A_45 : vector<64x8192xf32>
    %reshape3A = vector.shape_cast %max3A_46 : vector<64x8192xf32> to vector<64x256x32xf32>
    %reduce_max3A = arith.constant dense<0xFF800000> : vector<64x256xf32>
    %reduce_max3A_47 = vector.multi_reduction <maximumf>, %reshape3A, %reduce_max3A [2] : vector<64x256x32xf32> to vector<64x256xf32>
    %swap3A = arith.constant 0 : index
    %swap3A_48 = arith.constant 0 : index
    %swap3A_49 = arith.constant 0 : index
    %swap3A_50 = vector.load %arg12[%swap3A, %swap3A_48, %swap3A_49] : memref<1x64x256xf32, #tpu.memory_space<vmem>>, vector<1x64x256xf32>
    %swap3A_51 = vector.shape_cast %swap3A_50 : vector<1x64x256xf32> to vector<64x256xf32>
    %swap3A_52 = vector.shape_cast %reduce_max3A_47 : vector<64x256xf32> to vector<1x64x256xf32>
    tpu.vector_store %arg12[%swap3A, %swap3A_48, %swap3A_49], %swap3A_52 {strides = array<i32>} : memref<1x64x256xf32, #tpu.memory_space<vmem>>, vector<1x64x256xf32>,
    %get3A_53 = arith.constant 0 : index
    %get3A_54 = arith.constant 0 : index
    %get3A_55 = arith.constant 0 : index
    %get3A_56 = vector.load %arg4[%get3A_53, %get3A_54, %get3A_55] : memref<1x3x256xf32, #tpu.memory_space<vmem>>, vector<1x3x256xf32>
    %get3A_57 = vector.shape_cast %get3A_56 : vector<1x3x256xf32> to vector<3x256xf32>
    %transpose3A = tpu.transpose %get3A_57, [1, 0] : vector<3x256xf32> -> vector<256x3xf32>
    %swap3A_58 = arith.constant 0 : index
    %swap3A_59 = arith.constant 0 : index
    %swap3A_60 = arith.constant 0 : index
    %swap3A_61 = vector.load %arg13[%swap3A_58, %swap3A_59, %swap3A_60] : memref<1x256x3xf32, #tpu.memory_space<vmem>>, vector<1x256x3xf32>
    %swap3A_62 = vector.shape_cast %swap3A_61 : vector<1x256x3xf32> to vector<256x3xf32>
    %swap3A_63 = vector.shape_cast %transpose3A : vector<256x3xf32> to vector<1x256x3xf32>
    tpu.vector_store %arg13[%swap3A_58, %swap3A_59, %swap3A_60], %swap3A_63 {strides = array<i32>} : memref<1x256x3xf32, #tpu.memory_space<vmem>>, vector<1x256x3xf32>,
    return
  }
  func.func @transform_0(%arg0: i32, %arg1: i32) -> (i32, i32) {
    %mul3A = arith.constant 4 : i32
    %mul3A_0 = arith.muli %arg0, %mul3A : i32
    %add3A = arith.addi %mul3A_0, %arg1 : i32
    %c0_i32 = arith.constant 0 : i32
    %c0_i32_1 = arith.constant 0 : i32
    return %c0_i32, %add3A : i32, i32
  }
  func.func @transform_1(%arg0: i32, %arg1: i32) -> (i32, i32) {
    %mul3A = arith.constant 4 : i32
    %mul3A_0 = arith.muli %arg0, %mul3A : i32
    %add3A = arith.addi %mul3A_0, %arg1 : i32
    %c0_i32 = arith.constant 0 : i32
    %c0_i32_1 = arith.constant 0 : i32
    return %c0_i32, %add3A : i32, i32
  }
  func.func @transform_2(%arg0: i32, %arg1: i32) -> (i32, i32, i32) {
    %c0_i32 = arith.constant 0 : i32
    %c0_i32_0 = arith.constant 0 : i32
    return %arg0, %c0_i32, %arg1 : i32, i32, i32
  }
  func.func @transform_3(%arg0: i32, %arg1: i32) -> (i32, i32) {
    %c0_i32 = arith.constant 0 : i32
    %c0_i32_0 = arith.constant 0 : i32
    %c0_i32_1 = arith.constant 0 : i32
    return %c0_i32, %c0_i32_0 : i32, i32
  }
  func.func @transform_4(%arg0: i32, %arg1: i32) -> (i32, i32) {
    %c0_i32 = arith.constant 0 : i32
    %c0_i32_0 = arith.constant 0 : i32
    %c0_i32_1 = arith.constant 0 : i32
    return %c0_i32, %c0_i32_0 : i32, i32
  }
  func.func @transform_5(%arg0: i32, %arg1: i32) -> (i32, i32) {
    %c0_i32 = arith.constant 0 : i32
    %c0_i32_0 = arith.constant 0 : i32
    %c0_i32_1 = arith.constant 0 : i32
    return %c0_i32, %c0_i32_0 : i32, i32
  }
  func.func @transform_6(%arg0: i32, %arg1: i32) -> (i32, i32) {
    %c0_i32 = arith.constant 0 : i32
    %c0_i32_0 = arith.constant 0 : i32
    %c0_i32_1 = arith.constant 0 : i32
    return %c0_i32, %c0_i32_0 : i32, i32
  }
  func.func @transform_7(%arg0: i32, %arg1: i32) -> (i32, i32) {
    %c0_i32 = arith.constant 0 : i32
    %c0_i32_0 = arith.constant 0 : i32
    %c0_i32_1 = arith.constant 0 : i32
    return %c0_i32, %c0_i32_0 : i32, i32
  }
  func.func @transform_8(%arg0: i32, %arg1: i32) -> (i32, i32) {
    %c0_i32 = arith.constant 0 : i32
    %c0_i32_0 = arith.constant 0 : i32
    %c0_i32_1 = arith.constant 0 : i32
    return %c0_i32, %c0_i32_0 : i32, i32
  }
  func.func @transform_9(%arg0: i32, %arg1: i32) -> (i32, i32) {
    %c0_i32 = arith.constant 0 : i32
    %c0_i32_0 = arith.constant 0 : i32
    %c0_i32_1 = arith.constant 0 : i32
    return %c0_i32, %c0_i32_0 : i32, i32
  }
  func.func @transform_10(%arg0: i32, %arg1: i32) -> (i32, i32, i32) {
    %c0_i32 = arith.constant 0 : i32
    %c0_i32_0 = arith.constant 0 : i32
    return %arg0, %c0_i32, %arg1 : i32, i32, i32
  }
  func.func @transform_11(%arg0: i32, %arg1: i32) -> (i32, i32, i32) {
    %c0_i32 = arith.constant 0 : i32
    %c0_i32_0 = arith.constant 0 : i32
    return %arg0, %arg1, %c0_i32 : i32, i32, i32
  }
}

</mosaic_0001>

<sc_bundles>
// kernel: kernel.5.cloned.1.call-start
scs
__scs_entry_jumppad:
0x0: {  	(pc) =	sbr.rel $0x88, $3  }
0x1: {  	(tag) =	ssettag $0x0;
	lr =	simm.s32 $0x1  }
0x2: {  	[smem:$0x3F99] =	sst lr;
	_ =	strace $0xD0000000  }
0x3: {  	_ = 	snop  }
0x4: {  	_ = 	snop  }
0x5: {  	_ = 	snop  }
0x6: {  	_ = 	snop  }
0x7: {  	_ = 	snop  }
__scs_overlays_trampoline_lowered:
0x8: {  	[smem:$0x3FA8] =	sst s0  }
0x9: {  	[smem:$0x3FA9] =	sst s1  }
0xa: {  	[smem:$0x3FAA] =	sst s2  }
0xb: {  	[smem:$0x3FAB] =	sst s3  }
0xc: {  	[smem:$0x3FAC] =	sst s4  }
0xd: {  	[smem:$0x3FAD] =	sst s5  }
0xe: {  	[smem:$0x3FAE] =	sst s6  }
0xf: {  	[smem:$0x3FAF] =	sst s7  }
0x10: {  	[smem:$0x3FB0] =	sst s8  }
0x11: {  	[smem:$0x3FB1] =	sst s9;
	s0 =	simm.s32 @!p0 $0x0  }
0x12: {  	s1 =	sld [smem:$0x3F97];
	s0 =	simm.s32 @p0 $0x1  }
0x13: {  	[smem:$0x3FB2] =	sst s0;
	s0 =	simm.s32 @!p1 $0x0  }
0x14: {  	s2 =	sld [smem:$0x3F96];
	s0 =	simm.s32 @p1 $0x1  }
0x15: {  	[smem:$0x3FB3] =	sst s0;
	s0 =	simm.s32 @!p2 $0x0  }
0x16: {  	s3 =	sld [smem:$0x3FDB];
	s0 =	simm.s32 @p2 $0x1  }
0x17: {  	s4 =	simm.s32 $0x1BF5;
	[smem:$0x3FB5] =	sst s0  }
0x18: {  	s0 =	sld [smem:$0x3F98];
	_ =	swait.ge [sflag:s4], $0x0  }
0x19: {  	s7 =	sld [smem:$0x3F99]  }
0x1a: {  	s8 =	sadd.s32 $0xFFFFE003, lr  }
0x1b: {  	s9 =	sadd.s32 $0xFFFFFEF7, lr;
	s5 =	simm.s32 $0xFFFFFFFF;
	p2 =	slt.u32 s8, $0xFFFFF086  }
0x1c: {  	p1 =	slt.u32 s9, $0xF7A;
	s5 =	simm.s32 @!p2 $0x0  }
0x1d: {  	s5 =	simm.s32 @p1 $0x1;
	p0 =	seq.s32 s7, s2  }
0x1e: {  	s7 =	smul.u32 @!p0 $0xF7A, s2;
	p2 =	seq.s32 @!p0 s5, $0x0  }
0x1f: {  	s9 =	smul.u32 $0xF7A, s1;
	s8 =	simm.s32 @!p0 $0x1BF5;
	p2 =	por !p2, p0  }
0x20: {  	[sflag:s8] =	ssyncset.s32 @!p0 $0xFFFFF086;
	s6 =	sadd.s32 @!p0 s3, s7;
	s7 =	simm.s32 @!p0 $0x108  }
0x21: {  	s3 =	sadd.s32 s3, s9;
	s6 =	sadd.s32 @!p0 $0x88, s6;
	s7 =	simm.s32 @p2 $0x1082  }
0x22: {  	[simem:s7], [sflag:s8] =	dma.local @!p0 [hbm:s6], $0xF7A  }
0x23: {  	s9 =	sor.u32 $0xD0000000, s2;
	s6 =	simm.s32 $0x108;
	_ =	swait.ge @!p0 [sflag:s8], $0x0  }
0x24: {  	s3 =	sadd.s32 $0x88, s3;
	s6 =	simm.s32 @!p1 $0x1082;
	[sflag:s4] =	ssyncset.s32 $0xFFFFF086  }
0x25: {  	[simem:s6], [sflag:s4] =	dma.local [hbm:s3], $0xF7A  }
0x26: {  	[smem:$0x3F99] =	sst s1;
	(tag) =	ssettag s2;
	_ =	strace s9  }
0x27: {  	s1 =	sld [smem:$0x3FA9]  }
0x28: {  	s2 =	sld [smem:$0x3FAA]  }
0x29: {  	s4 =	sld [smem:$0x3FAC]  }
0x2a: {  	p0 =	seq.s32 s5, $0x0;
	s5 =	sld [smem:$0x3FAD]  }
0x2b: {  	s6 =	sld [smem:$0x3FAE]  }
0x2c: {  	s7 =	sld [smem:$0x3FAF]  }
0x2d: {  	s3 =	simm.s32 $0x108;
	s8 =	sld [smem:$0x3FB0]  }
0x2e: {  	s3 =	simm.s32 @!p0 $0x1082;
	s9 =	sld [smem:$0x3FB1]  }
0x2f: {  	lr =	sadd.s32 s0, s3;
	s0 =	sld [smem:$0x3FA8]  }
0x30: {  	s3 =	sld [smem:$0x3FAB]  }
0x31: {  	[smem:$0x3FB4] =	sst s10  }
0x32: {  	s10 =	sld [smem:$0x3FB2];
	_ =	sdelay $0x3  }
0x33: {  	p0 =	seq.s32 s10, $0x1;
	s10 =	sld [smem:$0x3FB4];
	_ =	sdelay $0x3  }
0x34: {  	[smem:$0x3FB4] =	sst s10  }
0x35: {  	s10 =	sld [smem:$0x3FB3];
	_ =	sdelay $0x3  }
0x36: {  	p1 =	seq.s32 s10, $0x1;
	s10 =	sld [smem:$0x3FB4];
	_ =	sdelay $0x3  }
0x37: {  	[smem:$0x3FB4] =	sst s10  }
0x38: {  	s10 =	sld [smem:$0x3FB5]  }
0x39: {  	_ = 	snop;
	(pc) =	sbr.ind lr, $3  }
0x3a: {  	_ = 	snop  }
0x3b: {  	_ = 	snop  }
0x3c: {  	p2 =	seq.s32 s10, $0x1;
	s10 =	sld [smem:$0x3FB4]  }
0x3d: {  	_ =	shalt  }
0x3e: {  	_ =	shalt  }
0x3f: {  	_ =	shalt  }
0x40: {  	_ =	shalt  }
0x41: {  	_ =	shalt  }
0x42: {  	_ =	shalt  }
0x43: {  	_ =	shalt  }
0x44: {  	_ =	shalt  }
0x45: {  	_ =	shalt  }
0x46: {  	_ =	shalt  }
0x47: {  	_ =	shalt  }
0x48: {  	_ =	shalt  }
0x49: {  	_ =	shalt  }
0x4a: {  	_ =	shalt  }
0x4b: {  	_ =	shalt  }
0x4c: {  	_ =	shalt  }
0x4d: {  	_ =	shalt  }
0x4e: {  	_ =	shalt  }
0x4f: {  	_ =	shalt  }
0x50: {  	_ =	shalt  }
0x51: {  	_ =	shalt  }
0x52: {  	_ =	shalt  }
0x53: {  	_ =	shalt  }
0x54: {  	_ =	shalt  }
0x55: {  	_ =	shalt  }
0x56: {  	_ =	shalt  }
0x57: {  	_ =	shalt  }
0x58: {  	_ =	shalt  }
0x59: {  	_ =	shalt  }
0x5a: {  	_ =	shalt  }
0x5b: {  	_ =	shalt  }
0x5c: {  	_ =	shalt  }
0x5d: {  	_ =	shalt  }
0x5e: {  	_ =	shalt  }
0x5f: {  	_ =	shalt  }
0x60: {  	_ =	shalt  }
0x61: {  	_ =	shalt  }
0x62: {  	_ =	shalt  }
0x63: {  	_ =	shalt  }
0x64: {  	_ =	shalt  }
0x65: {  	_ =	shalt  }
0x66: {  	_ =	shalt  }
0x67: {  	_ =	shalt  }
0x68: {  	_ =	shalt  }
0x69: {  	_ =	shalt  }
0x6a: {  	_ =	shalt  }
0x6b: {  	_ =	shalt  }
0x6c: {  	_ =	shalt  }
0x6d: {  	_ =	shalt  }
0x6e: {  	_ =	shalt  }
0x6f: {  	_ =	shalt  }
0x70: {  	_ =	shalt  }
0x71: {  	_ =	shalt  }
0x72: {  	_ =	shalt  }
0x73: {  	_ =	shalt  }
0x74: {  	_ =	shalt  }
0x75: {  	_ =	shalt  }
0x76: {  	_ =	shalt  }
0x77: {  	_ =	shalt  }
0x78: {  	_ =	shalt  }
0x79: {  	_ =	shalt  }
0x7a: {  	_ =	shalt  }
0x7b: {  	_ =	shalt  }
0x7c: {  	_ =	shalt  }
0x7d: {  	_ =	shalt  }
0x7e: {  	_ =	shalt  }
0x7f: {  	_ =	shalt  }
0x80: {  	_ =	shalt  }
0x81: {  	_ =	shalt  }
0x82: {  	_ =	shalt  }
0x83: {  	_ =	shalt  }
0x84: {  	_ =	shalt  }
0x85: {  	_ =	shalt  }
0x86: {  	_ =	shalt  }
0x87: {  	_ =	shalt  }
.Lfunc_end0:
.L_simem_size_0:
called_computation_lowered:
.L_overlay_start_0:
0x88: {  	s2 =	sld [smem:$0x3FD9]  }
0x89: {  	s3 =	sld [smem:$0x3FFE];
	_ =	sdelay $0x1  }
0x8a: {  	s1 =	srdreg.scid  }
0x8b: {  	s0 =	sand.u32 $0x1, s1  }
0x8c: {  	s14 =	sshll.u32 s0, $0xA;
	s2 =	sadd.s32 s3, s2  }
0x8d: {  	s2 =	sadd.s32 s2, s14  }
0x8e: {  	[smem:$0x3FC0] =	sst s2  }
0x8f: {  	_ = 	snop  }
0x90: {  	s2 =	sld [smem:$0x3FD0];
	_ =	sdelay $0x1  }
0x91: {  	s15 =	sld [smem:$0x3FC9]  }
0x92: {  	s5 =	simm.s32 $0xA;
	s6 =	simm.s32 $0x10;
	s4 =	sld [smem:$0x3FC8]  }
0x93: {  	[smem:s6], [sflag:s5] =	dma.local [hbm:s2], $0x1  }
0x94: {  	_ =	swait.eq [sflag:s5], $0x1  }
0x95: {  	[sflag:s5] =	ssyncset.done $0x0  }
0x96: {  	[sflag:s5] =	ssyncadd.s32 $0xFFFFFFFF  }
0x97: {  	s16 =	sld [smem:$0x10];
	(tm) =	ssettm $0x1  }
0x98: {  	s17 =	sld [smem:$0x3FFB];
	_ =	sdelay $0x3  }
0x99: {  	_ =	strace s17  }
0x9a: {  	s5 =	sld [smem:$0x3FFC];
	_ =	sdelay $0x3  }
0x9b: {  	_ =	strace s5  }
0x9c: {  	s5 =	sld [smem:$0x3FFD];
	_ =	sdelay $0x3  }
0x9d: {  	_ =	strace s5  }
0x9e: {  	_ =	strace $0x8FFFFFFF  }
0x9f: {  	s18 =	sld [smem:$0x3FDB];
	_ =	sdelay $0x1  }
0xa0: {  	s19 =	simm.s32 $_scs_section_size  }
0xa1: {  	s7 =	simm.s32 $_size__tile_overlayer_lowered;
	s8 =	simm.s32 $_tile_overlayer_lowered  }
0xa2: {  	s22 =	simm.s32 $0x1BFF;
	s21 =	sshll.u32 s8, $0x1;
	s5 =	sadd.s32 s19, s18  }
0xa3: {  	s9 =	simm.s32 $0x0;
	s20 =	sshll.u32 s7, $0x1;
	s7 =	sadd.s32 s21, s5  }
0xa4: {  	[timem:s9], [sflag:s22] =	dma.local [hbm:s7], s20  }
0xa5: {  	_ =	swait.ge [sflag:s22], s20  }
0xa6: {  	s6 =	ssub.s32 $0x0, s20;
	[sflag:s22] =	ssyncset.done $0x0  }
0xa7: {  	[sflag:s22] =	ssyncadd.s32 s6;
	_ =	sdelay $0x1  }
0xa8: {  	s23 =	simm.s32 $0x1B8B  }
0xa9: {  	_ =	swait.ge [sflag:s23], $0x1  }
0xaa: {  	[sflag:s23] =	ssyncset.done $0x0  }
0xab: {  	s25 =	simm.s32 $0x1B8E;
	s24 =	sld [smem:$0x3FFE];
	[sflag:s23] =	ssyncadd.s32 $0xFFFFFFFF  }
0xac: {  	s26 =	simm.s32 $execute0_lowered;
	[smem:$0x3FD2] =	sst s25  }
0xad: {  	s7 =	sshll.u32 s26, $0x1;
	_ =	strace $0x80000046;
	[dreg:$0x1] =	wrdreg $0xFFFFFFFF  }
0xae: {  	s28 =	simm.s32 $_size_execute0_lowered;
	s5 =	sadd.s32 s5, s7;
	[dreg:$0x0] =	wrdreg $0x0  }
0xaf: {  	s7 =	sshll.u32 s28, $0x1;
	[dreg:$0x2] =	wrdreg s5  }
0xb0: {  	[dreg:$0x3] =	wrdreg s7  }
0xb1: {  	[dreg:$0x4] =	wrdreg $0xC0  }
0xb2: {  	_ =	task [dreg:s9], $0x5FFFF  }
0xb3: {  	[dreg:$0x1] =	wrdreg $0xFFFFFFFF  }
0xb4: {  	[dreg:$0x0] =	wrdreg $0x60  }
0xb5: {  	[dreg:$0x2] =	wrdreg s15  }
0xb6: {  	[dreg:$0x3] =	wrdreg s16  }
0xb7: {  	[dreg:$0x4] =	wrdreg s4  }
0xb8: {  	[dreg:$0x5] =	wrdreg s24  }
0xb9: {  	[dreg:$0x6] =	wrdreg $0x9  }
0xba: {  	_ =	task.clear_ibuf [dreg:s9], $0x7FFFF;
	_ =	strace $0x90000046  }
0xbb: {  	s29 =	simm.s32 $0x9;
	_ =	strace $0x80000048  }
0xbc: {  	_ =	swait.ge [sflag:s29], $0x1  }
0xbd: {  	[sflag:s29] =	ssyncadd.s32 $0xFFFFFFFF  }
0xbe: {  	_ =	strace $0x90000048  }
0xbf: {  	_ =	sfence  }
0xc0: {  	s30 =	sld [smem:$0x0];
	_ =	sdelay $0x2  }
0xc1: {  	s31 =	sshll.u32 s1, $0xD;
	s1 =	sshrl.u32 s1, $0x2  }
0xc2: {  	s3 =	sand.u32 $0x4000, s31;
	s1 =	sadd.s32 s1, s30  }
0xc3: {  	s0 =	sor.u32 s3, s0;
	s1 =	sshll.u32 s1, $0x11  }
0xc4: {  	s0 =	sor.u32 s1, s0  }
0xc5: {  	s0 =	sadd.s32 $0x8F2B, s0  }
0xc6: {  	[sflag:s0] =	ssyncadd.remote.s32 $0x1  }
0xc7: {  	_ =	sfence.sel $0xFFFF  }
0xc8: {  	[dreg:$0x0] =	wrdreg $0xFFFFFFFF;
	(pc) =	sbr.abs _section_cstart, $3  }
0xc9: {  	[dreg:$0x1] =	wrdreg $0xFFFFFFFF  }
0xca: {  	_ =	task.clear_ibuf [dreg:s9], $0x2FFFF;
	_ =	strace $0x9FFFFFFF  }
0xcb: {  	(tm) =	ssettm $0x7FFFFFFF  }
tec
execute0_lowered:
.L_overlay_start_1:
0x0: {  	(tag) =	ssettag $0x1  }
0x1: {  	s0 =	rddreg [dreg:$0x0]  }
0x2: {  	s1 =	rddreg [dreg:$0x1]  }
0x3: {  	s3 =	rddreg [dreg:$0x2]  }
0x4: {  	s4 =	rddreg [dreg:$0x3]  }
0x5: {  	s2 =	simm.s32 $0x0;
	s5 =	srdreg.scid;
	s7 =	stileid.u32  }
0x6: {  	s29 =	simm.s32 $0x80;
	s30 =	simm.s32 $0x10000;
	s31 =	simm.s32 $0x1  }
0x7: {  	[smem:$0x7FF] =	sst s2;
	s5 =	sand.u32 $0x1, s5;
	s6 =	sshll.u32 s7, $0x1  }
0x8: {  	s8 =	sadd.s32 $0x42200, s4;
	s7 =	sshrl.u32 s7, $0x1;
	s16 =	sadd.s32 $0x2200, s4  }
0x9: {  	s19 =	sadd.s32 $0x42210, s4;
	_ =	strace $0x80000047;
	[dreg:$0x5] =	wrdreg s8  }
0xa: {  	s20 =	sadd.s32 $0x42220, s4;
	s21 =	sadd.s32 $0x42230, s4;
	[dreg:$0x9] =	wrdreg s19  }
0xb: {  	s22 =	sadd.s32 $0x42240, s4;
	s23 =	sadd.s32 $0x42250, s4;
	[dreg:$0xa] =	wrdreg s20  }
0xc: {  	s24 =	sadd.s32 $0x42260, s4;
	s25 =	sadd.s32 $0x42270, s4;
	[dreg:$0xb] =	wrdreg s21  }
0xd: {  	s17 =	sadd.s32 $0x82210, s4;
	s18 =	sadd.s32 $0x82220, s4;
	[dreg:$0xc] =	wrdreg s22  }
0xe: {  	s6 =	sor.u32 s5, s6;
	s5 =	ssub.s32 $0x2, s5;
	[dreg:$0xd] =	wrdreg s23  }
0xf: {  	s9 =	sshll.u32 s7, $0xD;
	s11 =	sshll.u32 s7, $0x7;
	[dreg:$0xe] =	wrdreg s24  }
0x10: {  	s12 =	sshll.u32 s7, $0x4;
	s7 =	sshll.u32 s7, $0xE;
	[dreg:$0xf] =	wrdreg s25  }
0x11: {  	s19 =	sadd.s32 $0x2210, s4;
	s20 =	sadd.s32 $0x2220, s4;
	s21 =	sadd.s32 $0x2230, s4  }
0x12: {  	s22 =	sadd.s32 $0x2240, s4;
	s23 =	sadd.s32 $0x2250, s4;
	s24 =	sadd.s32 $0x2260, s4  }
0x13: {  	s25 =	sadd.s32 $0x2270, s4;
	[dreg:$0x6] =	wrdreg s16;
	s26 =	sshll.u32 s6, $0xB  }
0x14: {  	s10 =	sshrl.u32 s5, $0x1;
	s15 =	sadd.s32 s3, s7;
	s8 =	ssub.s32 s26, s9  }
0x15: {  	s28 =	ssub.s32 s5, s10;
	s5 =	sadd.s32 s0, s12;
	s26 =	sadd.s32 $0x82200, s4  }
0x16: {  	[dreg:$0x8] =	wrdreg s15;
	s0 =	sadd.s32 $0x2000, s15;
	s4 =	simm.s32 $0x0  }
0x17: {  	s11 =	sor.u32 s11, s8;
	s8 =	sshll.u32 s6, $0xD;
	[dreg:$0x10] =	wrdreg s26  }
0x18: {  	s28 =	smax.u32 s28, $0x1;
	[dreg:$0x12] =	wrdreg s0;
	s13 =	sshrl.u32 s11, $0x3  }
0x19: {  	v0 =	vlaneseq.u32;
	s0 =	simm.s32 $0x18400;
	[dreg:$0x11] =	wrdreg s28;
	s14 =	sadd.s32 s1, s13  }
0x1a: {  	v1 =	vimm.s32 $0x0;
	v0 =	vmul.u32 $0x20, v0;
	s26 =	simm.s32 $0x8400;
	s1 =	simm.s32 $0x8000;
	[dreg:$0x7] =	wrdreg s14  }
.LBB2_1:
0x1b: {  	[dreg:$0x13] =	wrdreg s4;
	s3 =	simm.s32 $0x80  }
0x1c: {  	s7 =	sadd.s32 $0x0, s5;
	s4 =	simm.s32 $0x200;
	s6 =	simm.s32 $0x0  }
.LBB2_2:
0x1d: {  	[tilespmem:s6], [sflag:$0x1] =	stream.strided.gather [hbm4b:s7+s29], $0x180, s30, s29, $0x38;
	[tilespmem:$0x1D400] =	vst v63  }
0x1e: {  	s7 =	smov.u32 s3;
	s6 =	smov.u32 s4;
	p0 =	sne.s32 s3, $0x1F80  }
.Ltmp0:
0x1f: {  	s3 =	sadd.s32 $0x80, s3;
	(pc) =	sbr.rel @p0 .LBB2_2-.Ltmp0, $2  }
0x20: {  	_ =	sdelay $0x2  }
0x21: {  	s4 =	sadd.s32 $0x200, s4;
	s7 =	sadd.s32 s7, s5  }
0x22: {  	[tilespmem:s6], [sflag:$0x1] =	stream.strided.gather [hbm4b:s7+s29], $0x180, s30, s29, $0x38;
	[tilespmem:$0x1D400] =	vst v63  }
0x23: {  	_ =	swait.ge [sflag:s31], $0x6000  }
0x24: {  	[sflag:s31] =	ssyncset.done $0x0  }
0x25: {  	s4 =	simm.s32 $0x2000;
	s3 =	rddreg [dreg:$0x7];
	[sflag:s31] =	ssyncadd.s32 $0xFFFFA000  }
0x26: {  	[tilespmem:s1], [sflag:$0x1] =	stream.strided.gather [hbm4b:s3+s29], $0x180, s4, s29, $0x38;
	[tilespmem:$0x1D400] =	vst v63  }
0x27: {  	s28 =	simm.s32 $0x8200;
	s3 =	sadd.s32 $0x80, s3  }
0x28: {  	[tilespmem:s28], [sflag:$0x1] =	stream.strided.gather [hbm4b:s3+s29], $0x180, s4, s29, $0x38;
	[tilespmem:$0x1D400] =	vst v63  }
0x29: {  	_ =	swait.ge [sflag:s31], $0x300  }
0x2a: {  	[sflag:s31] =	ssyncset.done $0x0  }
0x2b: {  	s6 =	simm.s32 $0x0;
	[sflag:s31] =	ssyncadd.s32 $0xFFFFFD00  }
.LBB2_4:
0x2c: {  	s3 =	sshll.u32 s6, $0x4;
	s4 =	sshll.u32 s6, $0x6  }
0x2d: {  	s7 =	sand.u32 $0x70, s3;
	s4 =	sand.u32 $0x200, s4  }
0x2e: {  	s4 =	sor.u32 s7, s4  }
0x2f: {  	v2 =	vmov s3;
	v3 =	vld [tilespmem:s4+$0x8000]  }
0x30: {  	v2 =	vshll.u32 v2, $0x5;
	v4 =	vld [tilespmem:s4+$0x8080]  }
0x31: {  	v6 =	vimm.s32 $0x0;
	s28 =	simm.s32 $0x0;
	s7 =	simm.s32 $0xF;
	v5 =	vld [tilespmem:s4+$0x8100];
	v2 =	vor.u32 v0, v2  }
.LBB2_5:
0x32: {  	s3 =	sadd.s32 $0xFFFFFFF1, s7  }
0x33: {  	s9 =	sand.u32 $0x7E00, s28;
	s4 =	sand.u32 $0x70, s3  }
0x34: {  	s4 =	sor.u32 s4, s9  }
0x35: {  	v8 =	vld [tilespmem:s4+$0x0]  }
0x36: {  	v9 =	vld [tilespmem:s4+$0x80]  }
0x37: {  	v7 =	vld [tilespmem:s4+$0x100];
	_ =	sdelay $0x3  }
0x38: {  	v10 =	vbroadcast v8, $0x0  }
0x39: {  	v11 =	vbroadcast v9, $0x0;
	v12 =	vbroadcast v7, $0x0  }
0x3a: {  	v13 =	vbroadcast v8, $0x1;
	v14 =	vbroadcast v9, $0x1  }
0x3b: {  	v46 =	vbroadcast v7, $0x1;
	v49 =	vbroadcast v8, $0x2  }
0x3c: {  	v50 =	vbroadcast v9, $0x2;
	v15 =	vbroadcast v7, $0x2  }
0x3d: {  	v53 =	vbroadcast v8, $0x3;
	v54 =	vbroadcast v9, $0x3  }
0x3e: {  	v57 =	vbroadcast v7, $0x3;
	v60 =	vbroadcast v8, $0x4  }
0x3f: {  	v61 =	vbroadcast v9, $0x4;
	v17 =	vbroadcast v7, $0x4  }
0x40: {  	v20 =	vbroadcast v8, $0x5;
	v21 =	vbroadcast v9, $0x5  }
0x41: {  	v24 =	vbroadcast v7, $0x5;
	v27 =	vbroadcast v8, $0x6  }
0x42: {  	vm1 =	vlt.s32 v6, $0x20;
	v28 =	vbroadcast v9, $0x6;
	v19 =	vbroadcast v7, $0x6  }
0x43: {  	v31 =	vbroadcast v8, $0x7;
	v10 =	vsub.f32 v10, v3;
	v11 =	vsub.f32 v11, v4  }
0x44: {  	v32 =	vbroadcast v9, $0x7;
	v12 =	vsub.f32 v12, v5;
	v44 =	vsub.f32 v13, v3  }
0x45: {  	v35 =	vbroadcast v7, $0x7;
	v45 =	vsub.f32 v14, v4;
	v47 =	vsub.f32 v46, v5  }
0x46: {  	v38 =	vbroadcast v8, $0x8;
	v52 =	vsub.f32 v15, v5;
	v55 =	vsub.f32 v53, v3  }
0x47: {  	v39 =	vbroadcast v9, $0x8;
	v56 =	vsub.f32 v54, v4;
	v15 =	vsub.f32 v57, v5  }
0x48: {  	v42 =	vbroadcast v8, $0x9;
	v63 =	vsub.f32 v17, v5;
	v22 =	vsub.f32 v20, v3  }
0x49: {  	v23 =	vsub.f32 v21, v4;
	v17 =	vsub.f32 v24, v5;
	v21 =	vbroadcast v7, $0x8  }
0x4a: {  	v30 =	vsub.f32 v19, v5;
	v46 =	vbroadcast v7, $0x9;
	v54 =	vbroadcast v7, $0xA  }
0x4b: {  	v34 =	vsub.f32 v32, v4;
	v32 =	vbroadcast v7, $0xC;
	v10 =	vmul.f32 v10, v10  }
0x4c: {  	v33 =	vsub.f32 v31, v3;
	v11 =	vmul.f32 v11, v11;
	v43 =	vmul.f32 v12, v12  }
0x4d: {  	v19 =	vsub.f32 v35, v5;
	v12 =	vmul.f32 v44, v44;
	v13 =	vmul.f32 v45, v45  }
0x4e: {  	v14 =	vmul.f32 v56, v56;
	v59 =	vmul.f32 v15, v15;
	v15 =	vsub.f32 v61, v4  }
0x4f: {  	v26 =	vmul.f32 v17, v17;
	v17 =	vsub.f32 v28, v4;
	v37 =	vmul.f32 v19, v19  }
0x50: {  	v19 =	vsub.f32 v39, v4;
	v41 =	vsub.f32 v21, v5;
	v56 =	vbroadcast v8, $0xB  }
0x51: {  	v44 =	vsub.f32 v42, v3;
	v28 =	vbroadcast v9, $0xC;
	v42 =	vbroadcast v7, $0xE  }
0x52: {  	v10 =	vadd.f32 v11, v10;
	v48 =	vadd.f32 v13, v12;
	v11 =	vmul.f32 v47, v47  }
0x53: {  	v12 =	vsub.f32 v49, v3;
	v13 =	vsub.f32 v50, v4;
	v15 =	vmul.f32 v15, v15  }
0x54: {  	v17 =	vmul.f32 v17, v17;
	v19 =	vmul.f32 v19, v19;
	v47 =	vsub.f32 v46, v5  }
0x55: {  	v49 =	vbroadcast v8, $0xA;
	v50 =	vbroadcast v9, $0xA;
	v57 =	vsub.f32 v56, v3  }
0x56: {  	v10 =	vadd.f32 v43, v10;
	v11 =	vadd.f32 v11, v48;
	v12 =	vmul.f32 v12, v12  }
0x57: {  	v31 =	vsub.f32 v28, v4;
	v13 =	vmul.f32 v13, v13;
	v43 =	vbroadcast v9, $0x9  }
0x58: {  	v53 =	vsub.f32 v50, v4;
	vm0 =	vlt.f32 v10, $3.999999910e-02;
	vm9 =	vlt.f32 v11, $3.999999910e-02  }
0x59: {  	v12 =	vadd.f32 v13, v12;
	v11 =	vmul.f32 v52, v52;
	v13 =	vmul.f32 v55, v55  }
0x5a: {  	s14 =	sadd.s32 $0xFFFFFFF4, s7;
	v45 =	vsub.f32 v43, v4;
	v52 =	vsub.f32 v49, v3;
	vm0 =	vmand vm1, vm0  }
0x5b: {  	v55 =	vsub.f32 v54, v5;
	v49 =	vmov s14;
	v51 =	vsel vm0, $0x1, v1  }
0x5c: {  	v58 =	vadd.f32 v14, v13;
	v14 =	vsub.f32 v60, v3;
	v10 =	vadd.s32 v51, v6  }
0x5d: {  	v12 =	vadd.f32 v11, v12;
	v6 =	vadd.s32 v2, v6;
	vm2 =	vlt.s32 v10, $0x20  }
0x5e: {  	v13 =	vadd.f32 v59, v58;
	v14 =	vmul.f32 v14, v14;
	vm1 =	vmand vm9, vm2  }
0x5f: {  	vm10 =	vlt.f32 v12, $3.999999910e-02;
	v59 =	vbroadcast v7, $0xB;
	v16 =	vsel vm1, $0x1, v1  }
0x60: {  	vm11 =	vlt.f32 v13, $3.999999910e-02;
	v14 =	vadd.f32 v15, v14;
	v13 =	vmul.f32 v63, v63  }
0x61: {  	v15 =	vmul.f32 v22, v22;
	v60 =	vsub.f32 v59, v5;
	v63 =	vbroadcast v8, $0xC  }
0x62: {  	v11 =	vadd.s32 v16, v10;
	v16 =	vmul.f32 v23, v23;
	v23 =	vbroadcast v9, $0xB  }
0x63: {  	v10 =	vadd.s32 v2, v10;
	vm3 =	vlt.s32 v11, $0x20;
	v14 =	vadd.f32 v13, v14  }
0x64: {  	vm2 =	vmand vm10, vm3;
	v25 =	vadd.f32 v16, v15;
	v16 =	vsub.f32 v27, v3  }
0x65: {  	v58 =	vsub.f32 v23, v4;
	v62 =	vsel vm2, $0x1, v1;
	vm12 =	vlt.f32 v14, $3.999999910e-02  }
0x66: {  	v12 =	vadd.s32 v62, v11;
	v15 =	vadd.f32 v26, v25;
	v16 =	vmul.f32 v16, v16  }
0x67: {  	v25 =	vbroadcast v9, $0xD;
	v26 =	vbroadcast v9, $0xE;
	vm4 =	vlt.s32 v12, $0x20  }
0x68: {  	v9 =	vbroadcast v9, $0xF;
	v11 =	vadd.s32 v2, v11;
	vm3 =	vmand vm11, vm4  }
0x69: {  	vm13 =	vlt.f32 v15, $3.999999910e-02;
	v16 =	vadd.f32 v17, v16;
	v18 =	vsel vm3, $0x1, v1  }
0x6a: {  	v15 =	vmul.f32 v30, v30;
	v17 =	vmul.f32 v33, v33;
	v13 =	vadd.s32 v18, v12  }
0x6b: {  	v30 =	vsub.f32 v63, v3;
	v33 =	vsub.f32 v32, v5;
	vm5 =	vlt.s32 v13, $0x20  }
0x6c: {  	v9 =	vsub.f32 v9, v4;
	v16 =	vadd.f32 v15, v16;
	vm4 =	vmand vm12, vm5  }
0x6d: {  	v18 =	vmul.f32 v34, v34;
	v34 =	vbroadcast v8, $0xD;
	v29 =	vsel vm4, $0x1, v1  }
0x6e: {  	v12 =	vadd.s32 v2, v12;
	v9 =	vmul.f32 v9, v9;
	v14 =	vadd.s32 v29, v13  }
0x6f: {  	vm14 =	vlt.f32 v16, $3.999999910e-02;
	v36 =	vadd.f32 v18, v17;
	vm6 =	vlt.s32 v14, $0x20  }
0x70: {  	v18 =	vsub.f32 v38, v3;
	v35 =	vsub.f32 v34, v3;
	vm5 =	vmand vm13, vm6  }
0x71: {  	v38 =	vbroadcast v8, $0xE;
	v8 =	vbroadcast v8, $0xF;
	v20 =	vsel vm5, $0x1, v1  }
0x72: {  	v17 =	vadd.f32 v37, v36;
	v18 =	vmul.f32 v18, v18;
	v15 =	vadd.s32 v20, v14  }
0x73: {  	v36 =	vsub.f32 v25, v4;
	v37 =	vbroadcast v7, $0xD;
	vm7 =	vlt.s32 v15, $0x20  }
0x74: {  	v39 =	vsub.f32 v38, v3;
	v8 =	vsub.f32 v8, v3;
	vm6 =	vmand vm14, vm7  }
0x75: {  	v7 =	vbroadcast v7, $0xF;
	v13 =	vadd.s32 v2, v13;
	v40 =	vsel vm6, $0x1, v1  }
0x76: {  	vm15 =	vlt.f32 v17, $3.999999910e-02;
	v18 =	vadd.f32 v19, v18;
	v16 =	vadd.s32 v40, v15  }
0x77: {  	v17 =	vmul.f32 v41, v41;
	v19 =	vmul.f32 v44, v44;
	vm8 =	vlt.s32 v16, $0x20  }
0x78: {  	v25 =	vsub.f32 v37, v5;
	v20 =	vmul.f32 v45, v45;
	vm7 =	vmand vm15, vm8  }
0x79: {  	v8 =	vmul.f32 v8, v8;
	v17 =	vadd.f32 v17, v18;
	v22 =	vsel vm7, $0x1, v1  }
0x7a: {  	v18 =	vmul.f32 v47, v47;
	v48 =	vadd.f32 v20, v19;
	v21 =	vadd.s32 v22, v16  }
0x7b: {  	v7 =	vsub.f32 v7, v5;
	vm12 =	vlt.f32 v17, $3.999999910e-02;
	vm9 =	vlt.s32 v21, $0x20  }
0x7c: {  	v41 =	vmul.f32 v25, v25;
	v17 =	vadd.f32 v18, v48;
	vm8 =	vmand vm12, vm9  }
0x7d: {  	v19 =	vmul.f32 v53, v53;
	v18 =	vmul.f32 v52, v52;
	v51 =	vsel vm8, $0x1, v1  }
0x7e: {  	v25 =	vsub.f32 v42, v5;
	vm13 =	vlt.f32 v17, $3.999999910e-02;
	v22 =	vadd.s32 v51, v21  }
0x7f: {  	v18 =	vadd.f32 v19, v18;
	v17 =	vmul.f32 v55, v55;
	vm10 =	vlt.s32 v22, $0x20  }
0x80: {  	v20 =	vmul.f32 v58, v58;
	v19 =	vmul.f32 v57, v57;
	vm9 =	vmand vm13, vm10  }
0x81: {  	v45 =	vmov s3;
	v17 =	vadd.f32 v17, v18;
	v24 =	vsel vm9, $0x1, v1  }
0x82: {  	v62 =	vadd.f32 v20, v19;
	v18 =	vmul.f32 v60, v60;
	v61 =	vadd.s32 v24, v22  }
0x83: {  	v19 =	vmul.f32 v31, v31;
	vm14 =	vlt.f32 v17, $3.999999910e-02;
	vm11 =	vlt.s32 v61, $0x20  }
0x84: {  	s12 =	sadd.s32 $0xFFFFFFF2, s7;
	v17 =	vadd.f32 v18, v62;
	v18 =	vmul.f32 v30, v30;
	vm10 =	vmand vm14, vm11  }
0x85: {  	v47 =	vmov s12;
	v14 =	vadd.s32 v2, v14;
	v29 =	vsel vm10, $0x1, v1  }
0x86: {  	v7 =	vmul.f32 v7, v7;
	v18 =	vadd.f32 v19, v18;
	v24 =	vadd.s32 v29, v61  }
0x87: {  	vm11 =	vlt.f32 v17, $3.999999910e-02;
	v17 =	vmul.f32 v33, v33;
	vm12 =	vlt.s32 v24, $0x20  }
0x88: {  	v20 =	vmul.f32 v36, v36;
	v19 =	vmul.f32 v35, v35;
	vm11 =	vmand vm11, vm12  }
0x89: {  	[tilespmem:v6+s0+$0x0] =	vst.idx.msk vm0, v45;
	v6 =	vadd.f32 v9, v8;
	v17 =	vadd.f32 v17, v18;
	v43 =	vsel vm11, $0x1, v1  }
0x8a: {  	v50 =	vadd.s32 v2, v15;
	v19 =	vadd.f32 v20, v19;
	v44 =	vadd.s32 v43, v24  }
0x8b: {  	v40 =	vsub.f32 v26, v4;
	vm12 =	vlt.f32 v17, $3.999999910e-02;
	vm13 =	vlt.s32 v44, $0x20  }
0x8c: {  	v25 =	vmul.f32 v25, v25;
	v19 =	vadd.f32 v41, v19;
	vm12 =	vmand vm12, vm13  }
0x8d: {  	v18 =	vmul.f32 v40, v40;
	v17 =	vmul.f32 v39, v39;
	v46 =	vsel vm12, $0x1, v1  }
0x8e: {  	s16 =	sadd.s32 $0xFFFFFFF6, s7;
	v6 =	vadd.f32 v7, v6;
	vm13 =	vlt.f32 v19, $3.999999910e-02;
	v19 =	vadd.s32 v46, v44  }
0x8f: {  	s13 =	sadd.s32 $0xFFFFFFF3, s7;
	s15 =	sadd.s32 $0xFFFFFFF5, s7;
	v7 =	vmov s16;
	v17 =	vadd.f32 v18, v17;
	vm14 =	vlt.s32 v19, $0x20  }
0x90: {  	[tilespmem:v10+s0+$0x0] =	vst.idx.msk vm1, v47;
	v48 =	vmov s13;
	v52 =	vmov s15;
	vm13 =	vmand vm13, vm14  }
0x91: {  	s9 =	sadd.s32 $0xFFFFFFF8, s7;
	[tilespmem:v11+s0+$0x0] =	vst.idx.msk vm2, v48;
	v51 =	vadd.s32 v2, v16;
	v17 =	vadd.f32 v25, v17;
	v8 =	vsel vm13, $0x1, v1  }
0x92: {  	[tilespmem:v12+s0+$0x0] =	vst.idx.msk vm3, v49;
	v55 =	vmov s9;
	v53 =	vadd.s32 v2, v21;
	v8 =	vadd.s32 v8, v19  }
0x93: {  	s4 =	sadd.s32 $0xFFFFFFF7, s7;
	[tilespmem:v13+s0+$0x0] =	vst.idx.msk vm4, v52;
	v54 =	vadd.s32 v2, v22;
	vm14 =	vlt.f32 v17, $3.999999910e-02;
	vm15 =	vlt.s32 v8, $0x20  }
0x94: {  	[tilespmem:v14+s0+$0x0] =	vst.idx.msk vm5, v7;
	v7 =	vmov s4;
	v56 =	vadd.s32 v2, v61;
	vm0 =	vmand vm14, vm15  }
0x95: {  	s10 =	sadd.s32 $0xFFFFFFF9, s7;
	[tilespmem:v50+s0+$0x0] =	vst.idx.msk vm6, v7;
	v7 =	vadd.s32 v2, v24;
	vm14 =	vlt.f32 v6, $3.999999910e-02;
	v6 =	vsel vm0, $0x1, v1  }
0x96: {  	s11 =	sadd.s32 $0xFFFFFFFA, s7;
	v57 =	vmov s10;
	[tilespmem:v51+s0+$0x0] =	vst.idx.msk vm7, v55;
	v58 =	vadd.s32 v2, v44;
	v6 =	vadd.s32 v6, v8  }
0x97: {  	v59 =	vmov s11;
	s12 =	sadd.s32 $0xFFFFFFFB, s7;
	[tilespmem:v53+s0+$0x0] =	vst.idx.msk vm8, v57;
	v60 =	vadd.s32 v2, v19;
	vm15 =	vlt.s32 v6, $0x20  }
0x98: {  	s13 =	sadd.s32 $0xFFFFFFFC, s7;
	[tilespmem:v54+s0+$0x0] =	vst.idx.msk vm9, v59;
	v61 =	vmov s12;
	v8 =	vadd.s32 v2, v8;
	vm1 =	vmand vm14, vm15  }
0x99: {  	p0 =	sne.s32 s7, $0x1FFF;
	s14 =	sadd.s32 $0xFFFFFFFD, s7;
	v62 =	vmov s13;
	[tilespmem:v56+s0+$0x0] =	vst.idx.msk vm10, v61;
	v63 =	vadd.s32 v2, v6  }
.Ltmp1:
0x9a: {  	s15 =	sadd.s32 $0xFFFFFFFE, s7;
	[tilespmem:v7+s0+$0x0] =	vst.idx.msk vm11, v62;
	v7 =	vmov s14;
	(pc) =	sbr.rel @p0 .LBB2_5-.Ltmp1, $4  }
0x9b: {  	s16 =	sadd.s32 $0xFFFFFFFF, s7;
	[tilespmem:v58+s0+$0x0] =	vst.idx.msk vm12, v7;
	v7 =	vmov s15  }
0x9c: {  	[tilespmem:v60+s0+$0x0] =	vst.idx.msk vm13, v7;
	v7 =	vmov s16  }
0x9d: {  	[tilespmem:v8+s0+$0x0] =	vst.idx.msk vm0, v7;
	v7 =	vmov s7;
	v8 =	vsel vm1, $0x1, v1  }
0x9e: {  	s28 =	sadd.s32 $0x40, s28;
	s7 =	sadd.s32 $0x10, s7;
	v6 =	vadd.s32 v8, v6;
	[tilespmem:v63+s0+$0x0] =	vst.idx.msk vm1, v7  }
0x9f: {  	_ =	sdelay $0x2  }
0xa0: {  	vm0 =	vlt.s32 v6, $0x2  }
0xa1: {  	v3 =	vld.idx.msk [tilespmem:v2+s0+$0x0], $0xffff;
	v4 =	vor.u32 $0x1, v2;
	vm1 =	vlt.s32 v6, $0x3  }
0xa2: {  	v5 =	vor.u32 $0x2, v2;
	vm2 =	vlt.s32 v6, $0x4  }
0xa3: {  	v7 =	vor.u32 $0x3, v2;
	vm3 =	vlt.s32 v6, $0x5  }
0xa4: {  	v8 =	vor.u32 $0x4, v2;
	vm4 =	vlt.s32 v6, $0x6  }
0xa5: {  	v9 =	vor.u32 $0x5, v2;
	vm5 =	vlt.s32 v6, $0x7  }
0xa6: {  	v39 =	vor.u32 $0x6, v2;
	vm15 =	vlt.s32 v6, $0x8;
	[tilespmem:v4+s0+$0x0] =	vst.idx.msk vm0, v3  }
0xa7: {  	v40 =	vor.u32 $0x7, v2;
	vm8 =	vlt.s32 v6, $0x9;
	[tilespmem:v5+s0+$0x0] =	vst.idx.msk vm1, v3  }
0xa8: {  	v41 =	vor.u32 $0x8, v2;
	vm9 =	vlt.s32 v6, $0xA;
	[tilespmem:v7+s0+$0x0] =	vst.idx.msk vm2, v3  }
0xa9: {  	v42 =	vor.u32 $0x9, v2;
	vm10 =	vlt.s32 v6, $0xB;
	[tilespmem:v8+s0+$0x0] =	vst.idx.msk vm3, v3  }
0xaa: {  	v43 =	vor.u32 $0xA, v2;
	vm11 =	vlt.s32 v6, $0xC;
	[tilespmem:v9+s0+$0x0] =	vst.idx.msk vm4, v3  }
0xab: {  	v44 =	vor.u32 $0xB, v2;
	vm12 =	vlt.s32 v6, $0xD;
	[tilespmem:v39+s0+$0x0] =	vst.idx.msk vm5, v3  }
0xac: {  	v45 =	vor.u32 $0xC, v2;
	vm13 =	vlt.s32 v6, $0xE;
	[tilespmem:v40+s0+$0x0] =	vst.idx.msk vm15, v3  }
0xad: {  	v46 =	vor.u32 $0xD, v2;
	vm14 =	vlt.s32 v6, $0xF;
	[tilespmem:v41+s0+$0x0] =	vst.idx.msk vm8, v3  }
0xae: {  	v47 =	vor.u32 $0xE, v2;
	vm15 =	vlt.s32 v6, $0x10;
	[tilespmem:v42+s0+$0x0] =	vst.idx.msk vm9, v3  }
0xaf: {  	v48 =	vor.u32 $0xF, v2;
	vm8 =	vlt.s32 v6, $0x11;
	[tilespmem:v43+s0+$0x0] =	vst.idx.msk vm10, v3  }
0xb0: {  	v49 =	vor.u32 $0x10, v2;
	vm9 =	vlt.s32 v6, $0x12;
	[tilespmem:v44+s0+$0x0] =	vst.idx.msk vm11, v3  }
0xb1: {  	v50 =	vor.u32 $0x11, v2;
	vm10 =	vlt.s32 v6, $0x13;
	[tilespmem:v45+s0+$0x0] =	vst.idx.msk vm12, v3  }
0xb2: {  	v51 =	vor.u32 $0x12, v2;
	vm11 =	vlt.s32 v6, $0x14;
	[tilespmem:v46+s0+$0x0] =	vst.idx.msk vm13, v3  }
0xb3: {  	v52 =	vor.u32 $0x13, v2;
	vm12 =	vlt.s32 v6, $0x15;
	[tilespmem:v47+s0+$0x0] =	vst.idx.msk vm14, v3  }
0xb4: {  	v53 =	vor.u32 $0x14, v2;
	vm13 =	vlt.s32 v6, $0x16;
	[tilespmem:v48+s0+$0x0] =	vst.idx.msk vm15, v3  }
0xb5: {  	v54 =	vor.u32 $0x15, v2;
	vm14 =	vlt.s32 v6, $0x17;
	[tilespmem:v49+s0+$0x0] =	vst.idx.msk vm8, v3  }
0xb6: {  	v55 =	vor.u32 $0x16, v2;
	vm15 =	vlt.s32 v6, $0x18;
	[tilespmem:v50+s0+$0x0] =	vst.idx.msk vm9, v3  }
0xb7: {  	v56 =	vor.u32 $0x17, v2;
	vm8 =	vlt.s32 v6, $0x19;
	[tilespmem:v51+s0+$0x0] =	vst.idx.msk vm10, v3  }
0xb8: {  	v57 =	vor.u32 $0x18, v2;
	vm9 =	vlt.s32 v6, $0x1A;
	[tilespmem:v52+s0+$0x0] =	vst.idx.msk vm11, v3  }
0xb9: {  	v58 =	vor.u32 $0x19, v2;
	vm10 =	vlt.s32 v6, $0x1B;
	[tilespmem:v53+s0+$0x0] =	vst.idx.msk vm12, v3  }
0xba: {  	v59 =	vor.u32 $0x1A, v2;
	vm11 =	vlt.s32 v6, $0x1C;
	[tilespmem:v54+s0+$0x0] =	vst.idx.msk vm13, v3  }
0xbb: {  	v60 =	vor.u32 $0x1B, v2;
	vm12 =	vlt.s32 v6, $0x1D;
	[tilespmem:v55+s0+$0x0] =	vst.idx.msk vm14, v3  }
0xbc: {  	v61 =	vor.u32 $0x1C, v2;
	vm13 =	vlt.s32 v6, $0x1E;
	[tilespmem:v56+s0+$0x0] =	vst.idx.msk vm15, v3  }
0xbd: {  	v62 =	vor.u32 $0x1D, v2;
	vm14 =	vlt.s32 v6, $0x1F;
	[tilespmem:v57+s0+$0x0] =	vst.idx.msk vm8, v3  }
0xbe: {  	v63 =	vor.u32 $0x1E, v2;
	s6 =	sadd.s32 $0x1, s6;
	vm15 =	vlt.s32 v6, $0x20;
	[tilespmem:v58+s0+$0x0] =	vst.idx.msk vm9, v3  }
0xbf: {  	v2 =	vor.u32 $0x1F, v2;
	p0 =	sne.s32 s6, $0x10;
	[tilespmem:v59+s0+$0x0] =	vst.idx.msk vm10, v3  }
.Ltmp2:
0xc0: {  	[tilespmem:v60+s0+$0x0] =	vst.idx.msk vm11, v3;
	(pc) =	sbr.rel @p0 .LBB2_4-.Ltmp2, $4  }
0xc1: {  	[tilespmem:v61+s0+$0x0] =	vst.idx.msk vm12, v3  }
0xc2: {  	[tilespmem:v62+s0+$0x0] =	vst.idx.msk vm13, v3  }
0xc3: {  	[tilespmem:v63+s0+$0x0] =	vst.idx.msk vm14, v3  }
0xc4: {  	[tilespmem:v2+s0+$0x0] =	vst.idx.msk vm15, v3  }
0xc5: {  	s7 =	simm.s32 $0x0;
	s3 =	rddreg [dreg:$0x8]  }
0xc6: {  	[tilespmem:s26], [sflag:$0x1] =	stream.linear.gather [hbm4b:s3+s7], $0x10000, $0x38;
	[tilespmem:$0x1D400] =	vst v63  }
0xc7: {  	_ =	swait.ge [sflag:s31], $0x10000  }
0xc8: {  	[sflag:s31] =	ssyncset.done $0x0  }
0xc9: {  	s6 =	simm.s32 $0x0;
	s28 =	simm.s32 $0x0;
	[sflag:s31] =	ssyncadd.s32 $0xFFFF0000  }
.LBB2_8:
0xca: {  	s3 =	sadd.s32 $0x0, s6;
	s4 =	sand.u32 $0x70, s7;
	s9 =	sand.u32 $0x1, s7  }
0xcb: {  	s10 =	sand.u32 $0x1F80, s3;
	p0 =	seq.s32 s3, $0x0;
	p1 =	seq.s32 s9, $0x1  }
0xcc: {  	s14 =	sor.u32 s4, s10;
	p0 =	por !p0, !p1  }
0xcd: {  	s9 =	simm.s32 $0x1;
	v2 =	vld [tilespmem:s14+$0x18400];
	p0 =	por !p0, !p0  }
0xce: {  	s3 =	sshrl.u32 s3, $0x5;
	s9 =	simm.s32 @!p0 $0x0  }
0xcf: {  	s3 =	ssub.s32 s3, s9  }
0xd0: {  	v3 =	vmov s3  }
0xd1: {  	v4 =	vshll.u32 v3, $0x2  }
0xd2: {  	v3 =	vand.u32 $0x7F, v3;
	v5 =	vshrl.u32 v2, $0x7;
	v4 =	vand.u32 $0xFFFFFE00, v4  }
0xd3: {  	v2 =	vand.u32 $0x7F, v2;
	v6 =	vshll.u32 v5, $0x9;
	v3 =	vor.u32 v3, v4  }
0xd4: {  	v55 =	vor.u32 v2, v6;
	_ =	sdelay $0x3  }
0xd5: {  	v56 =	vld.idx.msk [tilespmem:v3+s1+$0x0], $0xffff  }
0xd6: {  	v7 =	vld.idx.msk [tilespmem:v55+s2+$0x0], $0xffff;
	_ =	sdelay $0x2  }
0xd7: {  	v8 =	vor.u32 $0x80, v55  }
0xd8: {  	v9 =	vor.u32 $0x80, v3  }
0xd9: {  	s15 =	sand.u32 $0xC00, s7;
	v6 =	vsub.f32 v7, v56  }
0xda: {  	s11 =	sor.u32 s4, s15  }
0xdb: {  	[tilespmem:s11+$0x1A400] =	vst v6  }
0xdc: {  	v6 =	vld.idx.msk [tilespmem:v8+s2+$0x0], $0xffff  }
0xdd: {  	v57 =	vld.idx.msk [tilespmem:v9+s1+$0x0], $0xffff;
	_ =	sdelay $0x2  }
0xde: {  	v4 =	vor.u32 $0x100, v55  }
0xdf: {  	v3 =	vor.u32 $0x100, v3  }
0xe0: {  	v6 =	vsub.f32 v6, v57  }
0xe1: {  	s3 =	sadd.s32 $0x1A400, s11  }
0xe2: {  	[tilespmem:s3+$0x80] =	vst v6  }
0xe3: {  	v4 =	vld.idx.msk [tilespmem:v4+s2+$0x0], $0xffff  }
0xe4: {  	v3 =	vld.idx.msk [tilespmem:v3+s1+$0x0], $0xffff;
	_ =	sdelay $0x1  }
0xe5: {  	v5 =	vshll.u32 v5, $0xA  }
0xe6: {  	v2 =	vor.u32 v2, v5;
	_ =	sdelay $0x1  }
0xe7: {  	v3 =	vsub.f32 v4, v3;
	_ =	sdelay $0x1  }
0xe8: {  	[tilespmem:s3+$0x100] =	vst v3  }
0xe9: {  	v3 =	vld.idx.msk [tilespmem:v2+s26+$0x0], $0xffff  }
0xea: {  	v58 =	vor.u32 $0x80, v2;
	_ =	sdelay $0x3  }
0xeb: {  	[tilespmem:s3+$0x180] =	vst v3  }
0xec: {  	v3 =	vld.idx.msk [tilespmem:v58+s26+$0x0], $0xffff  }
0xed: {  	v59 =	vor.u32 $0x100, v2;
	_ =	sdelay $0x3  }
0xee: {  	[tilespmem:s3+$0x200] =	vst v3  }
0xef: {  	v3 =	vld.idx.msk [tilespmem:v59+s26+$0x0], $0xffff  }
0xf0: {  	v60 =	vor.u32 $0x180, v2;
	_ =	sdelay $0x3  }
0xf1: {  	[tilespmem:s3+$0x280] =	vst v3  }
0xf2: {  	v3 =	vld.idx.msk [tilespmem:v60+s26+$0x0], $0xffff  }
0xf3: {  	v61 =	vor.u32 $0x200, v2;
	_ =	sdelay $0x3  }
0xf4: {  	[tilespmem:s3+$0x300] =	vst v3  }
0xf5: {  	v3 =	vld.idx.msk [tilespmem:v61+s26+$0x0], $0xffff  }
0xf6: {  	v62 =	vor.u32 $0x280, v2;
	_ =	sdelay $0x1  }
0xf7: {  	s16 =	sor.u32 s7, s7  }
0xf8: {  	s3 =	sor.u32 $0x380, s16  }
0xf9: {  	[tilespmem:s3+$0x1A400] =	vst v3  }
0xfa: {  	v3 =	vld.idx.msk [tilespmem:v62+s26+$0x0], $0xffff  }
0xfb: {  	v63 =	vor.u32 $0x300, v2;
	_ =	sdelay $0x3  }
0xfc: {  	[tilespmem:s11+$0x1B400] =	vst v3  }
0xfd: {  	v3 =	vld.idx.msk [tilespmem:v63+s26+$0x0], $0xffff  }
0xfe: {  	v2 =	vor.u32 $0x380, v2;
	_ =	sdelay $0x3  }
0xff: {  	[tilespmem:s11+$0x1B480] =	vst v3  }
0x100: {  	s12 =	simm.s32 $0x2;
	s10 =	simm.s32 $0x1;
	v2 =	vld.idx.msk [tilespmem:v2+s26+$0x0], $0xffff  }
0x101: {  	s4 =	simm.s32 $0x80;
	s9 =	simm.s32 $0x10;
	s3 =	sshll.u32 s28, $0x9  }
.LBB2_9:
0x102: {  	s14 =	sadd.s32 s9, s6  }
0x103: {  	s15 =	sand.u32 $0x70, s9;
	s13 =	sand.u32 $0x1, s10;
	s10 =	smov.u32 s12  }
0x104: {  	s16 =	sand.u32 $0x1F80, s14;
	p0 =	seq.s32 s14, $0x0;
	p1 =	seq.s32 s13, $0x1  }
0x105: {  	s13 =	sadd.s32 $0x1, s12;
	s16 =	sor.u32 s15, s16;
	p1 =	por !p0, !p1;
	[tilespmem:s11+$0x1B500] =	vst v2  }
0x106: {  	p0 =	sne.s32 s12, $0x1F;
	s12 =	simm.s32 $0x1;
	v2 =	vld [tilespmem:s16+$0x18400];
	p1 =	por !p1, !p1  }
0x107: {  	s11 =	sshrl.u32 s14, $0x5;
	s12 =	simm.s32 @!p1 $0x0  }
0x108: {  	s11 =	ssub.s32 s11, s12  }
0x109: {  	v3 =	vmov s11  }
0x10a: {  	v4 =	vshll.u32 v3, $0x2  }
0x10b: {  	v3 =	vand.u32 $0x7F, v3;
	v5 =	vshrl.u32 v2, $0x7;
	v4 =	vand.u32 $0xFFFFFE00, v4  }
0x10c: {  	v2 =	vand.u32 $0x7F, v2;
	v6 =	vshll.u32 v5, $0x9;
	v3 =	vor.u32 v3, v4  }
0x10d: {  	v5 =	vshll.u32 v5, $0xA;
	v4 =	vor.u32 v2, v6  }
0x10e: {  	v2 =	vor.u32 v2, v5;
	_ =	sdelay $0x2  }
0x10f: {  	v5 =	vld.idx.msk [tilespmem:v3+s1+$0x0], $0xffff  }
0x110: {  	v6 =	vld.idx.msk [tilespmem:v4+s2+$0x0], $0xffff;
	_ =	sdelay $0x3  }
0x111: {  	v8 =	vor.u32 $0x80, v3;
	v7 =	vor.u32 $0x80, v4;
	_ =	sdelay $0x1  }
0x112: {  	s11 =	sand.u32 $0xC00, s4;
	v5 =	vsub.f32 v6, v5  }
0x113: {  	s11 =	sor.u32 s15, s11  }
0x114: {  	[tilespmem:s11+$0x1A400] =	vst v5  }
0x115: {  	v5 =	vld.idx.msk [tilespmem:v7+s2+$0x0], $0xffff  }
0x116: {  	v6 =	vld.idx.msk [tilespmem:v8+s1+$0x0], $0xffff;
	_ =	sdelay $0x3  }
0x117: {  	v3 =	vor.u32 $0x100, v3;
	v4 =	vor.u32 $0x100, v4;
	_ =	sdelay $0x1  }
0x118: {  	s12 =	sadd.s32 $0x1A400, s11;
	v5 =	vsub.f32 v5, v6;
	_ =	sdelay $0x1  }
0x119: {  	[tilespmem:s12+$0x80] =	vst v5  }
0x11a: {  	v4 =	vld.idx.msk [tilespmem:v4+s2+$0x0], $0xffff  }
0x11b: {  	v3 =	vld.idx.msk [tilespmem:v3+s1+$0x0], $0xffff;
	_ =	sdelay $0x5  }
0x11c: {  	v3 =	vsub.f32 v4, v3;
	_ =	sdelay $0x1  }
0x11d: {  	[tilespmem:s12+$0x100] =	vst v3  }
0x11e: {  	v4 =	vor.u32 $0x80, v2;
	v3 =	vld.idx.msk [tilespmem:v2+s26+$0x0], $0xffff;
	_ =	sdelay $0x5  }
0x11f: {  	[tilespmem:s12+$0x180] =	vst v3  }
0x120: {  	v3 =	vld.idx.msk [tilespmem:v4+s26+$0x0], $0xffff;
	v4 =	vor.u32 $0x100, v2;
	_ =	sdelay $0x5  }
0x121: {  	[tilespmem:s12+$0x200] =	vst v3  }
0x122: {  	v3 =	vld.idx.msk [tilespmem:v4+s26+$0x0], $0xffff;
	v4 =	vor.u32 $0x180, v2;
	_ =	sdelay $0x5  }
0x123: {  	[tilespmem:s12+$0x280] =	vst v3  }
0x124: {  	v3 =	vld.idx.msk [tilespmem:v4+s26+$0x0], $0xffff;
	v4 =	vor.u32 $0x200, v2;
	_ =	sdelay $0x5  }
0x125: {  	[tilespmem:s12+$0x300] =	vst v3  }
0x126: {  	v3 =	vld.idx.msk [tilespmem:v4+s26+$0x0], $0xffff;
	v4 =	vor.u32 $0x280, v2;
	_ =	sdelay $0x1  }
0x127: {  	s12 =	sor.u32 s4, s9  }
0x128: {  	s12 =	sor.u32 $0x380, s12;
	_ =	sdelay $0x2  }
0x129: {  	[tilespmem:s12+$0x1A400] =	vst v3  }
0x12a: {  	v3 =	vld.idx.msk [tilespmem:v4+s26+$0x0], $0xffff;
	v4 =	vor.u32 $0x300, v2;
	_ =	sdelay $0x5  }
0x12b: {  	[tilespmem:s11+$0x1B400] =	vst v3  }
0x12c: {  	v2 =	vor.u32 $0x380, v2;
	v3 =	vld.idx.msk [tilespmem:v4+s26+$0x0], $0xffff;
	_ =	sdelay $0x5  }
.Ltmp3:
0x12d: {  	[tilespmem:s11+$0x1B480] =	vst v3;
	(pc) =	sbr.rel @p0 .LBB2_9-.Ltmp3, $2  }
0x12e: {  	v2 =	vld.idx.msk [tilespmem:v2+s26+$0x0], $0xffff;
	_ =	sdelay $0x2  }
0x12f: {  	s4 =	sadd.s32 $0x80, s4;
	s9 =	sadd.s32 $0x10, s9;
	s12 =	smov.u32 s13  }
0x130: {  	s12 =	sadd.s32 s9, s6;
	s13 =	sand.u32 $0x70, s9;
	s10 =	sand.u32 $0x1, s10  }
0x131: {  	p0 =	seq.s32 s10, $0x1;
	s16 =	sand.u32 $0x1F80, s12;
	p1 =	seq.s32 s12, $0x0  }
0x132: {  	[tilespmem:s11+$0x1B500] =	vst v2;
	s10 =	sor.u32 s13, s16;
	p0 =	por !p1, !p0  }
0x133: {  	v2 =	vld [tilespmem:s10+$0x18400];
	p0 =	por !p0, !p0;
	s10 =	simm.s32 $0x1  }
0x134: {  	s14 =	sshrl.u32 s12, $0x5;
	s10 =	simm.s32 @!p0 $0x0  }
0x135: {  	s10 =	ssub.s32 s14, s10  }
0x136: {  	v3 =	vmov s10  }
0x137: {  	v4 =	vshll.u32 v3, $0x2  }
0x138: {  	v3 =	vand.u32 $0x7F, v3;
	v5 =	vshrl.u32 v2, $0x7;
	v4 =	vand.u32 $0xFFFFFE00, v4  }
0x139: {  	v2 =	vand.u32 $0x7F, v2;
	v6 =	vshll.u32 v5, $0x9;
	v3 =	vor.u32 v3, v4  }
0x13a: {  	v55 =	vor.u32 v2, v6;
	_ =	sdelay $0x3  }
0x13b: {  	v56 =	vld.idx.msk [tilespmem:v3+s1+$0x0], $0xffff  }
0x13c: {  	v7 =	vld.idx.msk [tilespmem:v55+s2+$0x0], $0xffff;
	_ =	sdelay $0x2  }
0x13d: {  	v8 =	vor.u32 $0x80, v55  }
0x13e: {  	v9 =	vor.u32 $0x80, v3  }
0x13f: {  	s15 =	sand.u32 $0xC00, s4;
	v6 =	vsub.f32 v7, v56  }
0x140: {  	s10 =	sor.u32 s13, s15  }
0x141: {  	[tilespmem:s10+$0x1A400] =	vst v6  }
0x142: {  	v6 =	vld.idx.msk [tilespmem:v8+s2+$0x0], $0xffff  }
0x143: {  	v57 =	vld.idx.msk [tilespmem:v9+s1+$0x0], $0xffff;
	_ =	sdelay $0x2  }
0x144: {  	v4 =	vor.u32 $0x100, v55  }
0x145: {  	v3 =	vor.u32 $0x100, v3  }
0x146: {  	v6 =	vsub.f32 v6, v57  }
0x147: {  	s16 =	sadd.s32 $0x1A400, s10  }
0x148: {  	[tilespmem:s16+$0x80] =	vst v6  }
0x149: {  	v4 =	vld.idx.msk [tilespmem:v4+s2+$0x0], $0xffff  }
0x14a: {  	v3 =	vld.idx.msk [tilespmem:v3+s1+$0x0], $0xffff;
	_ =	sdelay $0x1  }
0x14b: {  	v5 =	vshll.u32 v5, $0xA  }
0x14c: {  	v2 =	vor.u32 v2, v5;
	_ =	sdelay $0x1  }
0x14d: {  	v3 =	vsub.f32 v4, v3;
	_ =	sdelay $0x1  }
0x14e: {  	[tilespmem:s16+$0x100] =	vst v3  }
0x14f: {  	v3 =	vld.idx.msk [tilespmem:v2+s26+$0x0], $0xffff  }
0x150: {  	v58 =	vor.u32 $0x80, v2;
	_ =	sdelay $0x3  }
0x151: {  	[tilespmem:s16+$0x180] =	vst v3  }
0x152: {  	v3 =	vld.idx.msk [tilespmem:v58+s26+$0x0], $0xffff  }
0x153: {  	v59 =	vor.u32 $0x100, v2;
	_ =	sdelay $0x3  }
0x154: {  	[tilespmem:s16+$0x200] =	vst v3  }
0x155: {  	v3 =	vld.idx.msk [tilespmem:v59+s26+$0x0], $0xffff  }
0x156: {  	v60 =	vor.u32 $0x180, v2;
	_ =	sdelay $0x3  }
0x157: {  	[tilespmem:s16+$0x280] =	vst v3  }
0x158: {  	v3 =	vld.idx.msk [tilespmem:v60+s26+$0x0], $0xffff  }
0x159: {  	v61 =	vor.u32 $0x200, v2;
	_ =	sdelay $0x3  }
0x15a: {  	[tilespmem:s16+$0x300] =	vst v3  }
0x15b: {  	v3 =	vld.idx.msk [tilespmem:v61+s26+$0x0], $0xffff  }
0x15c: {  	v62 =	vor.u32 $0x280, v2;
	_ =	sdelay $0x1  }
0x15d: {  	s9 =	sor.u32 s4, s9  }
0x15e: {  	s4 =	sor.u32 $0x380, s9  }
0x15f: {  	[tilespmem:s4+$0x1A400] =	vst v3  }
0x160: {  	v3 =	vld.idx.msk [tilespmem:v62+s26+$0x0], $0xffff  }
0x161: {  	v63 =	vor.u32 $0x300, v2;
	_ =	sdelay $0x3  }
0x162: {  	[tilespmem:s10+$0x1B400] =	vst v3  }
0x163: {  	v3 =	vld.idx.msk [tilespmem:v63+s26+$0x0], $0xffff  }
0x164: {  	v2 =	vor.u32 $0x380, v2;
	_ =	sdelay $0x3  }
0x165: {  	[tilespmem:s10+$0x1B480] =	vst v3  }
0x166: {  	v2 =	vld.idx.msk [tilespmem:v2+s26+$0x0], $0xffff;
	_ =	sdelay $0x3  }
0x167: {  	s3 =	sadd.s32 s8, s3;
	s11 =	rddreg [dreg:$0x5]  }
0x168: {  	s12 =	simm.s32 $0x1A400;
	s4 =	sadd.s32 s11, s3;
	[tilespmem:s10+$0x1B500] =	vst v2  }
0x169: {  	[hbm4b:s4+s2] =	stream.linear.scatter [tilespmem:s12], [sflag:$0x1], $0x80, $0x38;
	[tilespmem:$0x1D400] =	vst v63  }
0x16a: {  	s14 =	simm.s32 $0x1A800;
	s13 =	sadd.s32 $0x80, s4  }
0x16b: {  	[hbm4b:s13+s2] =	stream.linear.scatter [tilespmem:s14], [sflag:$0x1], $0x80, $0x38;
	[tilespmem:$0x1D400] =	vst v63  }
0x16c: {  	s16 =	simm.s32 $0x1AC00;
	s15 =	sadd.s32 $0x100, s4  }
0x16d: {  	[hbm4b:s15+s2] =	stream.linear.scatter [tilespmem:s16], [sflag:$0x1], $0x80, $0x38;
	[tilespmem:$0x1D400] =	vst v63  }
0x16e: {  	s10 =	simm.s32 $0x1B000;
	s4 =	sadd.s32 $0x180, s4  }
0x16f: {  	[hbm4b:s4+s2] =	stream.linear.scatter [tilespmem:s10], [sflag:$0x1], $0x80, $0x38;
	[tilespmem:$0x1D400] =	vst v63  }
0x170: {  	_ =	swait.ge [sflag:s31], $0x200  }
0x171: {  	[sflag:s31] =	ssyncset.done $0x0;
	s11 =	rddreg [dreg:$0x9]  }
0x172: {  	s12 =	simm.s32 $0x1A480;
	[sflag:s31] =	ssyncadd.s32 $0xFFFFFE00;
	s4 =	sadd.s32 s3, s11  }
0x173: {  	[hbm4b:s4+s2] =	stream.linear.scatter [tilespmem:s12], [sflag:$0x1], $0x80, $0x38;
	[tilespmem:$0x1D400] =	vst v63  }
0x174: {  	s14 =	simm.s32 $0x1A880;
	s13 =	sadd.s32 $0x80, s4  }
0x175: {  	[hbm4b:s13+s2] =	stream.linear.scatter [tilespmem:s14], [sflag:$0x1], $0x80, $0x38;
	[tilespmem:$0x1D400] =	vst v63  }
0x176: {  	s16 =	simm.s32 $0x1AC80;
	s15 =	sadd.s32 $0x100, s4  }
0x177: {  	[hbm4b:s15+s2] =	stream.linear.scatter [tilespmem:s16], [sflag:$0x1], $0x80, $0x38;
	[tilespmem:$0x1D400] =	vst v63  }
0x178: {  	s10 =	simm.s32 $0x1B080;
	s4 =	sadd.s32 $0x180, s4  }
0x179: {  	[hbm4b:s4+s2] =	stream.linear.scatter [tilespmem:s10], [sflag:$0x1], $0x80, $0x38;
	[tilespmem:$0x1D400] =	vst v63  }
0x17a: {  	_ =	swait.ge [sflag:s31], $0x200  }
0x17b: {  	[sflag:s31] =	ssyncset.done $0x0;
	s11 =	rddreg [dreg:$0xa]  }
0x17c: {  	s12 =	simm.s32 $0x1A500;
	[sflag:s31] =	ssyncadd.s32 $0xFFFFFE00;
	s4 =	sadd.s32 s3, s11  }
0x17d: {  	[hbm4b:s4+s2] =	stream.linear.scatter [tilespmem:s12], [sflag:$0x1], $0x80, $0x38;
	[tilespmem:$0x1D400] =	vst v63  }
0x17e: {  	s14 =	simm.s32 $0x1A900;
	s13 =	sadd.s32 $0x80, s4  }
0x17f: {  	[hbm4b:s13+s2] =	stream.linear.scatter [tilespmem:s14], [sflag:$0x1], $0x80, $0x38;
	[tilespmem:$0x1D400] =	vst v63  }
0x180: {  	s16 =	simm.s32 $0x1AD00;
	s15 =	sadd.s32 $0x100, s4  }
0x181: {  	[hbm4b:s15+s2] =	stream.linear.scatter [tilespmem:s16], [sflag:$0x1], $0x80, $0x38;
	[tilespmem:$0x1D400] =	vst v63  }
0x182: {  	s10 =	simm.s32 $0x1B100;
	s4 =	sadd.s32 $0x180, s4  }
0x183: {  	[hbm4b:s4+s2] =	stream.linear.scatter [tilespmem:s10], [sflag:$0x1], $0x80, $0x38;
	[tilespmem:$0x1D400] =	vst v63  }
0x184: {  	_ =	swait.ge [sflag:s31], $0x200  }
0x185: {  	[sflag:s31] =	ssyncset.done $0x0;
	s11 =	rddreg [dreg:$0xb]  }
0x186: {  	s12 =	simm.s32 $0x1A580;
	[sflag:s31] =	ssyncadd.s32 $0xFFFFFE00;
	s4 =	sadd.s32 s3, s11  }
0x187: {  	[hbm4b:s4+s2] =	stream.linear.scatter [tilespmem:s12], [sflag:$0x1], $0x80, $0x38;
	[tilespmem:$0x1D400] =	vst v63  }
0x188: {  	s14 =	simm.s32 $0x1A980;
	s13 =	sadd.s32 $0x80, s4  }
0x189: {  	[hbm4b:s13+s2] =	stream.linear.scatter [tilespmem:s14], [sflag:$0x1], $0x80, $0x38;
	[tilespmem:$0x1D400] =	vst v63  }
0x18a: {  	s16 =	simm.s32 $0x1AD80;
	s15 =	sadd.s32 $0x100, s4  }
0x18b: {  	[hbm4b:s15+s2] =	stream.linear.scatter [tilespmem:s16], [sflag:$0x1], $0x80, $0x38;
	[tilespmem:$0x1D400] =	vst v63  }
0x18c: {  	s10 =	simm.s32 $0x1B180;
	s4 =	sadd.s32 $0x180, s4  }
0x18d: {  	[hbm4b:s4+s2] =	stream.linear.scatter [tilespmem:s10], [sflag:$0x1], $0x80, $0x38;
	[tilespmem:$0x1D400] =	vst v63  }
0x18e: {  	_ =	swait.ge [sflag:s31], $0x200  }
0x18f: {  	[sflag:s31] =	ssyncset.done $0x0;
	s11 =	rddreg [dreg:$0xc]  }
0x190: {  	s12 =	simm.s32 $0x1A600;
	[sflag:s31] =	ssyncadd.s32 $0xFFFFFE00;
	s4 =	sadd.s32 s3, s11  }
0x191: {  	[hbm4b:s4+s2] =	stream.linear.scatter [tilespmem:s12], [sflag:$0x1], $0x80, $0x38;
	[tilespmem:$0x1D400] =	vst v63  }
0x192: {  	s14 =	simm.s32 $0x1AA00;
	s13 =	sadd.s32 $0x80, s4  }
0x193: {  	[hbm4b:s13+s2] =	stream.linear.scatter [tilespmem:s14], [sflag:$0x1], $0x80, $0x38;
	[tilespmem:$0x1D400] =	vst v63  }
0x194: {  	s16 =	simm.s32 $0x1AE00;
	s15 =	sadd.s32 $0x100, s4  }
0x195: {  	[hbm4b:s15+s2] =	stream.linear.scatter [tilespmem:s16], [sflag:$0x1], $0x80, $0x38;
	[tilespmem:$0x1D400] =	vst v63  }
0x196: {  	s10 =	simm.s32 $0x1B200;
	s4 =	sadd.s32 $0x180, s4  }
0x197: {  	[hbm4b:s4+s2] =	stream.linear.scatter [tilespmem:s10], [sflag:$0x1], $0x80, $0x38;
	[tilespmem:$0x1D400] =	vst v63  }
0x198: {  	_ =	swait.ge [sflag:s31], $0x200  }
0x199: {  	[sflag:s31] =	ssyncset.done $0x0;
	s11 =	rddreg [dreg:$0xd]  }
0x19a: {  	s12 =	simm.s32 $0x1A680;
	[sflag:s31] =	ssyncadd.s32 $0xFFFFFE00;
	s4 =	sadd.s32 s3, s11  }
0x19b: {  	[hbm4b:s4+s2] =	stream.linear.scatter [tilespmem:s12], [sflag:$0x1], $0x80, $0x38;
	[tilespmem:$0x1D400] =	vst v63  }
0x19c: {  	s14 =	simm.s32 $0x1AA80;
	s13 =	sadd.s32 $0x80, s4  }
0x19d: {  	[hbm4b:s13+s2] =	stream.linear.scatter [tilespmem:s14], [sflag:$0x1], $0x80, $0x38;
	[tilespmem:$0x1D400] =	vst v63  }
0x19e: {  	s16 =	simm.s32 $0x1AE80;
	s15 =	sadd.s32 $0x100, s4  }
0x19f: {  	[hbm4b:s15+s2] =	stream.linear.scatter [tilespmem:s16], [sflag:$0x1], $0x80, $0x38;
	[tilespmem:$0x1D400] =	vst v63  }
0x1a0: {  	s10 =	simm.s32 $0x1B280;
	s4 =	sadd.s32 $0x180, s4  }
0x1a1: {  	[hbm4b:s4+s2] =	stream.linear.scatter [tilespmem:s10], [sflag:$0x1], $0x80, $0x38;
	[tilespmem:$0x1D400] =	vst v63  }
0x1a2: {  	_ =	swait.ge [sflag:s31], $0x200  }
0x1a3: {  	[sflag:s31] =	ssyncset.done $0x0;
	s11 =	rddreg [dreg:$0xe]  }
0x1a4: {  	s12 =	simm.s32 $0x1A700;
	[sflag:s31] =	ssyncadd.s32 $0xFFFFFE00;
	s4 =	sadd.s32 s3, s11  }
0x1a5: {  	[hbm4b:s4+s2] =	stream.linear.scatter [tilespmem:s12], [sflag:$0x1], $0x80, $0x38;
	[tilespmem:$0x1D400] =	vst v63  }
0x1a6: {  	s14 =	simm.s32 $0x1AB00;
	s13 =	sadd.s32 $0x80, s4  }
0x1a7: {  	[hbm4b:s13+s2] =	stream.linear.scatter [tilespmem:s14], [sflag:$0x1], $0x80, $0x38;
	[tilespmem:$0x1D400] =	vst v63  }
0x1a8: {  	s16 =	simm.s32 $0x1AF00;
	s15 =	sadd.s32 $0x100, s4  }
0x1a9: {  	[hbm4b:s15+s2] =	stream.linear.scatter [tilespmem:s16], [sflag:$0x1], $0x80, $0x38;
	[tilespmem:$0x1D400] =	vst v63  }
0x1aa: {  	s10 =	simm.s32 $0x1B300;
	s4 =	sadd.s32 $0x180, s4  }
0x1ab: {  	[hbm4b:s4+s2] =	stream.linear.scatter [tilespmem:s10], [sflag:$0x1], $0x80, $0x38;
	[tilespmem:$0x1D400] =	vst v63  }
0x1ac: {  	_ =	swait.ge [sflag:s31], $0x200  }
0x1ad: {  	[sflag:s31] =	ssyncset.done $0x0;
	s11 =	rddreg [dreg:$0xf]  }
0x1ae: {  	s12 =	simm.s32 $0x1A780;
	[sflag:s31] =	ssyncadd.s32 $0xFFFFFE00;
	s4 =	sadd.s32 s3, s11  }
0x1af: {  	[hbm4b:s4+s2] =	stream.linear.scatter [tilespmem:s12], [sflag:$0x1], $0x80, $0x38;
	[tilespmem:$0x1D400] =	vst v63  }
0x1b0: {  	s14 =	simm.s32 $0x1AB80;
	s13 =	sadd.s32 $0x80, s4  }
0x1b1: {  	[hbm4b:s13+s2] =	stream.linear.scatter [tilespmem:s14], [sflag:$0x1], $0x80, $0x38;
	[tilespmem:$0x1D400] =	vst v63  }
0x1b2: {  	s16 =	simm.s32 $0x1AF80;
	s15 =	sadd.s32 $0x100, s4  }
0x1b3: {  	[hbm4b:s15+s2] =	stream.linear.scatter [tilespmem:s16], [sflag:$0x1], $0x80, $0x38;
	[tilespmem:$0x1D400] =	vst v63  }
0x1b4: {  	s10 =	simm.s32 $0x1B380;
	s4 =	sadd.s32 $0x180, s4  }
0x1b5: {  	[hbm4b:s4+s2] =	stream.linear.scatter [tilespmem:s10], [sflag:$0x1], $0x80, $0x38;
	[tilespmem:$0x1D400] =	vst v63  }
0x1b6: {  	_ =	swait.ge [sflag:s31], $0x200  }
0x1b7: {  	[sflag:s31] =	ssyncset.done $0x0;
	s11 =	rddreg [dreg:$0x10]  }
0x1b8: {  	s12 =	simm.s32 $0x1B400;
	[sflag:s31] =	ssyncadd.s32 $0xFFFFFE00;
	s4 =	sadd.s32 s3, s11  }
0x1b9: {  	[hbm4b:s4+s2] =	stream.linear.scatter [tilespmem:s12], [sflag:$0x1], $0x80, $0x38;
	[tilespmem:$0x1D400] =	vst v63  }
0x1ba: {  	s14 =	simm.s32 $0x1B800;
	s13 =	sadd.s32 $0x80, s4  }
0x1bb: {  	[hbm4b:s13+s2] =	stream.linear.scatter [tilespmem:s14], [sflag:$0x1], $0x80, $0x38;
	[tilespmem:$0x1D400] =	vst v63  }
0x1bc: {  	s16 =	simm.s32 $0x1BC00;
	s15 =	sadd.s32 $0x100, s4  }
0x1bd: {  	[hbm4b:s15+s2] =	stream.linear.scatter [tilespmem:s16], [sflag:$0x1], $0x80, $0x38;
	[tilespmem:$0x1D400] =	vst v63  }
0x1be: {  	s10 =	simm.s32 $0x1C000;
	s4 =	sadd.s32 $0x180, s4  }
0x1bf: {  	[hbm4b:s4+s2] =	stream.linear.scatter [tilespmem:s10], [sflag:$0x1], $0x80, $0x38;
	[tilespmem:$0x1D400] =	vst v63  }
0x1c0: {  	_ =	swait.ge [sflag:s31], $0x200  }
0x1c1: {  	[sflag:s31] =	ssyncset.done $0x0  }
0x1c2: {  	s11 =	sadd.s32 s3, s17;
	s12 =	simm.s32 $0x1B480;
	[sflag:s31] =	ssyncadd.s32 $0xFFFFFE00  }
0x1c3: {  	[hbm4b:s11+s2] =	stream.linear.scatter [tilespmem:s12], [sflag:$0x1], $0x80, $0x38;
	[tilespmem:$0x1D400] =	vst v63  }
0x1c4: {  	s13 =	sadd.s32 $0x80, s11;
	s14 =	simm.s32 $0x1B880  }
0x1c5: {  	[hbm4b:s13+s2] =	stream.linear.scatter [tilespmem:s14], [sflag:$0x1], $0x80, $0x38;
	[tilespmem:$0x1D400] =	vst v63  }
0x1c6: {  	s15 =	sadd.s32 $0x100, s11;
	s16 =	simm.s32 $0x1BC80  }
0x1c7: {  	[hbm4b:s15+s2] =	stream.linear.scatter [tilespmem:s16], [sflag:$0x1], $0x80, $0x38;
	[tilespmem:$0x1D400] =	vst v63  }
0x1c8: {  	s4 =	sadd.s32 $0x180, s11;
	s10 =	simm.s32 $0x1C080  }
0x1c9: {  	[hbm4b:s4+s2] =	stream.linear.scatter [tilespmem:s10], [sflag:$0x1], $0x80, $0x38;
	[tilespmem:$0x1D400] =	vst v63  }
0x1ca: {  	_ =	swait.ge [sflag:s31], $0x200  }
0x1cb: {  	[sflag:s31] =	ssyncset.done $0x0  }
0x1cc: {  	s3 =	sadd.s32 s3, s18;
	s11 =	simm.s32 $0x1B500;
	[sflag:s31] =	ssyncadd.s32 $0xFFFFFE00  }
0x1cd: {  	[hbm4b:s3+s2] =	stream.linear.scatter [tilespmem:s11], [sflag:$0x1], $0x100, $0x38;
	[tilespmem:$0x1D400] =	vst v63  }
0x1ce: {  	s28 =	sadd.s32 $0x1, s28;
	s12 =	sadd.s32 $0x80, s3;
	s13 =	simm.s32 $0x1B900  }
0x1cf: {  	[hbm4b:s12+s2] =	stream.linear.scatter [tilespmem:s13], [sflag:$0x1], $0x100, $0x38;
	[tilespmem:$0x1D400] =	vst v63  }
0x1d0: {  	p0 =	sne.s32 s28, $0x10;
	s14 =	sadd.s32 $0x100, s3;
	s15 =	simm.s32 $0x1BD00  }
0x1d1: {  	[hbm4b:s14+s2] =	stream.linear.scatter [tilespmem:s15], [sflag:$0x1], $0x100, $0x38;
	[tilespmem:$0x1D400] =	vst v63  }
.Ltmp4:
0x1d2: {  	s16 =	simm.s32 $0x1C100;
	s3 =	sadd.s32 $0x180, s3;
	(pc) =	sbr.rel @p0 .LBB2_8-.Ltmp4, $4  }
0x1d3: {  	[hbm4b:s3+s2] =	stream.linear.scatter [tilespmem:s16], [sflag:$0x1], $0x100, $0x38;
	[tilespmem:$0x1D400] =	vst v63  }
0x1d4: {  	_ =	swait.ge [sflag:s31], $0x400  }
0x1d5: {  	[sflag:s31] =	ssyncset.done $0x0  }
0x1d6: {  	s6 =	sadd.s32 $0x200, s6;
	[sflag:s31] =	ssyncadd.s32 $0xFFFFFC00  }
0x1d7: {  	s6 =	simm.s32 $0x0;
	s3 =	rddreg [dreg:$0x12]  }
0x1d8: {  	[tilespmem:s26], [sflag:$0x1] =	stream.linear.gather [hbm4b:s3+s6], $0x10000, $0x38;
	[tilespmem:$0x1D400] =	vst v63  }
0x1d9: {  	_ =	swait.ge [sflag:s31], $0x10000  }
0x1da: {  	[sflag:s31] =	ssyncset.done $0x0  }
0x1db: {  	s7 =	simm.s32 $0x0;
	s16 =	rddreg [dreg:$0x6];
	[sflag:s31] =	ssyncadd.s32 $0xFFFF0000  }
.LBB2_12:
0x1dc: {  	s3 =	sshll.u32 s7, $0x9  }
0x1dd: {  	s4 =	sand.u32 $0x3FFFFE00, s3  }
0x1de: {  	s13 =	sand.u32 $0x180, s6;
	s9 =	sadd.s32 $0x18400, s4  }
0x1df: {  	s10 =	sand.u32 $0x70, s6;
	s4 =	sadd.s32 s13, s9  }
0x1e0: {  	s4 =	sadd.s32 s10, s4  }
0x1e1: {  	v2 =	vld [tilespmem:s4+$0x0];
	_ =	sdelay $0x4  }
0x1e2: {  	v3 =	vshll.u32 v2, $0x3  }
0x1e3: {  	v2 =	vand.u32 $0x7F, v2;
	v3 =	vand.u32 $0xFFFFFC00, v3  }
0x1e4: {  	v2 =	vor.u32 v2, v3;
	_ =	sdelay $0x4  }
0x1e5: {  	v3 =	vld.idx.msk [tilespmem:v2+s26+$0x0], $0xffff  }
0x1e6: {  	v4 =	vor.u32 $0x80, v2;
	_ =	sdelay $0x1  }
0x1e7: {  	s14 =	sand.u32 $0xC00, s6  }
0x1e8: {  	s4 =	sor.u32 s10, s14  }
0x1e9: {  	[tilespmem:s4+$0x1C400] =	vst v3  }
0x1ea: {  	v3 =	vld.idx.msk [tilespmem:v4+s26+$0x0], $0xffff  }
0x1eb: {  	v59 =	vor.u32 $0x100, v2;
	_ =	sdelay $0x2  }
0x1ec: {  	s10 =	sadd.s32 $0x1C400, s4  }
0x1ed: {  	[tilespmem:s10+$0x80] =	vst v3  }
0x1ee: {  	v3 =	vld.idx.msk [tilespmem:v59+s26+$0x0], $0xffff  }
0x1ef: {  	v60 =	vor.u32 $0x180, v2;
	_ =	sdelay $0x3  }
0x1f0: {  	[tilespmem:s10+$0x100] =	vst v3  }
0x1f1: {  	v3 =	vld.idx.msk [tilespmem:v60+s26+$0x0], $0xffff  }
0x1f2: {  	v61 =	vor.u32 $0x200, v2;
	_ =	sdelay $0x3  }
0x1f3: {  	[tilespmem:s10+$0x180] =	vst v3  }
0x1f4: {  	v3 =	vld.idx.msk [tilespmem:v61+s26+$0x0], $0xffff  }
0x1f5: {  	v62 =	vor.u32 $0x280, v2;
	_ =	sdelay $0x3  }
0x1f6: {  	[tilespmem:s10+$0x200] =	vst v3  }
0x1f7: {  	v3 =	vld.idx.msk [tilespmem:v62+s26+$0x0], $0xffff  }
0x1f8: {  	v63 =	vor.u32 $0x300, v2;
	_ =	sdelay $0x3  }
0x1f9: {  	[tilespmem:s10+$0x280] =	vst v3  }
0x1fa: {  	v3 =	vld.idx.msk [tilespmem:v63+s26+$0x0], $0xffff  }
0x1fb: {  	v2 =	vor.u32 $0x380, v2;
	_ =	sdelay $0x3  }
0x1fc: {  	[tilespmem:s10+$0x300] =	vst v3  }
0x1fd: {  	v2 =	vld.idx.msk [tilespmem:v2+s26+$0x0], $0xffff  }
0x1fe: {  	s11 =	sor.u32 s6, s6;
	s4 =	simm.s32 $0x10  }
0x1ff: {  	s13 =	simm.s32 $0x20;
	s14 =	sor.u32 $0x380, s11;
	s15 =	sand.u32 $0x180, s4  }
0x200: {  	s28 =	sand.u32 $0x70, s4;
	s12 =	sadd.s32 s15, s9;
	s10 =	simm.s32 $0x0  }
.LBB2_13:
0x201: {  	s15 =	sadd.s32 s28, s12  }
0x202: {  	[tilespmem:s14+$0x1C400] =	vst v2;
	s10 =	sadd.s32 $0x80, s10;
	s12 =	smov.u32 s13;
	s11 =	sadd.s32 $0x10, s13  }
0x203: {  	p0 =	sne.s32 s13, $0x1F0;
	v2 =	vld [tilespmem:s15+$0x0];
	_ =	sdelay $0x4  }
0x204: {  	v3 =	vshll.u32 v2, $0x3  }
0x205: {  	v2 =	vand.u32 $0x7F, v2;
	v3 =	vand.u32 $0xFFFFFC00, v3  }
0x206: {  	v2 =	vor.u32 v2, v3;
	_ =	sdelay $0x4  }
0x207: {  	v3 =	vld.idx.msk [tilespmem:v2+s26+$0x0], $0xffff;
	_ =	sdelay $0x1  }
0x208: {  	v4 =	vor.u32 $0x80, v2;
	_ =	sdelay $0x1  }
0x209: {  	s13 =	sand.u32 $0xC00, s10  }
0x20a: {  	s13 =	sor.u32 s28, s13  }
0x20b: {  	[tilespmem:s13+$0x1C400] =	vst v3  }
0x20c: {  	v3 =	vld.idx.msk [tilespmem:v4+s26+$0x0], $0xffff;
	_ =	sdelay $0x1  }
0x20d: {  	v4 =	vor.u32 $0x100, v2;
	_ =	sdelay $0x2  }
0x20e: {  	s13 =	sadd.s32 $0x1C400, s13  }
0x20f: {  	[tilespmem:s13+$0x80] =	vst v3  }
0x210: {  	v3 =	vld.idx.msk [tilespmem:v4+s26+$0x0], $0xffff;
	_ =	sdelay $0x1  }
0x211: {  	v4 =	vor.u32 $0x180, v2;
	_ =	sdelay $0x3  }
0x212: {  	[tilespmem:s13+$0x100] =	vst v3  }
0x213: {  	v3 =	vld.idx.msk [tilespmem:v4+s26+$0x0], $0xffff;
	_ =	sdelay $0x1  }
0x214: {  	v4 =	vor.u32 $0x200, v2;
	_ =	sdelay $0x3  }
0x215: {  	[tilespmem:s13+$0x180] =	vst v3  }
0x216: {  	v3 =	vld.idx.msk [tilespmem:v4+s26+$0x0], $0xffff;
	_ =	sdelay $0x1  }
0x217: {  	v4 =	vor.u32 $0x280, v2;
	_ =	sdelay $0x3  }
0x218: {  	[tilespmem:s13+$0x200] =	vst v3  }
0x219: {  	v3 =	vld.idx.msk [tilespmem:v4+s26+$0x0], $0xffff;
	_ =	sdelay $0x1  }
0x21a: {  	v4 =	vor.u32 $0x300, v2;
	_ =	sdelay $0x3  }
0x21b: {  	[tilespmem:s13+$0x280] =	vst v3  }
0x21c: {  	v3 =	vld.idx.msk [tilespmem:v4+s26+$0x0], $0xffff;
	_ =	sdelay $0x1  }
0x21d: {  	v2 =	vor.u32 $0x380, v2;
	_ =	sdelay $0x3  }
0x21e: {  	[tilespmem:s13+$0x300] =	vst v3  }
0x21f: {  	v2 =	vld.idx.msk [tilespmem:v2+s26+$0x0], $0xffff  }
.Ltmp5:
0x220: {  	(pc) =	sbr.rel @p0 .LBB2_13-.Ltmp5, $4  }
0x221: {  	_ = 	snop  }
0x222: {  	s14 =	sor.u32 s10, s4;
	s4 =	smov.u32 s12  }
0x223: {  	s28 =	sand.u32 $0x70, s4;
	s13 =	sand.u32 $0x180, s12  }
0x224: {  	s14 =	sor.u32 $0x380, s14;
	s12 =	sadd.s32 s13, s9;
	s13 =	smov.u32 s11  }
0x225: {  	[tilespmem:s14+$0x1C400] =	vst v2;
	s9 =	sadd.s32 s28, s12  }
0x226: {  	v2 =	vld [tilespmem:s9+$0x0];
	_ =	sdelay $0x4  }
0x227: {  	v3 =	vshll.u32 v2, $0x3  }
0x228: {  	v2 =	vand.u32 $0x7F, v2;
	v3 =	vand.u32 $0xFFFFFC00, v3  }
0x229: {  	v2 =	vor.u32 v2, v3;
	_ =	sdelay $0x4  }
0x22a: {  	v3 =	vld.idx.msk [tilespmem:v2+s26+$0x0], $0xffff  }
0x22b: {  	v4 =	vor.u32 $0x80, v2  }
0x22c: {  	s15 =	sadd.s32 $0x80, s10  }
0x22d: {  	s10 =	sand.u32 $0xC00, s15  }
0x22e: {  	s10 =	sor.u32 s28, s10  }
0x22f: {  	[tilespmem:s10+$0x1C400] =	vst v3  }
0x230: {  	v3 =	vld.idx.msk [tilespmem:v4+s26+$0x0], $0xffff  }
0x231: {  	v59 =	vor.u32 $0x100, v2;
	_ =	sdelay $0x2  }
0x232: {  	s10 =	sadd.s32 $0x1C400, s10  }
0x233: {  	[tilespmem:s10+$0x80] =	vst v3  }
0x234: {  	v3 =	vld.idx.msk [tilespmem:v59+s26+$0x0], $0xffff  }
0x235: {  	v60 =	vor.u32 $0x180, v2;
	_ =	sdelay $0x3  }
0x236: {  	[tilespmem:s10+$0x100] =	vst v3  }
0x237: {  	v3 =	vld.idx.msk [tilespmem:v60+s26+$0x0], $0xffff  }
0x238: {  	v61 =	vor.u32 $0x200, v2;
	_ =	sdelay $0x3  }
0x239: {  	[tilespmem:s10+$0x180] =	vst v3  }
0x23a: {  	v3 =	vld.idx.msk [tilespmem:v61+s26+$0x0], $0xffff  }
0x23b: {  	v62 =	vor.u32 $0x280, v2;
	_ =	sdelay $0x3  }
0x23c: {  	[tilespmem:s10+$0x200] =	vst v3  }
0x23d: {  	v3 =	vld.idx.msk [tilespmem:v62+s26+$0x0], $0xffff  }
0x23e: {  	v63 =	vor.u32 $0x300, v2;
	_ =	sdelay $0x3  }
0x23f: {  	[tilespmem:s10+$0x280] =	vst v3  }
0x240: {  	v3 =	vld.idx.msk [tilespmem:v63+s26+$0x0], $0xffff  }
0x241: {  	v2 =	vor.u32 $0x380, v2;
	_ =	sdelay $0x3  }
0x242: {  	[tilespmem:s10+$0x300] =	vst v3  }
0x243: {  	v2 =	vld.idx.msk [tilespmem:v2+s26+$0x0], $0xffff;
	_ =	sdelay $0x2  }
0x244: {  	s4 =	sor.u32 s15, s4  }
0x245: {  	s3 =	sadd.s32 s8, s3;
	s4 =	sor.u32 $0x380, s4  }
0x246: {  	s12 =	simm.s32 $0x1C400;
	s11 =	sadd.s32 s16, s3;
	[tilespmem:s4+$0x1C400] =	vst v2  }
0x247: {  	[hbm4b:s11+s2] =	stream.linear.scatter [tilespmem:s12], [sflag:$0x1], $0x80, $0x38;
	[tilespmem:$0x1D400] =	vst v63  }
0x248: {  	s14 =	simm.s32 $0x1C800;
	s13 =	sadd.s32 $0x80, s11  }
0x249: {  	[hbm4b:s13+s2] =	stream.linear.scatter [tilespmem:s14], [sflag:$0x1], $0x80, $0x38;
	[tilespmem:$0x1D400] =	vst v63  }
0x24a: {  	s15 =	sadd.s32 $0x100, s11;
	s28 =	simm.s32 $0x1CC00  }
0x24b: {  	[hbm4b:s15+s2] =	stream.linear.scatter [tilespmem:s28], [sflag:$0x1], $0x80, $0x38;
	[tilespmem:$0x1D400] =	vst v63  }
0x24c: {  	s10 =	simm.s32 $0x1D000;
	s4 =	sadd.s32 $0x180, s11  }
0x24d: {  	[hbm4b:s4+s2] =	stream.linear.scatter [tilespmem:s10], [sflag:$0x1], $0x80, $0x38;
	[tilespmem:$0x1D400] =	vst v63  }
0x24e: {  	_ =	swait.ge [sflag:s31], $0x200  }
0x24f: {  	[sflag:s31] =	ssyncset.done $0x0  }
0x250: {  	s11 =	sadd.s32 s3, s19;
	s12 =	simm.s32 $0x1C480;
	[sflag:s31] =	ssyncadd.s32 $0xFFFFFE00  }
0x251: {  	[hbm4b:s11+s2] =	stream.linear.scatter [tilespmem:s12], [sflag:$0x1], $0x80, $0x38;
	[tilespmem:$0x1D400] =	vst v63  }
0x252: {  	s13 =	sadd.s32 $0x80, s11;
	s14 =	simm.s32 $0x1C880  }
0x253: {  	[hbm4b:s13+s2] =	stream.linear.scatter [tilespmem:s14], [sflag:$0x1], $0x80, $0x38;
	[tilespmem:$0x1D400] =	vst v63  }
0x254: {  	s15 =	sadd.s32 $0x100, s11;
	s28 =	simm.s32 $0x1CC80  }
0x255: {  	[hbm4b:s15+s2] =	stream.linear.scatter [tilespmem:s28], [sflag:$0x1], $0x80, $0x38;
	[tilespmem:$0x1D400] =	vst v63  }
0x256: {  	s4 =	sadd.s32 $0x180, s11;
	s10 =	simm.s32 $0x1D080  }
0x257: {  	[hbm4b:s4+s2] =	stream.linear.scatter [tilespmem:s10], [sflag:$0x1], $0x80, $0x38;
	[tilespmem:$0x1D400] =	vst v63  }
0x258: {  	_ =	swait.ge [sflag:s31], $0x200  }
0x259: {  	[sflag:s31] =	ssyncset.done $0x0  }
0x25a: {  	s11 =	sadd.s32 s3, s20;
	s12 =	simm.s32 $0x1C500;
	[sflag:s31] =	ssyncadd.s32 $0xFFFFFE00  }
0x25b: {  	[hbm4b:s11+s2] =	stream.linear.scatter [tilespmem:s12], [sflag:$0x1], $0x80, $0x38;
	[tilespmem:$0x1D400] =	vst v63  }
0x25c: {  	s13 =	sadd.s32 $0x80, s11;
	s14 =	simm.s32 $0x1C900  }
0x25d: {  	[hbm4b:s13+s2] =	stream.linear.scatter [tilespmem:s14], [sflag:$0x1], $0x80, $0x38;
	[tilespmem:$0x1D400] =	vst v63  }
0x25e: {  	s15 =	sadd.s32 $0x100, s11;
	s28 =	simm.s32 $0x1CD00  }
0x25f: {  	[hbm4b:s15+s2] =	stream.linear.scatter [tilespmem:s28], [sflag:$0x1], $0x80, $0x38;
	[tilespmem:$0x1D400] =	vst v63  }
0x260: {  	s4 =	sadd.s32 $0x180, s11;
	s10 =	simm.s32 $0x1D100  }
0x261: {  	[hbm4b:s4+s2] =	stream.linear.scatter [tilespmem:s10], [sflag:$0x1], $0x80, $0x38;
	[tilespmem:$0x1D400] =	vst v63  }
0x262: {  	_ =	swait.ge [sflag:s31], $0x200  }
0x263: {  	[sflag:s31] =	ssyncset.done $0x0  }
0x264: {  	s11 =	sadd.s32 s3, s21;
	s12 =	simm.s32 $0x1C580;
	[sflag:s31] =	ssyncadd.s32 $0xFFFFFE00  }
0x265: {  	[hbm4b:s11+s2] =	stream.linear.scatter [tilespmem:s12], [sflag:$0x1], $0x80, $0x38;
	[tilespmem:$0x1D400] =	vst v63  }
0x266: {  	s13 =	sadd.s32 $0x80, s11;
	s14 =	simm.s32 $0x1C980  }
0x267: {  	[hbm4b:s13+s2] =	stream.linear.scatter [tilespmem:s14], [sflag:$0x1], $0x80, $0x38;
	[tilespmem:$0x1D400] =	vst v63  }
0x268: {  	s15 =	sadd.s32 $0x100, s11;
	s28 =	simm.s32 $0x1CD80  }
0x269: {  	[hbm4b:s15+s2] =	stream.linear.scatter [tilespmem:s28], [sflag:$0x1], $0x80, $0x38;
	[tilespmem:$0x1D400] =	vst v63  }
0x26a: {  	s4 =	sadd.s32 $0x180, s11;
	s10 =	simm.s32 $0x1D180  }
0x26b: {  	[hbm4b:s4+s2] =	stream.linear.scatter [tilespmem:s10], [sflag:$0x1], $0x80, $0x38;
	[tilespmem:$0x1D400] =	vst v63  }
0x26c: {  	_ =	swait.ge [sflag:s31], $0x200  }
0x26d: {  	[sflag:s31] =	ssyncset.done $0x0  }
0x26e: {  	s11 =	sadd.s32 s3, s22;
	s12 =	simm.s32 $0x1C600;
	[sflag:s31] =	ssyncadd.s32 $0xFFFFFE00  }
0x26f: {  	[hbm4b:s11+s2] =	stream.linear.scatter [tilespmem:s12], [sflag:$0x1], $0x80, $0x38;
	[tilespmem:$0x1D400] =	vst v63  }
0x270: {  	s13 =	sadd.s32 $0x80, s11;
	s14 =	simm.s32 $0x1CA00  }
0x271: {  	[hbm4b:s13+s2] =	stream.linear.scatter [tilespmem:s14], [sflag:$0x1], $0x80, $0x38;
	[tilespmem:$0x1D400] =	vst v63  }
0x272: {  	s15 =	sadd.s32 $0x100, s11;
	s28 =	simm.s32 $0x1CE00  }
0x273: {  	[hbm4b:s15+s2] =	stream.linear.scatter [tilespmem:s28], [sflag:$0x1], $0x80, $0x38;
	[tilespmem:$0x1D400] =	vst v63  }
0x274: {  	s4 =	sadd.s32 $0x180, s11;
	s10 =	simm.s32 $0x1D200  }
0x275: {  	[hbm4b:s4+s2] =	stream.linear.scatter [tilespmem:s10], [sflag:$0x1], $0x80, $0x38;
	[tilespmem:$0x1D400] =	vst v63  }
0x276: {  	_ =	swait.ge [sflag:s31], $0x200  }
0x277: {  	[sflag:s31] =	ssyncset.done $0x0  }
0x278: {  	s11 =	sadd.s32 s3, s23;
	s12 =	simm.s32 $0x1C680;
	[sflag:s31] =	ssyncadd.s32 $0xFFFFFE00  }
0x279: {  	[hbm4b:s11+s2] =	stream.linear.scatter [tilespmem:s12], [sflag:$0x1], $0x80, $0x38;
	[tilespmem:$0x1D400] =	vst v63  }
0x27a: {  	s13 =	sadd.s32 $0x80, s11;
	s14 =	simm.s32 $0x1CA80  }
0x27b: {  	[hbm4b:s13+s2] =	stream.linear.scatter [tilespmem:s14], [sflag:$0x1], $0x80, $0x38;
	[tilespmem:$0x1D400] =	vst v63  }
0x27c: {  	s15 =	sadd.s32 $0x100, s11;
	s28 =	simm.s32 $0x1CE80  }
0x27d: {  	[hbm4b:s15+s2] =	stream.linear.scatter [tilespmem:s28], [sflag:$0x1], $0x80, $0x38;
	[tilespmem:$0x1D400] =	vst v63  }
0x27e: {  	s4 =	sadd.s32 $0x180, s11;
	s10 =	simm.s32 $0x1D280  }
0x27f: {  	[hbm4b:s4+s2] =	stream.linear.scatter [tilespmem:s10], [sflag:$0x1], $0x80, $0x38;
	[tilespmem:$0x1D400] =	vst v63  }
0x280: {  	_ =	swait.ge [sflag:s31], $0x200  }
0x281: {  	[sflag:s31] =	ssyncset.done $0x0  }
0x282: {  	s11 =	sadd.s32 s3, s24;
	s12 =	simm.s32 $0x1C700;
	[sflag:s31] =	ssyncadd.s32 $0xFFFFFE00  }
0x283: {  	[hbm4b:s11+s2] =	stream.linear.scatter [tilespmem:s12], [sflag:$0x1], $0x80, $0x38;
	[tilespmem:$0x1D400] =	vst v63  }
0x284: {  	s13 =	sadd.s32 $0x80, s11;
	s14 =	simm.s32 $0x1CB00  }
0x285: {  	[hbm4b:s13+s2] =	stream.linear.scatter [tilespmem:s14], [sflag:$0x1], $0x80, $0x38;
	[tilespmem:$0x1D400] =	vst v63  }
0x286: {  	s15 =	sadd.s32 $0x100, s11;
	s28 =	simm.s32 $0x1CF00  }
0x287: {  	[hbm4b:s15+s2] =	stream.linear.scatter [tilespmem:s28], [sflag:$0x1], $0x80, $0x38;
	[tilespmem:$0x1D400] =	vst v63  }
0x288: {  	s4 =	sadd.s32 $0x180, s11;
	s10 =	simm.s32 $0x1D300  }
0x289: {  	[hbm4b:s4+s2] =	stream.linear.scatter [tilespmem:s10], [sflag:$0x1], $0x80, $0x38;
	[tilespmem:$0x1D400] =	vst v63  }
0x28a: {  	_ =	swait.ge [sflag:s31], $0x200  }
0x28b: {  	[sflag:s31] =	ssyncset.done $0x0  }
0x28c: {  	s3 =	sadd.s32 s3, s25;
	s11 =	simm.s32 $0x1C780;
	[sflag:s31] =	ssyncadd.s32 $0xFFFFFE00  }
0x28d: {  	[hbm4b:s3+s2] =	stream.linear.scatter [tilespmem:s11], [sflag:$0x1], $0x80, $0x38;
	[tilespmem:$0x1D400] =	vst v63  }
0x28e: {  	s7 =	sadd.s32 $0x1, s7;
	s12 =	sadd.s32 $0x80, s3;
	s13 =	simm.s32 $0x1CB80  }
0x28f: {  	[hbm4b:s12+s2] =	stream.linear.scatter [tilespmem:s13], [sflag:$0x1], $0x80, $0x38;
	[tilespmem:$0x1D400] =	vst v63  }
0x290: {  	p0 =	sne.s32 s7, $0x10;
	s14 =	sadd.s32 $0x100, s3;
	s15 =	simm.s32 $0x1CF80  }
0x291: {  	[hbm4b:s14+s2] =	stream.linear.scatter [tilespmem:s15], [sflag:$0x1], $0x80, $0x38;
	[tilespmem:$0x1D400] =	vst v63  }
.Ltmp6:
0x292: {  	s28 =	simm.s32 $0x1D380;
	s3 =	sadd.s32 $0x180, s3;
	(pc) =	sbr.rel @p0 .LBB2_12-.Ltmp6, $4  }
0x293: {  	[hbm4b:s3+s2] =	stream.linear.scatter [tilespmem:s28], [sflag:$0x1], $0x80, $0x38;
	[tilespmem:$0x1D400] =	vst v63  }
0x294: {  	_ =	swait.ge [sflag:s31], $0x200  }
0x295: {  	[sflag:s31] =	ssyncset.done $0x0  }
0x296: {  	[sflag:s31] =	ssyncadd.s32 $0xFFFFFE00  }
0x297: {  	s4 =	rddreg [dreg:$0x13]  }
0x298: {  	s3 =	rddreg [dreg:$0x11];
	s4 =	sadd.s32 $0x1, s4  }
0x299: {  	p0 =	sne.s32 s4, s3  }
.Ltmp7:
0x29a: {  	_ = 	snop;
	(pc) =	sbr.rel @p0 .LBB2_1-.Ltmp7, $1  }
0x29b: {  	_ =	sdelay $0x3  }
0x29c: {  	_ =	sfence.sel $0x180000  }
0x29d: {  	[bflag:$0x0] =	sbarrier.arrive $0xFFFF  }
0x29e: {  	_ =	strace $0x90000047  }
0x29f: {  	s0 =	stileid.u32;
	[bflag:$0x2] =	sbarrier.arrive $0xFFFF  }
0x2a0: {  	p0 =	sne.s32 s0, $0x0;
	s0 =	rddreg [dreg:$0x4]  }
0x2a1: {  	s0 =	sadd.s32 @!p0 $0x100000, s0  }
0x2a2: {  	[sflag:s0] =	ssyncadd.tile.s32 @!p0 $0x1;
	_ =	shalt  }
.Lfunc_end2:
_tile_overlayer_lowered:
.L_overlay_start_2:
0x2a3: {  	(tag) =	ssettag $0x2  }
0x2a4: {  	s0 =	rddreg [dreg:$0x0];
	s2 =	stileid.u32  }
0x2a5: {  	s1 =	rddreg [dreg:$0x1];
	p0 =	sne.s32 s2, $0x0  }
0x2a6: {  	s3 =	rddreg [dreg:$0x2];
	[bflag:$0x3] =	sbarrier.arrive $0xFFFF;
	s2 =	simm.s32 @!p0 $0x1C01  }
0x2a7: {  	[timem:s3], [sflag:s2] =	dma.local @!p0 [hbm:s0], s1  }
0x2a8: {  	s0 =	simm.s32 @!p0 $0x1  }
0x2a9: {  	_ =	swait.ge @!p0 [sflag:s0], s1  }
0x2aa: {  	s1 =	ssub.s32 @!p0 $0x0, s1;
	[sflag:s0] =	ssyncset.done @!p0 $0x0  }
0x2ab: {  	[sflag:s0] =	ssyncadd.s32 @!p0 s1  }
0x2ac: {  	[bflag:$0x3] =	sbarrier.arrive $0xFFFF  }
0x2ad: {  	_ =	shalt  }

</sc_bundles>
